<compile_context>
chip_gen: v7x
topology: tpu7x:2x2x1
jax: 0.10.2.dev20260603
libtpu: 0.0.44.dev20260713+nightly
codegen_flags: <defaults>
</compile_context>

<pallas_src>
import functools

import jax
import jax.numpy as jnp
from jax import lax
from jax.experimental import pallas as pl
from jax.experimental.pallas import tpu as pltpu
from jax.experimental.pallas import tpu_sc as plsc

NC = 2
NS = 16
NW = NC * NS
CH = 128
NG = 64


def _make_agg(n_pad, h, ncw, hbm_gather_frac4=0):
    mesh = plsc.VectorSubcoreMesh(
        core_axis_name="c", subcore_axis_name="s", num_cores=NC, num_subcores=NS
    )
    rpt = n_pad // NS

    @functools.partial(
        pl.kernel,
        out_type=jax.ShapeDtypeStruct((NC, n_pad, h), jnp.float32),
        mesh=mesh,
        scratch_types=[
            pltpu.VMEM((ncw, CH), jnp.int32),
            pltpu.VMEM((ncw, CH), jnp.int32),
            pltpu.VMEM((2, CH, h), jnp.float32),
            pltpu.VMEM_SHARED((n_pad, h), jnp.float32),
            pltpu.VMEM_SHARED((n_pad, h), jnp.float32),
        ] + [pltpu.SemaphoreType.DMA] * 4,
        compiler_params=pltpu.CompilerParams(use_tc_tiling_on_sc=False),
    )
    def agg(tab, srcp, dstp, zros, out, src_v, dst_v, rows_v, tab_sh, acc,
            g0, g1, s0, s1):
        c = lax.axis_index("c")
        s = lax.axis_index("s")
        w = s * NC + c
        gsem = (g0, g1)
        ssem = (s0, s1)
        pltpu.sync_copy(srcp.at[w], src_v)
        pltpu.sync_copy(dstp.at[w], dst_v)
        pltpu.sync_copy(tab.at[pl.ds(s * rpt, rpt)], tab_sh.at[pl.ds(s * rpt, rpt)])
        pltpu.sync_copy(zros.at[pl.ds(s * rpt, rpt)], acc.at[pl.ds(s * rpt, rpt)])
        plsc.subcore_barrier()

        def src_tab(t):
            return tab if t % 4 < hbm_gather_frac4 else tab_sh

        def gather(i, b, t):
            pltpu.async_copy(src_tab(t).at[src_v.at[i]], rows_v.at[b], gsem[b])

        def gather_wait(i, b, t):
            pltpu.make_async_copy(
                src_tab(t).at[src_v.at[i]], rows_v.at[b], gsem[b]
            ).wait()

        def scatter(i, b):
            pltpu.async_copy(rows_v.at[b], acc.at[dst_v.at[i]], ssem[b], add=True)

        def scatter_wait(i, b):
            pltpu.make_async_copy(rows_v.at[b], acc.at[dst_v.at[i]], ssem[b]).wait()

        for b in (0, 1):
            gather(b, b, b)

        def step(j, carry):
            i0 = 4 * j
            for half in (0, 2):
                for t in (half, half + 1):
                    b = t % 2
                    gather_wait(i0 + t, b, t)
                    scatter(i0 + t, b)
                for t in (half, half + 1):
                    b = t % 2
                    scatter_wait(i0 + t, b)

                    @pl.when(i0 + t + 2 < ncw)
                    def _():
                        gather(i0 + t + 2, b, t + 2)

            return carry

        lax.fori_loop(0, ncw // 4, step, 0)
        plsc.subcore_barrier()
        pltpu.sync_copy(
            acc.at[pl.ds(s * rpt, rpt)], out.at[c, pl.ds(s * rpt, rpt)]
        )

    return agg


def _make_deg(n_pad, ncw):
    mesh = plsc.VectorSubcoreMesh(
        core_axis_name="c", subcore_axis_name="s", num_cores=NC, num_subcores=NS
    )
    epw = ncw * CH

    @functools.partial(
        pl.kernel,
        out_type=jax.ShapeDtypeStruct((NW, n_pad), jnp.float32),
        mesh=mesh,
        scratch_types=[
            pltpu.VMEM((epw,), jnp.int32),
            pltpu.VMEM((n_pad,), jnp.float32),
        ],
        compiler_params=pltpu.CompilerParams(
            use_tc_tiling_on_sc=False, needs_layout_passes=False
        ),
    )
    def deg(dstp, zros, out, idx_v, hist_v):
        c = lax.axis_index("c")
        s = lax.axis_index("s")
        w = s * NC + c
        pltpu.sync_copy(dstp.at[w], idx_v)
        pltpu.sync_copy(zros, hist_v)
        ones = jnp.ones((16,), jnp.float32)

        def step(k, carry):
            for u in range(8):
                idx16 = idx_v[pl.ds((8 * k + u) * 16, 16)]
                plsc.addupdate_scatter(hist_v, [idx16], ones)
            return carry

        lax.fori_loop(0, epw // 128, step, 0)
        pltpu.sync_copy(hist_v, out.at[w])

    return deg


def _dot_bf16(a, b):
    return jnp.dot(a.astype(jnp.bfloat16), b.astype(jnp.bfloat16),
                   preferred_element_type=jnp.float32)


def _tc_first(x_ref, w_ref, degp_ref, y_ref, dis_ref, *, n, n_pad, h):
    deg = 1.0 + jnp.sum(degp_ref[...][:, 0:n], axis=0)[:, None]
    dis = 1.0 / jnp.sqrt(deg)
    xw = _dot_bf16(x_ref[...], w_ref[...])
    y_ref[0:n, :] = xw * dis
    y_ref[n:n_pad, :] = jnp.zeros((n_pad - n, h), jnp.float32)
    dis_ref[...] = dis


def _bn_relu(pre, g_ref, be_ref):
    m = jnp.mean(pre, axis=0, keepdims=True)
    v = jnp.mean((pre - m) ** 2, axis=0, keepdims=True)
    return jax.nn.relu(
        (pre - m) / jnp.sqrt(v + 1e-5) * g_ref[...] + be_ref[...]
    )


def _tc_mid(agg_ref, y_ref, dis_ref, b_ref, g_ref, be_ref, w_ref, out_ref,
            *, n, n_pad, h):
    dis = dis_ref[...]
    pre = dis * (agg_ref[0, 0:n, :] + agg_ref[1, 0:n, :] + y_ref[0:n, :]) + b_ref[...]
    hh = _bn_relu(pre, g_ref, be_ref)
    xw = _dot_bf16(hh, w_ref[...])
    out_ref[0:n, :] = xw * dis
    out_ref[n:n_pad, :] = jnp.zeros((n_pad - n, h), jnp.float32)


def _tc_last(agg_ref, y_ref, dis_ref, b_ref, g_ref, be_ref, batch_ref,
             wf1_ref, bf1_ref, wf2_ref, bf2_ref, out_ref, *, n):
    dis = dis_ref[...]
    pre = dis * (agg_ref[0, 0:n, :] + agg_ref[1, 0:n, :] + y_ref[0:n, :]) + b_ref[...]
    hh = _bn_relu(pre, g_ref, be_ref)
    gid = lax.broadcasted_iota(jnp.int32, (NG, n), 0)
    mask = (batch_ref[...] == gid).astype(jnp.float32)
    sums = jnp.dot(mask, hh, preferred_element_type=jnp.float32,
                   precision=lax.Precision.HIGHEST)
    cnt = jnp.sum(mask, axis=1, keepdims=True)
    pooled = sums / jnp.maximum(cnt, 1.0)
    t = jax.nn.relu(_dot_bf16(pooled, wf1_ref[...]) + bf1_ref[...])
    out_ref[...] = _dot_bf16(t, wf2_ref[...]) + bf2_ref[...]


def kernel(x, edge_index, batch, W1, b1, g1, be1, W2, b2, g2, be2,
           W3, b3, g3, be3, Wf1, bf1, Wf2, bf2):
    n, f_in = x.shape
    h = W1.shape[1]
    e = edge_index.shape[1]
    n_pad = ((n + 1 + NS * 8 - 1) // (NS * 8)) * (NS * 8)

    e_pad = ((e + 8 * NW * CH - 1) // (8 * NW * CH)) * (8 * NW * CH)
    ncw = e_pad // (NW * CH)
    pad = jnp.full((e_pad - e,), n, dtype=jnp.int32)
    srcp = jnp.concatenate([edge_index[0], pad])
    dstp = jnp.concatenate([edge_index[1], pad])
    srcp3 = srcp.reshape(NW, ncw, CH)
    dstp3 = dstp.reshape(NW, ncw, CH)
    zeros_n = jnp.zeros((n_pad, h), jnp.float32)

    agg_h = _make_agg(n_pad, h, ncw)

    degp = _make_deg(n_pad, ncw)(
        dstp.reshape(NW, ncw * CH), jnp.zeros((n_pad,), jnp.float32)
    )

    y1, dis = pl.pallas_call(
        functools.partial(_tc_first, n=n, n_pad=n_pad, h=h),
        out_shape=[
            jax.ShapeDtypeStruct((n_pad, h), jnp.float32),
            jax.ShapeDtypeStruct((n, 1), jnp.float32),
        ],
    )(x, W1, degp)

    mid = pl.pallas_call(
        functools.partial(_tc_mid, n=n, n_pad=n_pad, h=h),
        out_shape=jax.ShapeDtypeStruct((n_pad, h), jnp.float32),
    )

    a1 = agg_h(y1, srcp3, dstp3, zeros_n)
    y2 = mid(a1, y1, dis, b1.reshape(1, h), g1.reshape(1, h), be1.reshape(1, h), W2)
    a2 = agg_h(y2, srcp3, dstp3, zeros_n)
    y3 = mid(a2, y2, dis, b2.reshape(1, h), g2.reshape(1, h), be2.reshape(1, h), W3)
    a3 = agg_h(y3, srcp3, dstp3, zeros_n)

    out = pl.pallas_call(
        functools.partial(_tc_last, n=n),
        out_shape=jax.ShapeDtypeStruct((NG, 1), jnp.float32),
    )(a3, y3, dis, b3.reshape(1, h), g3.reshape(1, h), be3.reshape(1, h),
      batch.reshape(1, n), Wf1, bf1.reshape(1, -1), Wf2, bf2.reshape(1, 1))
    return out

# --- scband reference (transcript-rebuilt; emitter-appended) ---
"""Pipeline reference for scband-simple-molecule-gcn-24790551232515 (READ-ONLY COPY).

The authoritative reference and input builder live on the scoring server;
editing this copy changes nothing except your own understanding.
"""

import jax, jax.numpy as jnp
import numpy as np

N = 10000
E = 320000
F_IN = 128
H = 64
NG = 64

def setup_inputs(seed: int = 0):
    key = jax.random.key(seed)
    ks = jax.random.split(key, 12)
    inp = {}
    inp["x"] = jax.random.normal(ks[0], (N, F_IN), dtype=jnp.float32)
    inp["edge_index"] = jax.random.randint(ks[1], (2, E), 0, N, dtype=jnp.int32)
    inp["batch"] = jnp.sort(jax.random.randint(ks[2], (N,), 0, NG, dtype=jnp.int32))
    inp["W1"] = jax.random.normal(ks[3], (F_IN, H), dtype=jnp.float32) * (1.0 / np.sqrt(F_IN))
    inp["b1"] = jnp.zeros((H,), dtype=jnp.float32)
    inp["g1"] = jnp.ones((H,), dtype=jnp.float32)
    inp["be1"] = jnp.zeros((H,), dtype=jnp.float32)
    inp["W2"] = jax.random.normal(ks[4], (H, H), dtype=jnp.float32) * (1.0 / np.sqrt(H))
    inp["b2"] = jnp.zeros((H,), dtype=jnp.float32)
    inp["g2"] = jnp.ones((H,), dtype=jnp.float32)
    inp["be2"] = jnp.zeros((H,), dtype=jnp.float32)
    inp["W3"] = jax.random.normal(ks[5], (H, H), dtype=jnp.float32) * (1.0 / np.sqrt(H))
    inp["b3"] = jnp.zeros((H,), dtype=jnp.float32)
    inp["g3"] = jnp.ones((H,), dtype=jnp.float32)
    inp["be3"] = jnp.zeros((H,), dtype=jnp.float32)
    inp["Wf1"] = jax.random.normal(ks[6], (H, H // 2), dtype=jnp.float32) * (1.0 / np.sqrt(H))
    inp["bf1"] = jnp.zeros((H // 2,), dtype=jnp.float32)
    inp["Wf2"] = jax.random.normal(ks[7], (H // 2, 1), dtype=jnp.float32) * (1.0 / np.sqrt(H // 2))
    inp["bf2"] = jnp.zeros((1,), dtype=jnp.float32)
    return inp

def _gcn(x, src, dst, norm, W, b):
    xw = x @ W
    msg = xw[src] * norm[:, None]
    out = jnp.zeros((x.shape[0], W.shape[1]), dtype=x.dtype).at[dst].add(msg)
    return out + b

def _bn(x, g, b):
    m = jnp.mean(x, axis=0)
    v = jnp.var(x, axis=0)
    return (x - m) / jnp.sqrt(v + 1e-5) * g + b

def reference(x, edge_index, batch, W1, b1, g1, be1, W2, b2, g2, be2, W3, b3, g3, be3, Wf1, bf1, Wf2, bf2):
    n = x.shape[0]
    loop = jnp.arange(n, dtype=edge_index.dtype)
    src = jnp.concatenate([edge_index[0], loop])
    dst = jnp.concatenate([edge_index[1], loop])
    deg = jnp.zeros((n,), dtype=x.dtype).at[dst].add(1.0)
    dis = jnp.where(deg > 0, 1.0 / jnp.sqrt(deg), 0.0)
    norm = dis[src] * dis[dst]
    h = jax.nn.relu(_bn(_gcn(x, src, dst, norm, W1, b1), g1, be1))
    h = jax.nn.relu(_bn(_gcn(h, src, dst, norm, W2, b2), g2, be2))
    h = jax.nn.relu(_bn(_gcn(h, src, dst, norm, W3, b3), g3, be3))
    sums = jax.ops.segment_sum(h, batch, num_segments=NG)
    cnt = jax.ops.segment_sum(jnp.ones((n, 1), dtype=h.dtype), batch, num_segments=NG)
    pooled = sums / jnp.maximum(cnt, 1.0)
    out = jax.nn.relu(pooled @ Wf1 + bf1)
    out = out @ Wf2 + bf2
    return out

if __name__ == "__main__":
    import jax
    _d = setup_inputs()
    print(jax.jit(kernel)(*tuple(_d.values())))

</pallas_src>

<mosaic_0001>
#map = affine_map<(d0, d1) -> (0, 0)>
#map1 = affine_map<(d0, d1) -> (0, 0, 0)>
module attributes {stable_mosaic.version = 14 : i64} {
  func.func @agg(%arg0: i32, %arg1: i32, %arg2: memref<10112x64xf32, #tpu.memory_space<hbm>>, %arg3: memref<32x80x128xi32, #tpu.memory_space<hbm>>, %arg4: memref<32x80x128xi32, #tpu.memory_space<hbm>>, %arg5: memref<10112x64xf32, #tpu.memory_space<hbm>>, %arg6: memref<2x10112x64xf32, #tpu.memory_space<hbm>>, %arg7: memref<80x128xi32, #tpu.memory_space<vmem>>, %arg8: memref<80x128xi32, #tpu.memory_space<vmem>>, %arg9: memref<2x128x64xf32, #tpu.memory_space<vmem>>, %arg10: memref<10112x64xf32, #tpu.memory_space<vmem_shared>>, %arg11: memref<10112x64xf32, #tpu.memory_space<vmem_shared>>, %arg12: memref<!tpu.dma_semaphore, #tpu.memory_space<semaphore_mem>>, %arg13: memref<!tpu.dma_semaphore, #tpu.memory_space<semaphore_mem>>, %arg14: memref<!tpu.dma_semaphore, #tpu.memory_space<semaphore_mem>>, %arg15: memref<!tpu.dma_semaphore, #tpu.memory_space<semaphore_mem>>) attributes {dimension_semantics = [#tpu.dimension_semantics<core_parallel>, #tpu.dimension_semantics<subcore_parallel>], iteration_bounds = array<i64: 2, 16>, scalar_prefetch = 0 : i64, scratch_operands = 9 : i64, tpu.core_type = #tpu.core_type<sc_vector_subcore>, window_params = [{transform_indices = #map}, {transform_indices = #map1}, {transform_indices = #map1}, {transform_indices = #map}, {transform_indices = #map1}]} {
    %mul3A = arith.constant 2 : i32
    %mul3A_0 = arith.muli %arg1, %mul3A : i32
    %add3A = arith.addi %mul3A_0, %arg0 : i32
    "tpu.region"() ({
      %run_scoped3A = tpu.sem_alloc : memref<!tpu.dma_semaphore, #tpu.memory_space<semaphore_mem>>
      %dma_start3A_42 = arith.constant 0 : i32
      %dma_start3A_43 = arith.constant 0 : i32
      %dma_start3A_44 = tpu.memref_slice %arg3[%add3A, %dma_start3A_42, %dma_start3A_43] : memref<32x80x128xi32, #tpu.memory_space<hbm>> -> memref<1x80x128xi32, #tpu.memory_space<hbm>>
      %dma_start3A_45 = tpu.memref_squeeze %dma_start3A_44 : memref<1x80x128xi32, #tpu.memory_space<hbm>> -> memref<80x128xi32, #tpu.memory_space<hbm>>
      %dma_start3A_46 = arith.constant 0 : i32
      %dma_start3A_47 = arith.constant 0 : i32
      %dma_start3A_48 = tpu.memref_slice %arg3[%add3A, %dma_start3A_46, %dma_start3A_47] : memref<32x80x128xi32, #tpu.memory_space<hbm>> -> memref<1x80x128xi32, #tpu.memory_space<hbm>>
      %dma_start3A_49 = tpu.memref_squeeze %dma_start3A_48 : memref<1x80x128xi32, #tpu.memory_space<hbm>> -> memref<80x128xi32, #tpu.memory_space<hbm>>
      tpu.enqueue_dma source(%dma_start3A_49 : memref<80x128xi32, #tpu.memory_space<hbm>>) target(%arg7 : memref<80x128xi32, #tpu.memory_space<vmem>>) target_semaphore(%run_scoped3A : memref<!tpu.dma_semaphore, #tpu.memory_space<semaphore_mem>>)
      %dma_wait3A = arith.constant 0 : i32
      %dma_wait3A_50 = arith.constant 0 : i32
      %dma_wait3A_51 = tpu.memref_slice %arg3[%add3A, %dma_wait3A, %dma_wait3A_50] : memref<32x80x128xi32, #tpu.memory_space<hbm>> -> memref<1x80x128xi32, #tpu.memory_space<hbm>>
      %dma_wait3A_52 = tpu.memref_squeeze %dma_wait3A_51 : memref<1x80x128xi32, #tpu.memory_space<hbm>> -> memref<80x128xi32, #tpu.memory_space<hbm>>
      %dma_wait3A_53 = arith.constant 0 : i32
      %dma_wait3A_54 = arith.constant 0 : i32
      %dma_wait3A_55 = tpu.memref_slice %arg3[%add3A, %dma_wait3A_53, %dma_wait3A_54] : memref<32x80x128xi32, #tpu.memory_space<hbm>> -> memref<1x80x128xi32, #tpu.memory_space<hbm>>
      %dma_wait3A_56 = tpu.memref_squeeze %dma_wait3A_55 : memref<1x80x128xi32, #tpu.memory_space<hbm>> -> memref<80x128xi32, #tpu.memory_space<hbm>>
      tpu.wait_dma2 semaphore(%run_scoped3A : memref<!tpu.dma_semaphore, #tpu.memory_space<semaphore_mem>>) src(%dma_wait3A_56 : memref<80x128xi32, #tpu.memory_space<hbm>>) dst(%arg7 : memref<80x128xi32, #tpu.memory_space<vmem>>)
      tpu.yield
    }) : () -> ()
    "tpu.region"() ({
      %run_scoped3A = tpu.sem_alloc : memref<!tpu.dma_semaphore, #tpu.memory_space<semaphore_mem>>
      %dma_start3A_42 = arith.constant 0 : i32
      %dma_start3A_43 = arith.constant 0 : i32
      %dma_start3A_44 = tpu.memref_slice %arg4[%add3A, %dma_start3A_42, %dma_start3A_43] : memref<32x80x128xi32, #tpu.memory_space<hbm>> -> memref<1x80x128xi32, #tpu.memory_space<hbm>>
      %dma_start3A_45 = tpu.memref_squeeze %dma_start3A_44 : memref<1x80x128xi32, #tpu.memory_space<hbm>> -> memref<80x128xi32, #tpu.memory_space<hbm>>
      %dma_start3A_46 = arith.constant 0 : i32
      %dma_start3A_47 = arith.constant 0 : i32
      %dma_start3A_48 = tpu.memref_slice %arg4[%add3A, %dma_start3A_46, %dma_start3A_47] : memref<32x80x128xi32, #tpu.memory_space<hbm>> -> memref<1x80x128xi32, #tpu.memory_space<hbm>>
      %dma_start3A_49 = tpu.memref_squeeze %dma_start3A_48 : memref<1x80x128xi32, #tpu.memory_space<hbm>> -> memref<80x128xi32, #tpu.memory_space<hbm>>
      tpu.enqueue_dma source(%dma_start3A_49 : memref<80x128xi32, #tpu.memory_space<hbm>>) target(%arg8 : memref<80x128xi32, #tpu.memory_space<vmem>>) target_semaphore(%run_scoped3A : memref<!tpu.dma_semaphore, #tpu.memory_space<semaphore_mem>>)
      %dma_wait3A = arith.constant 0 : i32
      %dma_wait3A_50 = arith.constant 0 : i32
      %dma_wait3A_51 = tpu.memref_slice %arg4[%add3A, %dma_wait3A, %dma_wait3A_50] : memref<32x80x128xi32, #tpu.memory_space<hbm>> -> memref<1x80x128xi32, #tpu.memory_space<hbm>>
      %dma_wait3A_52 = tpu.memref_squeeze %dma_wait3A_51 : memref<1x80x128xi32, #tpu.memory_space<hbm>> -> memref<80x128xi32, #tpu.memory_space<hbm>>
      %dma_wait3A_53 = arith.constant 0 : i32
      %dma_wait3A_54 = arith.constant 0 : i32
      %dma_wait3A_55 = tpu.memref_slice %arg4[%add3A, %dma_wait3A_53, %dma_wait3A_54] : memref<32x80x128xi32, #tpu.memory_space<hbm>> -> memref<1x80x128xi32, #tpu.memory_space<hbm>>
      %dma_wait3A_56 = tpu.memref_squeeze %dma_wait3A_55 : memref<1x80x128xi32, #tpu.memory_space<hbm>> -> memref<80x128xi32, #tpu.memory_space<hbm>>
      tpu.wait_dma2 semaphore(%run_scoped3A : memref<!tpu.dma_semaphore, #tpu.memory_space<semaphore_mem>>) src(%dma_wait3A_56 : memref<80x128xi32, #tpu.memory_space<hbm>>) dst(%arg8 : memref<80x128xi32, #tpu.memory_space<vmem>>)
      tpu.yield
    }) : () -> ()
    %mul3A_1 = arith.constant 632 : i32
    %mul3A_2 = arith.muli %arg1, %mul3A_1 : i32
    %mul3A_3 = arith.constant 632 : i32
    %mul3A_4 = arith.muli %arg1, %mul3A_3 : i32
    "tpu.region"() ({
      %run_scoped3A = tpu.sem_alloc : memref<!tpu.dma_semaphore, #tpu.memory_space<semaphore_mem>>
      %dma_start3A_42 = arith.constant 0 : i32
      %dma_start3A_43 = tpu.memref_slice %arg10[%mul3A_4, %dma_start3A_42] : memref<10112x64xf32, #tpu.memory_space<vmem_shared>> -> memref<632x64xf32, #tpu.memory_space<vmem_shared>>
      %dma_start3A_44 = arith.constant 0 : i32
      %dma_start3A_45 = tpu.memref_slice %arg2[%mul3A_2, %dma_start3A_44] : memref<10112x64xf32, #tpu.memory_space<hbm>> -> memref<632x64xf32, #tpu.memory_space<hbm>>
      tpu.enqueue_dma source(%dma_start3A_45 : memref<632x64xf32, #tpu.memory_space<hbm>>) target(%dma_start3A_43 : memref<632x64xf32, #tpu.memory_space<vmem_shared>>) target_semaphore(%run_scoped3A : memref<!tpu.dma_semaphore, #tpu.memory_space<semaphore_mem>>)
      %dma_wait3A = arith.constant 0 : i32
      %dma_wait3A_46 = tpu.memref_slice %arg10[%mul3A_4, %dma_wait3A] : memref<10112x64xf32, #tpu.memory_space<vmem_shared>> -> memref<632x64xf32, #tpu.memory_space<vmem_shared>>
      %dma_wait3A_47 = arith.constant 0 : i32
      %dma_wait3A_48 = tpu.memref_slice %arg2[%mul3A_2, %dma_wait3A_47] : memref<10112x64xf32, #tpu.memory_space<hbm>> -> memref<632x64xf32, #tpu.memory_space<hbm>>
      tpu.wait_dma2 semaphore(%run_scoped3A : memref<!tpu.dma_semaphore, #tpu.memory_space<semaphore_mem>>) src(%dma_wait3A_48 : memref<632x64xf32, #tpu.memory_space<hbm>>) dst(%dma_wait3A_46 : memref<632x64xf32, #tpu.memory_space<vmem_shared>>)
      tpu.yield
    }) : () -> ()
    %mul3A_5 = arith.constant 632 : i32
    %mul3A_6 = arith.muli %arg1, %mul3A_5 : i32
    %mul3A_7 = arith.constant 632 : i32
    %mul3A_8 = arith.muli %arg1, %mul3A_7 : i32
    "tpu.region"() ({
      %run_scoped3A = tpu.sem_alloc : memref<!tpu.dma_semaphore, #tpu.memory_space<semaphore_mem>>
      %dma_start3A_42 = arith.constant 0 : i32
      %dma_start3A_43 = tpu.memref_slice %arg11[%mul3A_8, %dma_start3A_42] : memref<10112x64xf32, #tpu.memory_space<vmem_shared>> -> memref<632x64xf32, #tpu.memory_space<vmem_shared>>
      %dma_start3A_44 = arith.constant 0 : i32
      %dma_start3A_45 = tpu.memref_slice %arg5[%mul3A_6, %dma_start3A_44] : memref<10112x64xf32, #tpu.memory_space<hbm>> -> memref<632x64xf32, #tpu.memory_space<hbm>>
      tpu.enqueue_dma source(%dma_start3A_45 : memref<632x64xf32, #tpu.memory_space<hbm>>) target(%dma_start3A_43 : memref<632x64xf32, #tpu.memory_space<vmem_shared>>) target_semaphore(%run_scoped3A : memref<!tpu.dma_semaphore, #tpu.memory_space<semaphore_mem>>)
      %dma_wait3A = arith.constant 0 : i32
      %dma_wait3A_46 = tpu.memref_slice %arg11[%mul3A_8, %dma_wait3A] : memref<10112x64xf32, #tpu.memory_space<vmem_shared>> -> memref<632x64xf32, #tpu.memory_space<vmem_shared>>
      %dma_wait3A_47 = arith.constant 0 : i32
      %dma_wait3A_48 = tpu.memref_slice %arg5[%mul3A_6, %dma_wait3A_47] : memref<10112x64xf32, #tpu.memory_space<hbm>> -> memref<632x64xf32, #tpu.memory_space<hbm>>
      tpu.wait_dma2 semaphore(%run_scoped3A : memref<!tpu.dma_semaphore, #tpu.memory_space<semaphore_mem>>) src(%dma_wait3A_48 : memref<632x64xf32, #tpu.memory_space<hbm>>) dst(%dma_wait3A_46 : memref<632x64xf32, #tpu.memory_space<vmem_shared>>)
      tpu.yield
    }) : () -> ()
    %barrier3A = arith.constant 0 : index
    tpu.barrier barrier_id(%barrier3A)
    %dma_start3A = arith.constant 0 : i32
    %dma_start3A_9 = arith.constant 0 : i32
    %dma_start3A_10 = arith.constant 0 : i32
    %dma_start3A_11 = arith.constant 0 : i32
    %dma_start3A_12 = tpu.memref_slice %arg9[%dma_start3A_9, %dma_start3A_10, %dma_start3A_11] : memref<2x128x64xf32, #tpu.memory_space<vmem>> -> memref<1x128x64xf32, #tpu.memory_space<vmem>>
    %dma_start3A_13 = tpu.memref_squeeze %dma_start3A_12 : memref<1x128x64xf32, #tpu.memory_space<vmem>> -> memref<128x64xf32, #tpu.memory_space<vmem>>
    %dma_start3A_14 = arith.constant 0 : i32
    %dma_start3A_15 = tpu.memref_slice %arg7[%dma_start3A, %dma_start3A_14] : memref<80x128xi32, #tpu.memory_space<vmem>> -> memref<1x128xi32, #tpu.memory_space<vmem>>
    %dma_start3A_16 = tpu.memref_squeeze %dma_start3A_15 : memref<1x128xi32, #tpu.memory_space<vmem>> -> memref<128xi32, #tpu.memory_space<vmem>>
    %dma_start3A_17 = arith.constant 0 : i32
    %dma_start3A_18 = arith.constant 0 : i32
    %dma_start3A_19 = tpu.memref_slice %arg10[%dma_start3A_17, %dma_start3A_18] : memref<10112x64xf32, #tpu.memory_space<vmem_shared>> -> memref<10112x64xf32, #tpu.memory_space<vmem_shared>>
    tpu.enqueue_indirect_dma source(%dma_start3A_19 : memref<10112x64xf32, #tpu.memory_space<vmem_shared>>) target(%dma_start3A_13 : memref<128x64xf32, #tpu.memory_space<vmem>>) offsets(%dma_start3A_16 : memref<128xi32, #tpu.memory_space<vmem>>) semaphore(%arg12 : memref<!tpu.dma_semaphore, #tpu.memory_space<semaphore_mem>>)
    %dma_start3A_20 = arith.constant 1 : i32
    %dma_start3A_21 = arith.constant 1 : i32
    %dma_start3A_22 = arith.constant 0 : i32
    %dma_start3A_23 = arith.constant 0 : i32
    %dma_start3A_24 = tpu.memref_slice %arg9[%dma_start3A_21, %dma_start3A_22, %dma_start3A_23] : memref<2x128x64xf32, #tpu.memory_space<vmem>> -> memref<1x128x64xf32, #tpu.memory_space<vmem>>
    %dma_start3A_25 = tpu.memref_squeeze %dma_start3A_24 : memref<1x128x64xf32, #tpu.memory_space<vmem>> -> memref<128x64xf32, #tpu.memory_space<vmem>>
    %dma_start3A_26 = arith.constant 0 : i32
    %dma_start3A_27 = tpu.memref_slice %arg7[%dma_start3A_20, %dma_start3A_26] : memref<80x128xi32, #tpu.memory_space<vmem>> -> memref<1x128xi32, #tpu.memory_space<vmem>>
    %dma_start3A_28 = tpu.memref_squeeze %dma_start3A_27 : memref<1x128xi32, #tpu.memory_space<vmem>> -> memref<128xi32, #tpu.memory_space<vmem>>
    %dma_start3A_29 = arith.constant 0 : i32
    %dma_start3A_30 = arith.constant 0 : i32
    %dma_start3A_31 = tpu.memref_slice %arg10[%dma_start3A_29, %dma_start3A_30] : memref<10112x64xf32, #tpu.memory_space<vmem_shared>> -> memref<10112x64xf32, #tpu.memory_space<vmem_shared>>
    tpu.enqueue_indirect_dma source(%dma_start3A_31 : memref<10112x64xf32, #tpu.memory_space<vmem_shared>>) target(%dma_start3A_25 : memref<128x64xf32, #tpu.memory_space<vmem>>) offsets(%dma_start3A_28 : memref<128xi32, #tpu.memory_space<vmem>>) semaphore(%arg13 : memref<!tpu.dma_semaphore, #tpu.memory_space<semaphore_mem>>)
    %scan3A = arith.constant 0 : i32
    %scan3A_32 = arith.constant 0 : i32
    %scan3A_33 = arith.constant 20 : i32
    %scan3A_34 = arith.addi %scan3A_32, %scan3A_33 : i32
    %scan3A_35 = arith.constant 1 : i32
    scf.for %scan3A_42 = %scan3A_32 to %scan3A_34 step %scan3A_35  : i32 {
      %mul3A_43 = arith.constant 4 : i32
      %mul3A_44 = arith.muli %mul3A_43, %scan3A_42 : i32
      %add3A_45 = arith.constant 0 : i32
      %add3A_46 = arith.addi %mul3A_44, %add3A_45 : i32
      %dma_wait3A = arith.constant 0 : i32
      %dma_wait3A_47 = arith.constant 0 : i32
      %dma_wait3A_48 = arith.constant 0 : i32
      %dma_wait3A_49 = tpu.memref_slice %arg9[%dma_wait3A, %dma_wait3A_47, %dma_wait3A_48] : memref<2x128x64xf32, #tpu.memory_space<vmem>> -> memref<1x128x64xf32, #tpu.memory_space<vmem>>
      %dma_wait3A_50 = tpu.memref_squeeze %dma_wait3A_49 : memref<1x128x64xf32, #tpu.memory_space<vmem>> -> memref<128x64xf32, #tpu.memory_space<vmem>>
      %dma_wait3A_51 = arith.constant 0 : i32
      %dma_wait3A_52 = tpu.memref_slice %arg7[%add3A_46, %dma_wait3A_51] : memref<80x128xi32, #tpu.memory_space<vmem>> -> memref<1x128xi32, #tpu.memory_space<vmem>>
      %dma_wait3A_53 = tpu.memref_squeeze %dma_wait3A_52 : memref<1x128xi32, #tpu.memory_space<vmem>> -> memref<128xi32, #tpu.memory_space<vmem>>
      %dma_wait3A_54 = arith.constant 0 : i32
      %dma_wait3A_55 = arith.constant 0 : i32
      %dma_wait3A_56 = tpu.memref_slice %arg10[%dma_wait3A_54, %dma_wait3A_55] : memref<10112x64xf32, #tpu.memory_space<vmem_shared>> -> memref<10112x64xf32, #tpu.memory_space<vmem_shared>>
      tpu.wait_indirect_dma semaphore(%arg12 : memref<!tpu.dma_semaphore, #tpu.memory_space<semaphore_mem>>) src(%dma_wait3A_56 : memref<10112x64xf32, #tpu.memory_space<vmem_shared>>) dst(%dma_wait3A_50 : memref<128x64xf32, #tpu.memory_space<vmem>>)
      %add3A_57 = arith.constant 0 : i32
      %add3A_58 = arith.addi %mul3A_44, %add3A_57 : i32
      %dma_start3A_59 = arith.constant 0 : i32
      %dma_start3A_60 = arith.constant 0 : i32
      %dma_start3A_61 = arith.constant 0 : i32
      %dma_start3A_62 = tpu.memref_slice %arg9[%dma_start3A_59, %dma_start3A_60, %dma_start3A_61] : memref<2x128x64xf32, #tpu.memory_space<vmem>> -> memref<1x128x64xf32, #tpu.memory_space<vmem>>
      %dma_start3A_63 = tpu.memref_squeeze %dma_start3A_62 : memref<1x128x64xf32, #tpu.memory_space<vmem>> -> memref<128x64xf32, #tpu.memory_space<vmem>>
      %dma_start3A_64 = arith.constant 0 : i32
      %dma_start3A_65 = tpu.memref_slice %arg8[%add3A_58, %dma_start3A_64] : memref<80x128xi32, #tpu.memory_space<vmem>> -> memref<1x128xi32, #tpu.memory_space<vmem>>
      %dma_start3A_66 = tpu.memref_squeeze %dma_start3A_65 : memref<1x128xi32, #tpu.memory_space<vmem>> -> memref<128xi32, #tpu.memory_space<vmem>>
      %dma_start3A_67 = arith.constant 0 : i32
      %dma_start3A_68 = arith.constant 0 : i32
      %dma_start3A_69 = tpu.memref_slice %arg11[%dma_start3A_67, %dma_start3A_68] : memref<10112x64xf32, #tpu.memory_space<vmem_shared>> -> memref<10112x64xf32, #tpu.memory_space<vmem_shared>>
      tpu.enqueue_indirect_dma source(%dma_start3A_63 : memref<128x64xf32, #tpu.memory_space<vmem>>) target(%dma_start3A_69 : memref<10112x64xf32, #tpu.memory_space<vmem_shared>>) offsets(%dma_start3A_66 : memref<128xi32, #tpu.memory_space<vmem>>) semaphore(%arg14 : memref<!tpu.dma_semaphore, #tpu.memory_space<semaphore_mem>>) {add = true}
      %add3A_70 = arith.constant 1 : i32
      %add3A_71 = arith.addi %mul3A_44, %add3A_70 : i32
      %dma_wait3A_72 = arith.constant 1 : i32
      %dma_wait3A_73 = arith.constant 0 : i32
      %dma_wait3A_74 = arith.constant 0 : i32
      %dma_wait3A_75 = tpu.memref_slice %arg9[%dma_wait3A_72, %dma_wait3A_73, %dma_wait3A_74] : memref<2x128x64xf32, #tpu.memory_space<vmem>> -> memref<1x128x64xf32, #tpu.memory_space<vmem>>
      %dma_wait3A_76 = tpu.memref_squeeze %dma_wait3A_75 : memref<1x128x64xf32, #tpu.memory_space<vmem>> -> memref<128x64xf32, #tpu.memory_space<vmem>>
      %dma_wait3A_77 = arith.constant 0 : i32
      %dma_wait3A_78 = tpu.memref_slice %arg7[%add3A_71, %dma_wait3A_77] : memref<80x128xi32, #tpu.memory_space<vmem>> -> memref<1x128xi32, #tpu.memory_space<vmem>>
      %dma_wait3A_79 = tpu.memref_squeeze %dma_wait3A_78 : memref<1x128xi32, #tpu.memory_space<vmem>> -> memref<128xi32, #tpu.memory_space<vmem>>
      %dma_wait3A_80 = arith.constant 0 : i32
      %dma_wait3A_81 = arith.constant 0 : i32
      %dma_wait3A_82 = tpu.memref_slice %arg10[%dma_wait3A_80, %dma_wait3A_81] : memref<10112x64xf32, #tpu.memory_space<vmem_shared>> -> memref<10112x64xf32, #tpu.memory_space<vmem_shared>>
      tpu.wait_indirect_dma semaphore(%arg13 : memref<!tpu.dma_semaphore, #tpu.memory_space<semaphore_mem>>) src(%dma_wait3A_82 : memref<10112x64xf32, #tpu.memory_space<vmem_shared>>) dst(%dma_wait3A_76 : memref<128x64xf32, #tpu.memory_space<vmem>>)
      %add3A_83 = arith.constant 1 : i32
      %add3A_84 = arith.addi %mul3A_44, %add3A_83 : i32
      %dma_start3A_85 = arith.constant 1 : i32
      %dma_start3A_86 = arith.constant 0 : i32
      %dma_start3A_87 = arith.constant 0 : i32
      %dma_start3A_88 = tpu.memref_slice %arg9[%dma_start3A_85, %dma_start3A_86, %dma_start3A_87] : memref<2x128x64xf32, #tpu.memory_space<vmem>> -> memref<1x128x64xf32, #tpu.memory_space<vmem>>
      %dma_start3A_89 = tpu.memref_squeeze %dma_start3A_88 : memref<1x128x64xf32, #tpu.memory_space<vmem>> -> memref<128x64xf32, #tpu.memory_space<vmem>>
      %dma_start3A_90 = arith.constant 0 : i32
      %dma_start3A_91 = tpu.memref_slice %arg8[%add3A_84, %dma_start3A_90] : memref<80x128xi32, #tpu.memory_space<vmem>> -> memref<1x128xi32, #tpu.memory_space<vmem>>
      %dma_start3A_92 = tpu.memref_squeeze %dma_start3A_91 : memref<1x128xi32, #tpu.memory_space<vmem>> -> memref<128xi32, #tpu.memory_space<vmem>>
      %dma_start3A_93 = arith.constant 0 : i32
      %dma_start3A_94 = arith.constant 0 : i32
      %dma_start3A_95 = tpu.memref_slice %arg11[%dma_start3A_93, %dma_start3A_94] : memref<10112x64xf32, #tpu.memory_space<vmem_shared>> -> memref<10112x64xf32, #tpu.memory_space<vmem_shared>>
      tpu.enqueue_indirect_dma source(%dma_start3A_89 : memref<128x64xf32, #tpu.memory_space<vmem>>) target(%dma_start3A_95 : memref<10112x64xf32, #tpu.memory_space<vmem_shared>>) offsets(%dma_start3A_92 : memref<128xi32, #tpu.memory_space<vmem>>) semaphore(%arg15 : memref<!tpu.dma_semaphore, #tpu.memory_space<semaphore_mem>>) {add = true}
      %add3A_96 = arith.constant 0 : i32
      %add3A_97 = arith.addi %mul3A_44, %add3A_96 : i32
      %dma_wait3A_98 = arith.constant 0 : i32
      %dma_wait3A_99 = arith.constant 0 : i32
      %dma_wait3A_100 = arith.constant 0 : i32
      %dma_wait3A_101 = tpu.memref_slice %arg9[%dma_wait3A_98, %dma_wait3A_99, %dma_wait3A_100] : memref<2x128x64xf32, #tpu.memory_space<vmem>> -> memref<1x128x64xf32, #tpu.memory_space<vmem>>
      %dma_wait3A_102 = tpu.memref_squeeze %dma_wait3A_101 : memref<1x128x64xf32, #tpu.memory_space<vmem>> -> memref<128x64xf32, #tpu.memory_space<vmem>>
      %dma_wait3A_103 = arith.constant 0 : i32
      %dma_wait3A_104 = tpu.memref_slice %arg8[%add3A_97, %dma_wait3A_103] : memref<80x128xi32, #tpu.memory_space<vmem>> -> memref<1x128xi32, #tpu.memory_space<vmem>>
      %dma_wait3A_105 = tpu.memref_squeeze %dma_wait3A_104 : memref<1x128xi32, #tpu.memory_space<vmem>> -> memref<128xi32, #tpu.memory_space<vmem>>
      %dma_wait3A_106 = arith.constant 0 : i32
      %dma_wait3A_107 = arith.constant 0 : i32
      %dma_wait3A_108 = tpu.memref_slice %arg11[%dma_wait3A_106, %dma_wait3A_107] : memref<10112x64xf32, #tpu.memory_space<vmem_shared>> -> memref<10112x64xf32, #tpu.memory_space<vmem_shared>>
      tpu.wait_indirect_dma semaphore(%arg14 : memref<!tpu.dma_semaphore, #tpu.memory_space<semaphore_mem>>) src(%dma_wait3A_102 : memref<128x64xf32, #tpu.memory_space<vmem>>) dst(%dma_wait3A_108 : memref<10112x64xf32, #tpu.memory_space<vmem_shared>>)
      %add3A_109 = arith.constant 0 : i32
      %add3A_110 = arith.addi %mul3A_44, %add3A_109 : i32
      %add3A_111 = arith.constant 2 : i32
      %add3A_112 = arith.addi %add3A_110, %add3A_111 : i32
      %lt3A = arith.constant 80 : i32
      %lt3A_113 = arith.cmpi slt, %add3A_112, %lt3A : i32
      %convert_element_type3A = arith.extui %lt3A_113 : i1 to i32
      %cond3A = arith.constant 0 : i32
      %cond3A_114 = arith.cmpi ne, %convert_element_type3A, %cond3A : i32
      scf.if %cond3A_114 {
        %add3A_233 = arith.constant 0 : i32
        %add3A_234 = arith.addi %mul3A_44, %add3A_233 : i32
        %add3A_235 = arith.constant 2 : i32
        %add3A_236 = arith.addi %add3A_234, %add3A_235 : i32
        %dma_start3A_237 = arith.constant 0 : i32
        %dma_start3A_238 = arith.constant 0 : i32
        %dma_start3A_239 = arith.constant 0 : i32
        %dma_start3A_240 = tpu.memref_slice %arg9[%dma_start3A_237, %dma_start3A_238, %dma_start3A_239] : memref<2x128x64xf32, #tpu.memory_space<vmem>> -> memref<1x128x64xf32, #tpu.memory_space<vmem>>
        %dma_start3A_241 = tpu.memref_squeeze %dma_start3A_240 : memref<1x128x64xf32, #tpu.memory_space<vmem>> -> memref<128x64xf32, #tpu.memory_space<vmem>>
        %dma_start3A_242 = arith.constant 0 : i32
        %dma_start3A_243 = tpu.memref_slice %arg7[%add3A_236, %dma_start3A_242] : memref<80x128xi32, #tpu.memory_space<vmem>> -> memref<1x128xi32, #tpu.memory_space<vmem>>
        %dma_start3A_244 = tpu.memref_squeeze %dma_start3A_243 : memref<1x128xi32, #tpu.memory_space<vmem>> -> memref<128xi32, #tpu.memory_space<vmem>>
        %dma_start3A_245 = arith.constant 0 : i32
        %dma_start3A_246 = arith.constant 0 : i32
        %dma_start3A_247 = tpu.memref_slice %arg10[%dma_start3A_245, %dma_start3A_246] : memref<10112x64xf32, #tpu.memory_space<vmem_shared>> -> memref<10112x64xf32, #tpu.memory_space<vmem_shared>>
        tpu.enqueue_indirect_dma source(%dma_start3A_247 : memref<10112x64xf32, #tpu.memory_space<vmem_shared>>) target(%dma_start3A_241 : memref<128x64xf32, #tpu.memory_space<vmem>>) offsets(%dma_start3A_244 : memref<128xi32, #tpu.memory_space<vmem>>) semaphore(%arg12 : memref<!tpu.dma_semaphore, #tpu.memory_space<semaphore_mem>>)
      } else {
      }
      %add3A_115 = arith.constant 1 : i32
      %add3A_116 = arith.addi %mul3A_44, %add3A_115 : i32
      %dma_wait3A_117 = arith.constant 1 : i32
      %dma_wait3A_118 = arith.constant 0 : i32
      %dma_wait3A_119 = arith.constant 0 : i32
      %dma_wait3A_120 = tpu.memref_slice %arg9[%dma_wait3A_117, %dma_wait3A_118, %dma_wait3A_119] : memref<2x128x64xf32, #tpu.memory_space<vmem>> -> memref<1x128x64xf32, #tpu.memory_space<vmem>>
      %dma_wait3A_121 = tpu.memref_squeeze %dma_wait3A_120 : memref<1x128x64xf32, #tpu.memory_space<vmem>> -> memref<128x64xf32, #tpu.memory_space<vmem>>
      %dma_wait3A_122 = arith.constant 0 : i32
      %dma_wait3A_123 = tpu.memref_slice %arg8[%add3A_116, %dma_wait3A_122] : memref<80x128xi32, #tpu.memory_space<vmem>> -> memref<1x128xi32, #tpu.memory_space<vmem>>
      %dma_wait3A_124 = tpu.memref_squeeze %dma_wait3A_123 : memref<1x128xi32, #tpu.memory_space<vmem>> -> memref<128xi32, #tpu.memory_space<vmem>>
      %dma_wait3A_125 = arith.constant 0 : i32
      %dma_wait3A_126 = arith.constant 0 : i32
      %dma_wait3A_127 = tpu.memref_slice %arg11[%dma_wait3A_125, %dma_wait3A_126] : memref<10112x64xf32, #tpu.memory_space<vmem_shared>> -> memref<10112x64xf32, #tpu.memory_space<vmem_shared>>
      tpu.wait_indirect_dma semaphore(%arg15 : memref<!tpu.dma_semaphore, #tpu.memory_space<semaphore_mem>>) src(%dma_wait3A_121 : memref<128x64xf32, #tpu.memory_space<vmem>>) dst(%dma_wait3A_127 : memref<10112x64xf32, #tpu.memory_space<vmem_shared>>)
      %add3A_128 = arith.constant 1 : i32
      %add3A_129 = arith.addi %mul3A_44, %add3A_128 : i32
      %add3A_130 = arith.constant 2 : i32
      %add3A_131 = arith.addi %add3A_129, %add3A_130 : i32
      %lt3A_132 = arith.constant 80 : i32
      %lt3A_133 = arith.cmpi slt, %add3A_131, %lt3A_132 : i32
      %convert_element_type3A_134 = arith.extui %lt3A_133 : i1 to i32
      %cond3A_135 = arith.constant 0 : i32
      %cond3A_136 = arith.cmpi ne, %convert_element_type3A_134, %cond3A_135 : i32
      scf.if %cond3A_136 {
        %add3A_233 = arith.constant 1 : i32
        %add3A_234 = arith.addi %mul3A_44, %add3A_233 : i32
        %add3A_235 = arith.constant 2 : i32
        %add3A_236 = arith.addi %add3A_234, %add3A_235 : i32
        %dma_start3A_237 = arith.constant 1 : i32
        %dma_start3A_238 = arith.constant 0 : i32
        %dma_start3A_239 = arith.constant 0 : i32
        %dma_start3A_240 = tpu.memref_slice %arg9[%dma_start3A_237, %dma_start3A_238, %dma_start3A_239] : memref<2x128x64xf32, #tpu.memory_space<vmem>> -> memref<1x128x64xf32, #tpu.memory_space<vmem>>
        %dma_start3A_241 = tpu.memref_squeeze %dma_start3A_240 : memref<1x128x64xf32, #tpu.memory_space<vmem>> -> memref<128x64xf32, #tpu.memory_space<vmem>>
        %dma_start3A_242 = arith.constant 0 : i32
        %dma_start3A_243 = tpu.memref_slice %arg7[%add3A_236, %dma_start3A_242] : memref<80x128xi32, #tpu.memory_space<vmem>> -> memref<1x128xi32, #tpu.memory_space<vmem>>
        %dma_start3A_244 = tpu.memref_squeeze %dma_start3A_243 : memref<1x128xi32, #tpu.memory_space<vmem>> -> memref<128xi32, #tpu.memory_space<vmem>>
        %dma_start3A_245 = arith.constant 0 : i32
        %dma_start3A_246 = arith.constant 0 : i32
        %dma_start3A_247 = tpu.memref_slice %arg10[%dma_start3A_245, %dma_start3A_246] : memref<10112x64xf32, #tpu.memory_space<vmem_shared>> -> memref<10112x64xf32, #tpu.memory_space<vmem_shared>>
        tpu.enqueue_indirect_dma source(%dma_start3A_247 : memref<10112x64xf32, #tpu.memory_space<vmem_shared>>) target(%dma_start3A_241 : memref<128x64xf32, #tpu.memory_space<vmem>>) offsets(%dma_start3A_244 : memref<128xi32, #tpu.memory_space<vmem>>) semaphore(%arg13 : memref<!tpu.dma_semaphore, #tpu.memory_space<semaphore_mem>>)
      } else {
      }
      %add3A_137 = arith.constant 2 : i32
      %add3A_138 = arith.addi %mul3A_44, %add3A_137 : i32
      %dma_wait3A_139 = arith.constant 0 : i32
      %dma_wait3A_140 = arith.constant 0 : i32
      %dma_wait3A_141 = arith.constant 0 : i32
      %dma_wait3A_142 = tpu.memref_slice %arg9[%dma_wait3A_139, %dma_wait3A_140, %dma_wait3A_141] : memref<2x128x64xf32, #tpu.memory_space<vmem>> -> memref<1x128x64xf32, #tpu.memory_space<vmem>>
      %dma_wait3A_143 = tpu.memref_squeeze %dma_wait3A_142 : memref<1x128x64xf32, #tpu.memory_space<vmem>> -> memref<128x64xf32, #tpu.memory_space<vmem>>
      %dma_wait3A_144 = arith.constant 0 : i32
      %dma_wait3A_145 = tpu.memref_slice %arg7[%add3A_138, %dma_wait3A_144] : memref<80x128xi32, #tpu.memory_space<vmem>> -> memref<1x128xi32, #tpu.memory_space<vmem>>
      %dma_wait3A_146 = tpu.memref_squeeze %dma_wait3A_145 : memref<1x128xi32, #tpu.memory_space<vmem>> -> memref<128xi32, #tpu.memory_space<vmem>>
      %dma_wait3A_147 = arith.constant 0 : i32
      %dma_wait3A_148 = arith.constant 0 : i32
      %dma_wait3A_149 = tpu.memref_slice %arg10[%dma_wait3A_147, %dma_wait3A_148] : memref<10112x64xf32, #tpu.memory_space<vmem_shared>> -> memref<10112x64xf32, #tpu.memory_space<vmem_shared>>
      tpu.wait_indirect_dma semaphore(%arg12 : memref<!tpu.dma_semaphore, #tpu.memory_space<semaphore_mem>>) src(%dma_wait3A_149 : memref<10112x64xf32, #tpu.memory_space<vmem_shared>>) dst(%dma_wait3A_143 : memref<128x64xf32, #tpu.memory_space<vmem>>)
      %add3A_150 = arith.constant 2 : i32
      %add3A_151 = arith.addi %mul3A_44, %add3A_150 : i32
      %dma_start3A_152 = arith.constant 0 : i32
      %dma_start3A_153 = arith.constant 0 : i32
      %dma_start3A_154 = arith.constant 0 : i32
      %dma_start3A_155 = tpu.memref_slice %arg9[%dma_start3A_152, %dma_start3A_153, %dma_start3A_154] : memref<2x128x64xf32, #tpu.memory_space<vmem>> -> memref<1x128x64xf32, #tpu.memory_space<vmem>>
      %dma_start3A_156 = tpu.memref_squeeze %dma_start3A_155 : memref<1x128x64xf32, #tpu.memory_space<vmem>> -> memref<128x64xf32, #tpu.memory_space<vmem>>
      %dma_start3A_157 = arith.constant 0 : i32
      %dma_start3A_158 = tpu.memref_slice %arg8[%add3A_151, %dma_start3A_157] : memref<80x128xi32, #tpu.memory_space<vmem>> -> memref<1x128xi32, #tpu.memory_space<vmem>>
      %dma_start3A_159 = tpu.memref_squeeze %dma_start3A_158 : memref<1x128xi32, #tpu.memory_space<vmem>> -> memref<128xi32, #tpu.memory_space<vmem>>
      %dma_start3A_160 = arith.constant 0 : i32
      %dma_start3A_161 = arith.constant 0 : i32
      %dma_start3A_162 = tpu.memref_slice %arg11[%dma_start3A_160, %dma_start3A_161] : memref<10112x64xf32, #tpu.memory_space<vmem_shared>> -> memref<10112x64xf32, #tpu.memory_space<vmem_shared>>
      tpu.enqueue_indirect_dma source(%dma_start3A_156 : memref<128x64xf32, #tpu.memory_space<vmem>>) target(%dma_start3A_162 : memref<10112x64xf32, #tpu.memory_space<vmem_shared>>) offsets(%dma_start3A_159 : memref<128xi32, #tpu.memory_space<vmem>>) semaphore(%arg14 : memref<!tpu.dma_semaphore, #tpu.memory_space<semaphore_mem>>) {add = true}
      %add3A_163 = arith.constant 3 : i32
      %add3A_164 = arith.addi %mul3A_44, %add3A_163 : i32
      %dma_wait3A_165 = arith.constant 1 : i32
      %dma_wait3A_166 = arith.constant 0 : i32
      %dma_wait3A_167 = arith.constant 0 : i32
      %dma_wait3A_168 = tpu.memref_slice %arg9[%dma_wait3A_165, %dma_wait3A_166, %dma_wait3A_167] : memref<2x128x64xf32, #tpu.memory_space<vmem>> -> memref<1x128x64xf32, #tpu.memory_space<vmem>>
      %dma_wait3A_169 = tpu.memref_squeeze %dma_wait3A_168 : memref<1x128x64xf32, #tpu.memory_space<vmem>> -> memref<128x64xf32, #tpu.memory_space<vmem>>
      %dma_wait3A_170 = arith.constant 0 : i32
      %dma_wait3A_171 = tpu.memref_slice %arg7[%add3A_164, %dma_wait3A_170] : memref<80x128xi32, #tpu.memory_space<vmem>> -> memref<1x128xi32, #tpu.memory_space<vmem>>
      %dma_wait3A_172 = tpu.memref_squeeze %dma_wait3A_171 : memref<1x128xi32, #tpu.memory_space<vmem>> -> memref<128xi32, #tpu.memory_space<vmem>>
      %dma_wait3A_173 = arith.constant 0 : i32
      %dma_wait3A_174 = arith.constant 0 : i32
      %dma_wait3A_175 = tpu.memref_slice %arg10[%dma_wait3A_173, %dma_wait3A_174] : memref<10112x64xf32, #tpu.memory_space<vmem_shared>> -> memref<10112x64xf32, #tpu.memory_space<vmem_shared>>
      tpu.wait_indirect_dma semaphore(%arg13 : memref<!tpu.dma_semaphore, #tpu.memory_space<semaphore_mem>>) src(%dma_wait3A_175 : memref<10112x64xf32, #tpu.memory_space<vmem_shared>>) dst(%dma_wait3A_169 : memref<128x64xf32, #tpu.memory_space<vmem>>)
      %add3A_176 = arith.constant 3 : i32
      %add3A_177 = arith.addi %mul3A_44, %add3A_176 : i32
      %dma_start3A_178 = arith.constant 1 : i32
      %dma_start3A_179 = arith.constant 0 : i32
      %dma_start3A_180 = arith.constant 0 : i32
      %dma_start3A_181 = tpu.memref_slice %arg9[%dma_start3A_178, %dma_start3A_179, %dma_start3A_180] : memref<2x128x64xf32, #tpu.memory_space<vmem>> -> memref<1x128x64xf32, #tpu.memory_space<vmem>>
      %dma_start3A_182 = tpu.memref_squeeze %dma_start3A_181 : memref<1x128x64xf32, #tpu.memory_space<vmem>> -> memref<128x64xf32, #tpu.memory_space<vmem>>
      %dma_start3A_183 = arith.constant 0 : i32
      %dma_start3A_184 = tpu.memref_slice %arg8[%add3A_177, %dma_start3A_183] : memref<80x128xi32, #tpu.memory_space<vmem>> -> memref<1x128xi32, #tpu.memory_space<vmem>>
      %dma_start3A_185 = tpu.memref_squeeze %dma_start3A_184 : memref<1x128xi32, #tpu.memory_space<vmem>> -> memref<128xi32, #tpu.memory_space<vmem>>
      %dma_start3A_186 = arith.constant 0 : i32
      %dma_start3A_187 = arith.constant 0 : i32
      %dma_start3A_188 = tpu.memref_slice %arg11[%dma_start3A_186, %dma_start3A_187] : memref<10112x64xf32, #tpu.memory_space<vmem_shared>> -> memref<10112x64xf32, #tpu.memory_space<vmem_shared>>
      tpu.enqueue_indirect_dma source(%dma_start3A_182 : memref<128x64xf32, #tpu.memory_space<vmem>>) target(%dma_start3A_188 : memref<10112x64xf32, #tpu.memory_space<vmem_shared>>) offsets(%dma_start3A_185 : memref<128xi32, #tpu.memory_space<vmem>>) semaphore(%arg15 : memref<!tpu.dma_semaphore, #tpu.memory_space<semaphore_mem>>) {add = true}
      %add3A_189 = arith.constant 2 : i32
      %add3A_190 = arith.addi %mul3A_44, %add3A_189 : i32
      %dma_wait3A_191 = arith.constant 0 : i32
      %dma_wait3A_192 = arith.constant 0 : i32
      %dma_wait3A_193 = arith.constant 0 : i32
      %dma_wait3A_194 = tpu.memref_slice %arg9[%dma_wait3A_191, %dma_wait3A_192, %dma_wait3A_193] : memref<2x128x64xf32, #tpu.memory_space<vmem>> -> memref<1x128x64xf32, #tpu.memory_space<vmem>>
      %dma_wait3A_195 = tpu.memref_squeeze %dma_wait3A_194 : memref<1x128x64xf32, #tpu.memory_space<vmem>> -> memref<128x64xf32, #tpu.memory_space<vmem>>
      %dma_wait3A_196 = arith.constant 0 : i32
      %dma_wait3A_197 = tpu.memref_slice %arg8[%add3A_190, %dma_wait3A_196] : memref<80x128xi32, #tpu.memory_space<vmem>> -> memref<1x128xi32, #tpu.memory_space<vmem>>
      %dma_wait3A_198 = tpu.memref_squeeze %dma_wait3A_197 : memref<1x128xi32, #tpu.memory_space<vmem>> -> memref<128xi32, #tpu.memory_space<vmem>>
      %dma_wait3A_199 = arith.constant 0 : i32
      %dma_wait3A_200 = arith.constant 0 : i32
      %dma_wait3A_201 = tpu.memref_slice %arg11[%dma_wait3A_199, %dma_wait3A_200] : memref<10112x64xf32, #tpu.memory_space<vmem_shared>> -> memref<10112x64xf32, #tpu.memory_space<vmem_shared>>
      tpu.wait_indirect_dma semaphore(%arg14 : memref<!tpu.dma_semaphore, #tpu.memory_space<semaphore_mem>>) src(%dma_wait3A_195 : memref<128x64xf32, #tpu.memory_space<vmem>>) dst(%dma_wait3A_201 : memref<10112x64xf32, #tpu.memory_space<vmem_shared>>)
      %add3A_202 = arith.constant 2 : i32
      %add3A_203 = arith.addi %mul3A_44, %add3A_202 : i32
      %add3A_204 = arith.constant 2 : i32
      %add3A_205 = arith.addi %add3A_203, %add3A_204 : i32
      %lt3A_206 = arith.constant 80 : i32
      %lt3A_207 = arith.cmpi slt, %add3A_205, %lt3A_206 : i32
      %convert_element_type3A_208 = arith.extui %lt3A_207 : i1 to i32
      %cond3A_209 = arith.constant 0 : i32
      %cond3A_210 = arith.cmpi ne, %convert_element_type3A_208, %cond3A_209 : i32
      scf.if %cond3A_210 {
        %add3A_233 = arith.constant 2 : i32
        %add3A_234 = arith.addi %mul3A_44, %add3A_233 : i32
        %add3A_235 = arith.constant 2 : i32
        %add3A_236 = arith.addi %add3A_234, %add3A_235 : i32
        %dma_start3A_237 = arith.constant 0 : i32
        %dma_start3A_238 = arith.constant 0 : i32
        %dma_start3A_239 = arith.constant 0 : i32
        %dma_start3A_240 = tpu.memref_slice %arg9[%dma_start3A_237, %dma_start3A_238, %dma_start3A_239] : memref<2x128x64xf32, #tpu.memory_space<vmem>> -> memref<1x128x64xf32, #tpu.memory_space<vmem>>
        %dma_start3A_241 = tpu.memref_squeeze %dma_start3A_240 : memref<1x128x64xf32, #tpu.memory_space<vmem>> -> memref<128x64xf32, #tpu.memory_space<vmem>>
        %dma_start3A_242 = arith.constant 0 : i32
        %dma_start3A_243 = tpu.memref_slice %arg7[%add3A_236, %dma_start3A_242] : memref<80x128xi32, #tpu.memory_space<vmem>> -> memref<1x128xi32, #tpu.memory_space<vmem>>
        %dma_start3A_244 = tpu.memref_squeeze %dma_start3A_243 : memref<1x128xi32, #tpu.memory_space<vmem>> -> memref<128xi32, #tpu.memory_space<vmem>>
        %dma_start3A_245 = arith.constant 0 : i32
        %dma_start3A_246 = arith.constant 0 : i32
        %dma_start3A_247 = tpu.memref_slice %arg10[%dma_start3A_245, %dma_start3A_246] : memref<10112x64xf32, #tpu.memory_space<vmem_shared>> -> memref<10112x64xf32, #tpu.memory_space<vmem_shared>>
        tpu.enqueue_indirect_dma source(%dma_start3A_247 : memref<10112x64xf32, #tpu.memory_space<vmem_shared>>) target(%dma_start3A_241 : memref<128x64xf32, #tpu.memory_space<vmem>>) offsets(%dma_start3A_244 : memref<128xi32, #tpu.memory_space<vmem>>) semaphore(%arg12 : memref<!tpu.dma_semaphore, #tpu.memory_space<semaphore_mem>>)
      } else {
      }
      %add3A_211 = arith.constant 3 : i32
      %add3A_212 = arith.addi %mul3A_44, %add3A_211 : i32
      %dma_wait3A_213 = arith.constant 1 : i32
      %dma_wait3A_214 = arith.constant 0 : i32
      %dma_wait3A_215 = arith.constant 0 : i32
      %dma_wait3A_216 = tpu.memref_slice %arg9[%dma_wait3A_213, %dma_wait3A_214, %dma_wait3A_215] : memref<2x128x64xf32, #tpu.memory_space<vmem>> -> memref<1x128x64xf32, #tpu.memory_space<vmem>>
      %dma_wait3A_217 = tpu.memref_squeeze %dma_wait3A_216 : memref<1x128x64xf32, #tpu.memory_space<vmem>> -> memref<128x64xf32, #tpu.memory_space<vmem>>
      %dma_wait3A_218 = arith.constant 0 : i32
      %dma_wait3A_219 = tpu.memref_slice %arg8[%add3A_212, %dma_wait3A_218] : memref<80x128xi32, #tpu.memory_space<vmem>> -> memref<1x128xi32, #tpu.memory_space<vmem>>
      %dma_wait3A_220 = tpu.memref_squeeze %dma_wait3A_219 : memref<1x128xi32, #tpu.memory_space<vmem>> -> memref<128xi32, #tpu.memory_space<vmem>>
      %dma_wait3A_221 = arith.constant 0 : i32
      %dma_wait3A_222 = arith.constant 0 : i32
      %dma_wait3A_223 = tpu.memref_slice %arg11[%dma_wait3A_221, %dma_wait3A_222] : memref<10112x64xf32, #tpu.memory_space<vmem_shared>> -> memref<10112x64xf32, #tpu.memory_space<vmem_shared>>
      tpu.wait_indirect_dma semaphore(%arg15 : memref<!tpu.dma_semaphore, #tpu.memory_space<semaphore_mem>>) src(%dma_wait3A_217 : memref<128x64xf32, #tpu.memory_space<vmem>>) dst(%dma_wait3A_223 : memref<10112x64xf32, #tpu.memory_space<vmem_shared>>)
      %add3A_224 = arith.constant 3 : i32
      %add3A_225 = arith.addi %mul3A_44, %add3A_224 : i32
      %add3A_226 = arith.constant 2 : i32
      %add3A_227 = arith.addi %add3A_225, %add3A_226 : i32
      %lt3A_228 = arith.constant 80 : i32
      %lt3A_229 = arith.cmpi slt, %add3A_227, %lt3A_228 : i32
      %convert_element_type3A_230 = arith.extui %lt3A_229 : i1 to i32
      %cond3A_231 = arith.constant 0 : i32
      %cond3A_232 = arith.cmpi ne, %convert_element_type3A_230, %cond3A_231 : i32
      scf.if %cond3A_232 {
        %add3A_233 = arith.constant 3 : i32
        %add3A_234 = arith.addi %mul3A_44, %add3A_233 : i32
        %add3A_235 = arith.constant 2 : i32
        %add3A_236 = arith.addi %add3A_234, %add3A_235 : i32
        %dma_start3A_237 = arith.constant 1 : i32
        %dma_start3A_238 = arith.constant 0 : i32
        %dma_start3A_239 = arith.constant 0 : i32
        %dma_start3A_240 = tpu.memref_slice %arg9[%dma_start3A_237, %dma_start3A_238, %dma_start3A_239] : memref<2x128x64xf32, #tpu.memory_space<vmem>> -> memref<1x128x64xf32, #tpu.memory_space<vmem>>
        %dma_start3A_241 = tpu.memref_squeeze %dma_start3A_240 : memref<1x128x64xf32, #tpu.memory_space<vmem>> -> memref<128x64xf32, #tpu.memory_space<vmem>>
        %dma_start3A_242 = arith.constant 0 : i32
        %dma_start3A_243 = tpu.memref_slice %arg7[%add3A_236, %dma_start3A_242] : memref<80x128xi32, #tpu.memory_space<vmem>> -> memref<1x128xi32, #tpu.memory_space<vmem>>
        %dma_start3A_244 = tpu.memref_squeeze %dma_start3A_243 : memref<1x128xi32, #tpu.memory_space<vmem>> -> memref<128xi32, #tpu.memory_space<vmem>>
        %dma_start3A_245 = arith.constant 0 : i32
        %dma_start3A_246 = arith.constant 0 : i32
        %dma_start3A_247 = tpu.memref_slice %arg10[%dma_start3A_245, %dma_start3A_246] : memref<10112x64xf32, #tpu.memory_space<vmem_shared>> -> memref<10112x64xf32, #tpu.memory_space<vmem_shared>>
        tpu.enqueue_indirect_dma source(%dma_start3A_247 : memref<10112x64xf32, #tpu.memory_space<vmem_shared>>) target(%dma_start3A_241 : memref<128x64xf32, #tpu.memory_space<vmem>>) offsets(%dma_start3A_244 : memref<128xi32, #tpu.memory_space<vmem>>) semaphore(%arg13 : memref<!tpu.dma_semaphore, #tpu.memory_space<semaphore_mem>>)
      } else {
      }
    }
    %scan3A_36 = arith.constant 20 : i32
    %barrier3A_37 = arith.constant 0 : index
    tpu.barrier barrier_id(%barrier3A_37)
    %mul3A_38 = arith.constant 632 : i32
    %mul3A_39 = arith.muli %arg1, %mul3A_38 : i32
    %mul3A_40 = arith.constant 632 : i32
    %mul3A_41 = arith.muli %arg1, %mul3A_40 : i32
    "tpu.region"() ({
      %run_scoped3A = tpu.sem_alloc : memref<!tpu.dma_semaphore, #tpu.memory_space<semaphore_mem>>
      %dma_start3A_42 = arith.constant 0 : i32
      %dma_start3A_43 = tpu.memref_slice %arg6[%arg0, %mul3A_41, %dma_start3A_42] : memref<2x10112x64xf32, #tpu.memory_space<hbm>> -> memref<1x632x64xf32, #tpu.memory_space<hbm>>
      %dma_start3A_44 = tpu.memref_squeeze %dma_start3A_43 : memref<1x632x64xf32, #tpu.memory_space<hbm>> -> memref<632x64xf32, #tpu.memory_space<hbm>>
      %dma_start3A_45 = arith.constant 0 : i32
      %dma_start3A_46 = tpu.memref_slice %arg11[%mul3A_39, %dma_start3A_45] : memref<10112x64xf32, #tpu.memory_space<vmem_shared>> -> memref<632x64xf32, #tpu.memory_space<vmem_shared>>
      tpu.enqueue_dma source(%dma_start3A_46 : memref<632x64xf32, #tpu.memory_space<vmem_shared>>) target(%dma_start3A_44 : memref<632x64xf32, #tpu.memory_space<hbm>>) target_semaphore(%run_scoped3A : memref<!tpu.dma_semaphore, #tpu.memory_space<semaphore_mem>>)
      %dma_wait3A = arith.constant 0 : i32
      %dma_wait3A_47 = tpu.memref_slice %arg6[%arg0, %mul3A_41, %dma_wait3A] : memref<2x10112x64xf32, #tpu.memory_space<hbm>> -> memref<1x632x64xf32, #tpu.memory_space<hbm>>
      %dma_wait3A_48 = tpu.memref_squeeze %dma_wait3A_47 : memref<1x632x64xf32, #tpu.memory_space<hbm>> -> memref<632x64xf32, #tpu.memory_space<hbm>>
      %dma_wait3A_49 = arith.constant 0 : i32
      %dma_wait3A_50 = tpu.memref_slice %arg11[%mul3A_39, %dma_wait3A_49] : memref<10112x64xf32, #tpu.memory_space<vmem_shared>> -> memref<632x64xf32, #tpu.memory_space<vmem_shared>>
      tpu.wait_dma2 semaphore(%run_scoped3A : memref<!tpu.dma_semaphore, #tpu.memory_space<semaphore_mem>>) src(%dma_wait3A_50 : memref<632x64xf32, #tpu.memory_space<vmem_shared>>) dst(%dma_wait3A_48 : memref<632x64xf32, #tpu.memory_space<hbm>>)
      tpu.yield
    }) : () -> ()
    return
  }
}

#map = affine_map<(d0, d1) -> (0, 0)>
#map1 = affine_map<(d0, d1) -> (0, 0, 0)>
module attributes {stable_mosaic.version = 14 : i64} {
  func.func @agg(%arg0: i32, %arg1: i32, %arg2: memref<10112x64xf32, #tpu.memory_space<hbm>>, %arg3: memref<32x80x128xi32, #tpu.memory_space<hbm>>, %arg4: memref<32x80x128xi32, #tpu.memory_space<hbm>>, %arg5: memref<10112x64xf32, #tpu.memory_space<hbm>>, %arg6: memref<2x10112x64xf32, #tpu.memory_space<hbm>>, %arg7: memref<80x128xi32, #tpu.memory_space<vmem>>, %arg8: memref<80x128xi32, #tpu.memory_space<vmem>>, %arg9: memref<2x128x64xf32, #tpu.memory_space<vmem>>, %arg10: memref<10112x64xf32, #tpu.memory_space<vmem_shared>>, %arg11: memref<10112x64xf32, #tpu.memory_space<vmem_shared>>, %arg12: memref<!tpu.dma_semaphore, #tpu.memory_space<semaphore_mem>>, %arg13: memref<!tpu.dma_semaphore, #tpu.memory_space<semaphore_mem>>, %arg14: memref<!tpu.dma_semaphore, #tpu.memory_space<semaphore_mem>>, %arg15: memref<!tpu.dma_semaphore, #tpu.memory_space<semaphore_mem>>) attributes {dimension_semantics = [#tpu.dimension_semantics<core_parallel>, #tpu.dimension_semantics<subcore_parallel>], iteration_bounds = array<i64: 2, 16>, scalar_prefetch = 0 : i64, scratch_operands = 9 : i64, tpu.core_type = #tpu.core_type<sc_vector_subcore>, window_params = [{transform_indices = #map}, {transform_indices = #map1}, {transform_indices = #map1}, {transform_indices = #map}, {transform_indices = #map1}]} {
    %mul3A = arith.constant 2 : i32
    %mul3A_0 = arith.muli %arg1, %mul3A : i32
    %add3A = arith.addi %mul3A_0, %arg0 : i32
    "tpu.region"() ({
      %run_scoped3A = tpu.sem_alloc : memref<!tpu.dma_semaphore, #tpu.memory_space<semaphore_mem>>
      %dma_start3A_42 = arith.constant 0 : i32
      %dma_start3A_43 = arith.constant 0 : i32
      %dma_start3A_44 = tpu.memref_slice %arg3[%add3A, %dma_start3A_42, %dma_start3A_43] : memref<32x80x128xi32, #tpu.memory_space<hbm>> -> memref<1x80x128xi32, #tpu.memory_space<hbm>>
      %dma_start3A_45 = tpu.memref_squeeze %dma_start3A_44 : memref<1x80x128xi32, #tpu.memory_space<hbm>> -> memref<80x128xi32, #tpu.memory_space<hbm>>
      %dma_start3A_46 = arith.constant 0 : i32
      %dma_start3A_47 = arith.constant 0 : i32
      %dma_start3A_48 = tpu.memref_slice %arg3[%add3A, %dma_start3A_46, %dma_start3A_47] : memref<32x80x128xi32, #tpu.memory_space<hbm>> -> memref<1x80x128xi32, #tpu.memory_space<hbm>>
      %dma_start3A_49 = tpu.memref_squeeze %dma_start3A_48 : memref<1x80x128xi32, #tpu.memory_space<hbm>> -> memref<80x128xi32, #tpu.memory_space<hbm>>
      tpu.enqueue_dma source(%dma_start3A_49 : memref<80x128xi32, #tpu.memory_space<hbm>>) target(%arg7 : memref<80x128xi32, #tpu.memory_space<vmem>>) target_semaphore(%run_scoped3A : memref<!tpu.dma_semaphore, #tpu.memory_space<semaphore_mem>>)
      %dma_wait3A = arith.constant 0 : i32
      %dma_wait3A_50 = arith.constant 0 : i32
      %dma_wait3A_51 = tpu.memref_slice %arg3[%add3A, %dma_wait3A, %dma_wait3A_50] : memref<32x80x128xi32, #tpu.memory_space<hbm>> -> memref<1x80x128xi32, #tpu.memory_space<hbm>>
      %dma_wait3A_52 = tpu.memref_squeeze %dma_wait3A_51 : memref<1x80x128xi32, #tpu.memory_space<hbm>> -> memref<80x128xi32, #tpu.memory_space<hbm>>
      %dma_wait3A_53 = arith.constant 0 : i32
      %dma_wait3A_54 = arith.constant 0 : i32
      %dma_wait3A_55 = tpu.memref_slice %arg3[%add3A, %dma_wait3A_53, %dma_wait3A_54] : memref<32x80x128xi32, #tpu.memory_space<hbm>> -> memref<1x80x128xi32, #tpu.memory_space<hbm>>
      %dma_wait3A_56 = tpu.memref_squeeze %dma_wait3A_55 : memref<1x80x128xi32, #tpu.memory_space<hbm>> -> memref<80x128xi32, #tpu.memory_space<hbm>>
      tpu.wait_dma2 semaphore(%run_scoped3A : memref<!tpu.dma_semaphore, #tpu.memory_space<semaphore_mem>>) src(%dma_wait3A_56 : memref<80x128xi32, #tpu.memory_space<hbm>>) dst(%arg7 : memref<80x128xi32, #tpu.memory_space<vmem>>)
      tpu.yield
    }) : () -> ()
    "tpu.region"() ({
      %run_scoped3A = tpu.sem_alloc : memref<!tpu.dma_semaphore, #tpu.memory_space<semaphore_mem>>
      %dma_start3A_42 = arith.constant 0 : i32
      %dma_start3A_43 = arith.constant 0 : i32
      %dma_start3A_44 = tpu.memref_slice %arg4[%add3A, %dma_start3A_42, %dma_start3A_43] : memref<32x80x128xi32, #tpu.memory_space<hbm>> -> memref<1x80x128xi32, #tpu.memory_space<hbm>>
      %dma_start3A_45 = tpu.memref_squeeze %dma_start3A_44 : memref<1x80x128xi32, #tpu.memory_space<hbm>> -> memref<80x128xi32, #tpu.memory_space<hbm>>
      %dma_start3A_46 = arith.constant 0 : i32
      %dma_start3A_47 = arith.constant 0 : i32
      %dma_start3A_48 = tpu.memref_slice %arg4[%add3A, %dma_start3A_46, %dma_start3A_47] : memref<32x80x128xi32, #tpu.memory_space<hbm>> -> memref<1x80x128xi32, #tpu.memory_space<hbm>>
      %dma_start3A_49 = tpu.memref_squeeze %dma_start3A_48 : memref<1x80x128xi32, #tpu.memory_space<hbm>> -> memref<80x128xi32, #tpu.memory_space<hbm>>
      tpu.enqueue_dma source(%dma_start3A_49 : memref<80x128xi32, #tpu.memory_space<hbm>>) target(%arg8 : memref<80x128xi32, #tpu.memory_space<vmem>>) target_semaphore(%run_scoped3A : memref<!tpu.dma_semaphore, #tpu.memory_space<semaphore_mem>>)
      %dma_wait3A = arith.constant 0 : i32
      %dma_wait3A_50 = arith.constant 0 : i32
      %dma_wait3A_51 = tpu.memref_slice %arg4[%add3A, %dma_wait3A, %dma_wait3A_50] : memref<32x80x128xi32, #tpu.memory_space<hbm>> -> memref<1x80x128xi32, #tpu.memory_space<hbm>>
      %dma_wait3A_52 = tpu.memref_squeeze %dma_wait3A_51 : memref<1x80x128xi32, #tpu.memory_space<hbm>> -> memref<80x128xi32, #tpu.memory_space<hbm>>
      %dma_wait3A_53 = arith.constant 0 : i32
      %dma_wait3A_54 = arith.constant 0 : i32
      %dma_wait3A_55 = tpu.memref_slice %arg4[%add3A, %dma_wait3A_53, %dma_wait3A_54] : memref<32x80x128xi32, #tpu.memory_space<hbm>> -> memref<1x80x128xi32, #tpu.memory_space<hbm>>
      %dma_wait3A_56 = tpu.memref_squeeze %dma_wait3A_55 : memref<1x80x128xi32, #tpu.memory_space<hbm>> -> memref<80x128xi32, #tpu.memory_space<hbm>>
      tpu.wait_dma2 semaphore(%run_scoped3A : memref<!tpu.dma_semaphore, #tpu.memory_space<semaphore_mem>>) src(%dma_wait3A_56 : memref<80x128xi32, #tpu.memory_space<hbm>>) dst(%arg8 : memref<80x128xi32, #tpu.memory_space<vmem>>)
      tpu.yield
    }) : () -> ()
    %mul3A_1 = arith.constant 632 : i32
    %mul3A_2 = arith.muli %arg1, %mul3A_1 : i32
    %mul3A_3 = arith.constant 632 : i32
    %mul3A_4 = arith.muli %arg1, %mul3A_3 : i32
    "tpu.region"() ({
      %run_scoped3A = tpu.sem_alloc : memref<!tpu.dma_semaphore, #tpu.memory_space<semaphore_mem>>
      %dma_start3A_42 = arith.constant 0 : i32
      %dma_start3A_43 = tpu.memref_slice %arg10[%mul3A_4, %dma_start3A_42] : memref<10112x64xf32, #tpu.memory_space<vmem_shared>> -> memref<632x64xf32, #tpu.memory_space<vmem_shared>>
      %dma_start3A_44 = arith.constant 0 : i32
      %dma_start3A_45 = tpu.memref_slice %arg2[%mul3A_2, %dma_start3A_44] : memref<10112x64xf32, #tpu.memory_space<hbm>> -> memref<632x64xf32, #tpu.memory_space<hbm>>
      tpu.enqueue_dma source(%dma_start3A_45 : memref<632x64xf32, #tpu.memory_space<hbm>>) target(%dma_start3A_43 : memref<632x64xf32, #tpu.memory_space<vmem_shared>>) target_semaphore(%run_scoped3A : memref<!tpu.dma_semaphore, #tpu.memory_space<semaphore_mem>>)
      %dma_wait3A = arith.constant 0 : i32
      %dma_wait3A_46 = tpu.memref_slice %arg10[%mul3A_4, %dma_wait3A] : memref<10112x64xf32, #tpu.memory_space<vmem_shared>> -> memref<632x64xf32, #tpu.memory_space<vmem_shared>>
      %dma_wait3A_47 = arith.constant 0 : i32
      %dma_wait3A_48 = tpu.memref_slice %arg2[%mul3A_2, %dma_wait3A_47] : memref<10112x64xf32, #tpu.memory_space<hbm>> -> memref<632x64xf32, #tpu.memory_space<hbm>>
      tpu.wait_dma2 semaphore(%run_scoped3A : memref<!tpu.dma_semaphore, #tpu.memory_space<semaphore_mem>>) src(%dma_wait3A_48 : memref<632x64xf32, #tpu.memory_space<hbm>>) dst(%dma_wait3A_46 : memref<632x64xf32, #tpu.memory_space<vmem_shared>>)
      tpu.yield
    }) : () -> ()
    %mul3A_5 = arith.constant 632 : i32
    %mul3A_6 = arith.muli %arg1, %mul3A_5 : i32
    %mul3A_7 = arith.constant 632 : i32
    %mul3A_8 = arith.muli %arg1, %mul3A_7 : i32
    "tpu.region"() ({
      %run_scoped3A = tpu.sem_alloc : memref<!tpu.dma_semaphore, #tpu.memory_space<semaphore_mem>>
      %dma_start3A_42 = arith.constant 0 : i32
      %dma_start3A_43 = tpu.memref_slice %arg11[%mul3A_8, %dma_start3A_42] : memref<10112x64xf32, #tpu.memory_space<vmem_shared>> -> memref<632x64xf32, #tpu.memory_space<vmem_shared>>
      %dma_start3A_44 = arith.constant 0 : i32
      %dma_start3A_45 = tpu.memref_slice %arg5[%mul3A_6, %dma_start3A_44] : memref<10112x64xf32, #tpu.memory_space<hbm>> -> memref<632x64xf32, #tpu.memory_space<hbm>>
      tpu.enqueue_dma source(%dma_start3A_45 : memref<632x64xf32, #tpu.memory_space<hbm>>) target(%dma_start3A_43 : memref<632x64xf32, #tpu.memory_space<vmem_shared>>) target_semaphore(%run_scoped3A : memref<!tpu.dma_semaphore, #tpu.memory_space<semaphore_mem>>)
      %dma_wait3A = arith.constant 0 : i32
      %dma_wait3A_46 = tpu.memref_slice %arg11[%mul3A_8, %dma_wait3A] : memref<10112x64xf32, #tpu.memory_space<vmem_shared>> -> memref<632x64xf32, #tpu.memory_space<vmem_shared>>
      %dma_wait3A_47 = arith.constant 0 : i32
      %dma_wait3A_48 = tpu.memref_slice %arg5[%mul3A_6, %dma_wait3A_47] : memref<10112x64xf32, #tpu.memory_space<hbm>> -> memref<632x64xf32, #tpu.memory_space<hbm>>
      tpu.wait_dma2 semaphore(%run_scoped3A : memref<!tpu.dma_semaphore, #tpu.memory_space<semaphore_mem>>) src(%dma_wait3A_48 : memref<632x64xf32, #tpu.memory_space<hbm>>) dst(%dma_wait3A_46 : memref<632x64xf32, #tpu.memory_space<vmem_shared>>)
      tpu.yield
    }) : () -> ()
    %barrier3A = arith.constant 0 : index
    tpu.barrier barrier_id(%barrier3A)
    %dma_start3A = arith.constant 0 : i32
    %dma_start3A_9 = arith.constant 0 : i32
    %dma_start3A_10 = arith.constant 0 : i32
    %dma_start3A_11 = arith.constant 0 : i32
    %dma_start3A_12 = tpu.memref_slice %arg9[%dma_start3A_9, %dma_start3A_10, %dma_start3A_11] : memref<2x128x64xf32, #tpu.memory_space<vmem>> -> memref<1x128x64xf32, #tpu.memory_space<vmem>>
    %dma_start3A_13 = tpu.memref_squeeze %dma_start3A_12 : memref<1x128x64xf32, #tpu.memory_space<vmem>> -> memref<128x64xf32, #tpu.memory_space<vmem>>
    %dma_start3A_14 = arith.constant 0 : i32
    %dma_start3A_15 = tpu.memref_slice %arg7[%dma_start3A, %dma_start3A_14] : memref<80x128xi32, #tpu.memory_space<vmem>> -> memref<1x128xi32, #tpu.memory_space<vmem>>
    %dma_start3A_16 = tpu.memref_squeeze %dma_start3A_15 : memref<1x128xi32, #tpu.memory_space<vmem>> -> memref<128xi32, #tpu.memory_space<vmem>>
    %dma_start3A_17 = arith.constant 0 : i32
    %dma_start3A_18 = arith.constant 0 : i32
    %dma_start3A_19 = tpu.memref_slice %arg10[%dma_start3A_17, %dma_start3A_18] : memref<10112x64xf32, #tpu.memory_space<vmem_shared>> -> memref<10112x64xf32, #tpu.memory_space<vmem_shared>>
    tpu.enqueue_indirect_dma source(%dma_start3A_19 : memref<10112x64xf32, #tpu.memory_space<vmem_shared>>) target(%dma_start3A_13 : memref<128x64xf32, #tpu.memory_space<vmem>>) offsets(%dma_start3A_16 : memref<128xi32, #tpu.memory_space<vmem>>) semaphore(%arg12 : memref<!tpu.dma_semaphore, #tpu.memory_space<semaphore_mem>>)
    %dma_start3A_20 = arith.constant 1 : i32
    %dma_start3A_21 = arith.constant 1 : i32
    %dma_start3A_22 = arith.constant 0 : i32
    %dma_start3A_23 = arith.constant 0 : i32
    %dma_start3A_24 = tpu.memref_slice %arg9[%dma_start3A_21, %dma_start3A_22, %dma_start3A_23] : memref<2x128x64xf32, #tpu.memory_space<vmem>> -> memref<1x128x64xf32, #tpu.memory_space<vmem>>
    %dma_start3A_25 = tpu.memref_squeeze %dma_start3A_24 : memref<1x128x64xf32, #tpu.memory_space<vmem>> -> memref<128x64xf32, #tpu.memory_space<vmem>>
    %dma_start3A_26 = arith.constant 0 : i32
    %dma_start3A_27 = tpu.memref_slice %arg7[%dma_start3A_20, %dma_start3A_26] : memref<80x128xi32, #tpu.memory_space<vmem>> -> memref<1x128xi32, #tpu.memory_space<vmem>>
    %dma_start3A_28 = tpu.memref_squeeze %dma_start3A_27 : memref<1x128xi32, #tpu.memory_space<vmem>> -> memref<128xi32, #tpu.memory_space<vmem>>
    %dma_start3A_29 = arith.constant 0 : i32
    %dma_start3A_30 = arith.constant 0 : i32
    %dma_start3A_31 = tpu.memref_slice %arg10[%dma_start3A_29, %dma_start3A_30] : memref<10112x64xf32, #tpu.memory_space<vmem_shared>> -> memref<10112x64xf32, #tpu.memory_space<vmem_shared>>
    tpu.enqueue_indirect_dma source(%dma_start3A_31 : memref<10112x64xf32, #tpu.memory_space<vmem_shared>>) target(%dma_start3A_25 : memref<128x64xf32, #tpu.memory_space<vmem>>) offsets(%dma_start3A_28 : memref<128xi32, #tpu.memory_space<vmem>>) semaphore(%arg13 : memref<!tpu.dma_semaphore, #tpu.memory_space<semaphore_mem>>)
    %scan3A = arith.constant 0 : i32
    %scan3A_32 = arith.constant 0 : i32
    %scan3A_33 = arith.constant 20 : i32
    %scan3A_34 = arith.addi %scan3A_32, %scan3A_33 : i32
    %scan3A_35 = arith.constant 1 : i32
    scf.for %scan3A_42 = %scan3A_32 to %scan3A_34 step %scan3A_35  : i32 {
      %mul3A_43 = arith.constant 4 : i32
      %mul3A_44 = arith.muli %mul3A_43, %scan3A_42 : i32
      %add3A_45 = arith.constant 0 : i32
      %add3A_46 = arith.addi %mul3A_44, %add3A_45 : i32
      %dma_wait3A = arith.constant 0 : i32
      %dma_wait3A_47 = arith.constant 0 : i32
      %dma_wait3A_48 = arith.constant 0 : i32
      %dma_wait3A_49 = tpu.memref_slice %arg9[%dma_wait3A, %dma_wait3A_47, %dma_wait3A_48] : memref<2x128x64xf32, #tpu.memory_space<vmem>> -> memref<1x128x64xf32, #tpu.memory_space<vmem>>
      %dma_wait3A_50 = tpu.memref_squeeze %dma_wait3A_49 : memref<1x128x64xf32, #tpu.memory_space<vmem>> -> memref<128x64xf32, #tpu.memory_space<vmem>>
      %dma_wait3A_51 = arith.constant 0 : i32
      %dma_wait3A_52 = tpu.memref_slice %arg7[%add3A_46, %dma_wait3A_51] : memref<80x128xi32, #tpu.memory_space<vmem>> -> memref<1x128xi32, #tpu.memory_space<vmem>>
      %dma_wait3A_53 = tpu.memref_squeeze %dma_wait3A_52 : memref<1x128xi32, #tpu.memory_space<vmem>> -> memref<128xi32, #tpu.memory_space<vmem>>
      %dma_wait3A_54 = arith.constant 0 : i32
      %dma_wait3A_55 = arith.constant 0 : i32
      %dma_wait3A_56 = tpu.memref_slice %arg10[%dma_wait3A_54, %dma_wait3A_55] : memref<10112x64xf32, #tpu.memory_space<vmem_shared>> -> memref<10112x64xf32, #tpu.memory_space<vmem_shared>>
      tpu.wait_indirect_dma semaphore(%arg12 : memref<!tpu.dma_semaphore, #tpu.memory_space<semaphore_mem>>) src(%dma_wait3A_56 : memref<10112x64xf32, #tpu.memory_space<vmem_shared>>) dst(%dma_wait3A_50 : memref<128x64xf32, #tpu.memory_space<vmem>>)
      %add3A_57 = arith.constant 0 : i32
      %add3A_58 = arith.addi %mul3A_44, %add3A_57 : i32
      %dma_start3A_59 = arith.constant 0 : i32
      %dma_start3A_60 = arith.constant 0 : i32
      %dma_start3A_61 = arith.constant 0 : i32
      %dma_start3A_62 = tpu.memref_slice %arg9[%dma_start3A_59, %dma_start3A_60, %dma_start3A_61] : memref<2x128x64xf32, #tpu.memory_space<vmem>> -> memref<1x128x64xf32, #tpu.memory_space<vmem>>
      %dma_start3A_63 = tpu.memref_squeeze %dma_start3A_62 : memref<1x128x64xf32, #tpu.memory_space<vmem>> -> memref<128x64xf32, #tpu.memory_space<vmem>>
      %dma_start3A_64 = arith.constant 0 : i32
      %dma_start3A_65 = tpu.memref_slice %arg8[%add3A_58, %dma_start3A_64] : memref<80x128xi32, #tpu.memory_space<vmem>> -> memref<1x128xi32, #tpu.memory_space<vmem>>
      %dma_start3A_66 = tpu.memref_squeeze %dma_start3A_65 : memref<1x128xi32, #tpu.memory_space<vmem>> -> memref<128xi32, #tpu.memory_space<vmem>>
      %dma_start3A_67 = arith.constant 0 : i32
      %dma_start3A_68 = arith.constant 0 : i32
      %dma_start3A_69 = tpu.memref_slice %arg11[%dma_start3A_67, %dma_start3A_68] : memref<10112x64xf32, #tpu.memory_space<vmem_shared>> -> memref<10112x64xf32, #tpu.memory_space<vmem_shared>>
      tpu.enqueue_indirect_dma source(%dma_start3A_63 : memref<128x64xf32, #tpu.memory_space<vmem>>) target(%dma_start3A_69 : memref<10112x64xf32, #tpu.memory_space<vmem_shared>>) offsets(%dma_start3A_66 : memref<128xi32, #tpu.memory_space<vmem>>) semaphore(%arg14 : memref<!tpu.dma_semaphore, #tpu.memory_space<semaphore_mem>>) {add = true}
      %add3A_70 = arith.constant 1 : i32
      %add3A_71 = arith.addi %mul3A_44, %add3A_70 : i32
      %dma_wait3A_72 = arith.constant 1 : i32
      %dma_wait3A_73 = arith.constant 0 : i32
      %dma_wait3A_74 = arith.constant 0 : i32
      %dma_wait3A_75 = tpu.memref_slice %arg9[%dma_wait3A_72, %dma_wait3A_73, %dma_wait3A_74] : memref<2x128x64xf32, #tpu.memory_space<vmem>> -> memref<1x128x64xf32, #tpu.memory_space<vmem>>
      %dma_wait3A_76 = tpu.memref_squeeze %dma_wait3A_75 : memref<1x128x64xf32, #tpu.memory_space<vmem>> -> memref<128x64xf32, #tpu.memory_space<vmem>>
      %dma_wait3A_77 = arith.constant 0 : i32
      %dma_wait3A_78 = tpu.memref_slice %arg7[%add3A_71, %dma_wait3A_77] : memref<80x128xi32, #tpu.memory_space<vmem>> -> memref<1x128xi32, #tpu.memory_space<vmem>>
      %dma_wait3A_79 = tpu.memref_squeeze %dma_wait3A_78 : memref<1x128xi32, #tpu.memory_space<vmem>> -> memref<128xi32, #tpu.memory_space<vmem>>
      %dma_wait3A_80 = arith.constant 0 : i32
      %dma_wait3A_81 = arith.constant 0 : i32
      %dma_wait3A_82 = tpu.memref_slice %arg10[%dma_wait3A_80, %dma_wait3A_81] : memref<10112x64xf32, #tpu.memory_space<vmem_shared>> -> memref<10112x64xf32, #tpu.memory_space<vmem_shared>>
      tpu.wait_indirect_dma semaphore(%arg13 : memref<!tpu.dma_semaphore, #tpu.memory_space<semaphore_mem>>) src(%dma_wait3A_82 : memref<10112x64xf32, #tpu.memory_space<vmem_shared>>) dst(%dma_wait3A_76 : memref<128x64xf32, #tpu.memory_space<vmem>>)
      %add3A_83 = arith.constant 1 : i32
      %add3A_84 = arith.addi %mul3A_44, %add3A_83 : i32
      %dma_start3A_85 = arith.constant 1 : i32
      %dma_start3A_86 = arith.constant 0 : i32
      %dma_start3A_87 = arith.constant 0 : i32
      %dma_start3A_88 = tpu.memref_slice %arg9[%dma_start3A_85, %dma_start3A_86, %dma_start3A_87] : memref<2x128x64xf32, #tpu.memory_space<vmem>> -> memref<1x128x64xf32, #tpu.memory_space<vmem>>
      %dma_start3A_89 = tpu.memref_squeeze %dma_start3A_88 : memref<1x128x64xf32, #tpu.memory_space<vmem>> -> memref<128x64xf32, #tpu.memory_space<vmem>>
      %dma_start3A_90 = arith.constant 0 : i32
      %dma_start3A_91 = tpu.memref_slice %arg8[%add3A_84, %dma_start3A_90] : memref<80x128xi32, #tpu.memory_space<vmem>> -> memref<1x128xi32, #tpu.memory_space<vmem>>
      %dma_start3A_92 = tpu.memref_squeeze %dma_start3A_91 : memref<1x128xi32, #tpu.memory_space<vmem>> -> memref<128xi32, #tpu.memory_space<vmem>>
      %dma_start3A_93 = arith.constant 0 : i32
      %dma_start3A_94 = arith.constant 0 : i32
      %dma_start3A_95 = tpu.memref_slice %arg11[%dma_start3A_93, %dma_start3A_94] : memref<10112x64xf32, #tpu.memory_space<vmem_shared>> -> memref<10112x64xf32, #tpu.memory_space<vmem_shared>>
      tpu.enqueue_indirect_dma source(%dma_start3A_89 : memref<128x64xf32, #tpu.memory_space<vmem>>) target(%dma_start3A_95 : memref<10112x64xf32, #tpu.memory_space<vmem_shared>>) offsets(%dma_start3A_92 : memref<128xi32, #tpu.memory_space<vmem>>) semaphore(%arg15 : memref<!tpu.dma_semaphore, #tpu.memory_space<semaphore_mem>>) {add = true}
      %add3A_96 = arith.constant 0 : i32
      %add3A_97 = arith.addi %mul3A_44, %add3A_96 : i32
      %dma_wait3A_98 = arith.constant 0 : i32
      %dma_wait3A_99 = arith.constant 0 : i32
      %dma_wait3A_100 = arith.constant 0 : i32
      %dma_wait3A_101 = tpu.memref_slice %arg9[%dma_wait3A_98, %dma_wait3A_99, %dma_wait3A_100] : memref<2x128x64xf32, #tpu.memory_space<vmem>> -> memref<1x128x64xf32, #tpu.memory_space<vmem>>
      %dma_wait3A_102 = tpu.memref_squeeze %dma_wait3A_101 : memref<1x128x64xf32, #tpu.memory_space<vmem>> -> memref<128x64xf32, #tpu.memory_space<vmem>>
      %dma_wait3A_103 = arith.constant 0 : i32
      %dma_wait3A_104 = tpu.memref_slice %arg8[%add3A_97, %dma_wait3A_103] : memref<80x128xi32, #tpu.memory_space<vmem>> -> memref<1x128xi32, #tpu.memory_space<vmem>>
      %dma_wait3A_105 = tpu.memref_squeeze %dma_wait3A_104 : memref<1x128xi32, #tpu.memory_space<vmem>> -> memref<128xi32, #tpu.memory_space<vmem>>
      %dma_wait3A_106 = arith.constant 0 : i32
      %dma_wait3A_107 = arith.constant 0 : i32
      %dma_wait3A_108 = tpu.memref_slice %arg11[%dma_wait3A_106, %dma_wait3A_107] : memref<10112x64xf32, #tpu.memory_space<vmem_shared>> -> memref<10112x64xf32, #tpu.memory_space<vmem_shared>>
      tpu.wait_indirect_dma semaphore(%arg14 : memref<!tpu.dma_semaphore, #tpu.memory_space<semaphore_mem>>) src(%dma_wait3A_102 : memref<128x64xf32, #tpu.memory_space<vmem>>) dst(%dma_wait3A_108 : memref<10112x64xf32, #tpu.memory_space<vmem_shared>>)
      %add3A_109 = arith.constant 0 : i32
      %add3A_110 = arith.addi %mul3A_44, %add3A_109 : i32
      %add3A_111 = arith.constant 2 : i32
      %add3A_112 = arith.addi %add3A_110, %add3A_111 : i32
      %lt3A = arith.constant 80 : i32
      %lt3A_113 = arith.cmpi slt, %add3A_112, %lt3A : i32
      %convert_element_type3A = arith.extui %lt3A_113 : i1 to i32
      %cond3A = arith.constant 0 : i32
      %cond3A_114 = arith.cmpi ne, %convert_element_type3A, %cond3A : i32
      scf.if %cond3A_114 {
        %add3A_233 = arith.constant 0 : i32
        %add3A_234 = arith.addi %mul3A_44, %add3A_233 : i32
        %add3A_235 = arith.constant 2 : i32
        %add3A_236 = arith.addi %add3A_234, %add3A_235 : i32
        %dma_start3A_237 = arith.constant 0 : i32
        %dma_start3A_238 = arith.constant 0 : i32
        %dma_start3A_239 = arith.constant 0 : i32
        %dma_start3A_240 = tpu.memref_slice %arg9[%dma_start3A_237, %dma_start3A_238, %dma_start3A_239] : memref<2x128x64xf32, #tpu.memory_space<vmem>> -> memref<1x128x64xf32, #tpu.memory_space<vmem>>
        %dma_start3A_241 = tpu.memref_squeeze %dma_start3A_240 : memref<1x128x64xf32, #tpu.memory_space<vmem>> -> memref<128x64xf32, #tpu.memory_space<vmem>>
        %dma_start3A_242 = arith.constant 0 : i32
        %dma_start3A_243 = tpu.memref_slice %arg7[%add3A_236, %dma_start3A_242] : memref<80x128xi32, #tpu.memory_space<vmem>> -> memref<1x128xi32, #tpu.memory_space<vmem>>
        %dma_start3A_244 = tpu.memref_squeeze %dma_start3A_243 : memref<1x128xi32, #tpu.memory_space<vmem>> -> memref<128xi32, #tpu.memory_space<vmem>>
        %dma_start3A_245 = arith.constant 0 : i32
        %dma_start3A_246 = arith.constant 0 : i32
        %dma_start3A_247 = tpu.memref_slice %arg10[%dma_start3A_245, %dma_start3A_246] : memref<10112x64xf32, #tpu.memory_space<vmem_shared>> -> memref<10112x64xf32, #tpu.memory_space<vmem_shared>>
        tpu.enqueue_indirect_dma source(%dma_start3A_247 : memref<10112x64xf32, #tpu.memory_space<vmem_shared>>) target(%dma_start3A_241 : memref<128x64xf32, #tpu.memory_space<vmem>>) offsets(%dma_start3A_244 : memref<128xi32, #tpu.memory_space<vmem>>) semaphore(%arg12 : memref<!tpu.dma_semaphore, #tpu.memory_space<semaphore_mem>>)
      } else {
      }
      %add3A_115 = arith.constant 1 : i32
      %add3A_116 = arith.addi %mul3A_44, %add3A_115 : i32
      %dma_wait3A_117 = arith.constant 1 : i32
      %dma_wait3A_118 = arith.constant 0 : i32
      %dma_wait3A_119 = arith.constant 0 : i32
      %dma_wait3A_120 = tpu.memref_slice %arg9[%dma_wait3A_117, %dma_wait3A_118, %dma_wait3A_119] : memref<2x128x64xf32, #tpu.memory_space<vmem>> -> memref<1x128x64xf32, #tpu.memory_space<vmem>>
      %dma_wait3A_121 = tpu.memref_squeeze %dma_wait3A_120 : memref<1x128x64xf32, #tpu.memory_space<vmem>> -> memref<128x64xf32, #tpu.memory_space<vmem>>
      %dma_wait3A_122 = arith.constant 0 : i32
      %dma_wait3A_123 = tpu.memref_slice %arg8[%add3A_116, %dma_wait3A_122] : memref<80x128xi32, #tpu.memory_space<vmem>> -> memref<1x128xi32, #tpu.memory_space<vmem>>
      %dma_wait3A_124 = tpu.memref_squeeze %dma_wait3A_123 : memref<1x128xi32, #tpu.memory_space<vmem>> -> memref<128xi32, #tpu.memory_space<vmem>>
      %dma_wait3A_125 = arith.constant 0 : i32
      %dma_wait3A_126 = arith.constant 0 : i32
      %dma_wait3A_127 = tpu.memref_slice %arg11[%dma_wait3A_125, %dma_wait3A_126] : memref<10112x64xf32, #tpu.memory_space<vmem_shared>> -> memref<10112x64xf32, #tpu.memory_space<vmem_shared>>
      tpu.wait_indirect_dma semaphore(%arg15 : memref<!tpu.dma_semaphore, #tpu.memory_space<semaphore_mem>>) src(%dma_wait3A_121 : memref<128x64xf32, #tpu.memory_space<vmem>>) dst(%dma_wait3A_127 : memref<10112x64xf32, #tpu.memory_space<vmem_shared>>)
      %add3A_128 = arith.constant 1 : i32
      %add3A_129 = arith.addi %mul3A_44, %add3A_128 : i32
      %add3A_130 = arith.constant 2 : i32
      %add3A_131 = arith.addi %add3A_129, %add3A_130 : i32
      %lt3A_132 = arith.constant 80 : i32
      %lt3A_133 = arith.cmpi slt, %add3A_131, %lt3A_132 : i32
      %convert_element_type3A_134 = arith.extui %lt3A_133 : i1 to i32
      %cond3A_135 = arith.constant 0 : i32
      %cond3A_136 = arith.cmpi ne, %convert_element_type3A_134, %cond3A_135 : i32
      scf.if %cond3A_136 {
        %add3A_233 = arith.constant 1 : i32
        %add3A_234 = arith.addi %mul3A_44, %add3A_233 : i32
        %add3A_235 = arith.constant 2 : i32
        %add3A_236 = arith.addi %add3A_234, %add3A_235 : i32
        %dma_start3A_237 = arith.constant 1 : i32
        %dma_start3A_238 = arith.constant 0 : i32
        %dma_start3A_239 = arith.constant 0 : i32
        %dma_start3A_240 = tpu.memref_slice %arg9[%dma_start3A_237, %dma_start3A_238, %dma_start3A_239] : memref<2x128x64xf32, #tpu.memory_space<vmem>> -> memref<1x128x64xf32, #tpu.memory_space<vmem>>
        %dma_start3A_241 = tpu.memref_squeeze %dma_start3A_240 : memref<1x128x64xf32, #tpu.memory_space<vmem>> -> memref<128x64xf32, #tpu.memory_space<vmem>>
        %dma_start3A_242 = arith.constant 0 : i32
        %dma_start3A_243 = tpu.memref_slice %arg7[%add3A_236, %dma_start3A_242] : memref<80x128xi32, #tpu.memory_space<vmem>> -> memref<1x128xi32, #tpu.memory_space<vmem>>
        %dma_start3A_244 = tpu.memref_squeeze %dma_start3A_243 : memref<1x128xi32, #tpu.memory_space<vmem>> -> memref<128xi32, #tpu.memory_space<vmem>>
        %dma_start3A_245 = arith.constant 0 : i32
        %dma_start3A_246 = arith.constant 0 : i32
        %dma_start3A_247 = tpu.memref_slice %arg10[%dma_start3A_245, %dma_start3A_246] : memref<10112x64xf32, #tpu.memory_space<vmem_shared>> -> memref<10112x64xf32, #tpu.memory_space<vmem_shared>>
        tpu.enqueue_indirect_dma source(%dma_start3A_247 : memref<10112x64xf32, #tpu.memory_space<vmem_shared>>) target(%dma_start3A_241 : memref<128x64xf32, #tpu.memory_space<vmem>>) offsets(%dma_start3A_244 : memref<128xi32, #tpu.memory_space<vmem>>) semaphore(%arg13 : memref<!tpu.dma_semaphore, #tpu.memory_space<semaphore_mem>>)
      } else {
      }
      %add3A_137 = arith.constant 2 : i32
      %add3A_138 = arith.addi %mul3A_44, %add3A_137 : i32
      %dma_wait3A_139 = arith.constant 0 : i32
      %dma_wait3A_140 = arith.constant 0 : i32
      %dma_wait3A_141 = arith.constant 0 : i32
      %dma_wait3A_142 = tpu.memref_slice %arg9[%dma_wait3A_139, %dma_wait3A_140, %dma_wait3A_141] : memref<2x128x64xf32, #tpu.memory_space<vmem>> -> memref<1x128x64xf32, #tpu.memory_space<vmem>>
      %dma_wait3A_143 = tpu.memref_squeeze %dma_wait3A_142 : memref<1x128x64xf32, #tpu.memory_space<vmem>> -> memref<128x64xf32, #tpu.memory_space<vmem>>
      %dma_wait3A_144 = arith.constant 0 : i32
      %dma_wait3A_145 = tpu.memref_slice %arg7[%add3A_138, %dma_wait3A_144] : memref<80x128xi32, #tpu.memory_space<vmem>> -> memref<1x128xi32, #tpu.memory_space<vmem>>
      %dma_wait3A_146 = tpu.memref_squeeze %dma_wait3A_145 : memref<1x128xi32, #tpu.memory_space<vmem>> -> memref<128xi32, #tpu.memory_space<vmem>>
      %dma_wait3A_147 = arith.constant 0 : i32
      %dma_wait3A_148 = arith.constant 0 : i32
      %dma_wait3A_149 = tpu.memref_slice %arg10[%dma_wait3A_147, %dma_wait3A_148] : memref<10112x64xf32, #tpu.memory_space<vmem_shared>> -> memref<10112x64xf32, #tpu.memory_space<vmem_shared>>
      tpu.wait_indirect_dma semaphore(%arg12 : memref<!tpu.dma_semaphore, #tpu.memory_space<semaphore_mem>>) src(%dma_wait3A_149 : memref<10112x64xf32, #tpu.memory_space<vmem_shared>>) dst(%dma_wait3A_143 : memref<128x64xf32, #tpu.memory_space<vmem>>)
      %add3A_150 = arith.constant 2 : i32
      %add3A_151 = arith.addi %mul3A_44, %add3A_150 : i32
      %dma_start3A_152 = arith.constant 0 : i32
      %dma_start3A_153 = arith.constant 0 : i32
      %dma_start3A_154 = arith.constant 0 : i32
      %dma_start3A_155 = tpu.memref_slice %arg9[%dma_start3A_152, %dma_start3A_153, %dma_start3A_154] : memref<2x128x64xf32, #tpu.memory_space<vmem>> -> memref<1x128x64xf32, #tpu.memory_space<vmem>>
      %dma_start3A_156 = tpu.memref_squeeze %dma_start3A_155 : memref<1x128x64xf32, #tpu.memory_space<vmem>> -> memref<128x64xf32, #tpu.memory_space<vmem>>
      %dma_start3A_157 = arith.constant 0 : i32
      %dma_start3A_158 = tpu.memref_slice %arg8[%add3A_151, %dma_start3A_157] : memref<80x128xi32, #tpu.memory_space<vmem>> -> memref<1x128xi32, #tpu.memory_space<vmem>>
      %dma_start3A_159 = tpu.memref_squeeze %dma_start3A_158 : memref<1x128xi32, #tpu.memory_space<vmem>> -> memref<128xi32, #tpu.memory_space<vmem>>
      %dma_start3A_160 = arith.constant 0 : i32
      %dma_start3A_161 = arith.constant 0 : i32
      %dma_start3A_162 = tpu.memref_slice %arg11[%dma_start3A_160, %dma_start3A_161] : memref<10112x64xf32, #tpu.memory_space<vmem_shared>> -> memref<10112x64xf32, #tpu.memory_space<vmem_shared>>
      tpu.enqueue_indirect_dma source(%dma_start3A_156 : memref<128x64xf32, #tpu.memory_space<vmem>>) target(%dma_start3A_162 : memref<10112x64xf32, #tpu.memory_space<vmem_shared>>) offsets(%dma_start3A_159 : memref<128xi32, #tpu.memory_space<vmem>>) semaphore(%arg14 : memref<!tpu.dma_semaphore, #tpu.memory_space<semaphore_mem>>) {add = true}
      %add3A_163 = arith.constant 3 : i32
      %add3A_164 = arith.addi %mul3A_44, %add3A_163 : i32
      %dma_wait3A_165 = arith.constant 1 : i32
      %dma_wait3A_166 = arith.constant 0 : i32
      %dma_wait3A_167 = arith.constant 0 : i32
      %dma_wait3A_168 = tpu.memref_slice %arg9[%dma_wait3A_165, %dma_wait3A_166, %dma_wait3A_167] : memref<2x128x64xf32, #tpu.memory_space<vmem>> -> memref<1x128x64xf32, #tpu.memory_space<vmem>>
      %dma_wait3A_169 = tpu.memref_squeeze %dma_wait3A_168 : memref<1x128x64xf32, #tpu.memory_space<vmem>> -> memref<128x64xf32, #tpu.memory_space<vmem>>
      %dma_wait3A_170 = arith.constant 0 : i32
      %dma_wait3A_171 = tpu.memref_slice %arg7[%add3A_164, %dma_wait3A_170] : memref<80x128xi32, #tpu.memory_space<vmem>> -> memref<1x128xi32, #tpu.memory_space<vmem>>
      %dma_wait3A_172 = tpu.memref_squeeze %dma_wait3A_171 : memref<1x128xi32, #tpu.memory_space<vmem>> -> memref<128xi32, #tpu.memory_space<vmem>>
      %dma_wait3A_173 = arith.constant 0 : i32
      %dma_wait3A_174 = arith.constant 0 : i32
      %dma_wait3A_175 = tpu.memref_slice %arg10[%dma_wait3A_173, %dma_wait3A_174] : memref<10112x64xf32, #tpu.memory_space<vmem_shared>> -> memref<10112x64xf32, #tpu.memory_space<vmem_shared>>
      tpu.wait_indirect_dma semaphore(%arg13 : memref<!tpu.dma_semaphore, #tpu.memory_space<semaphore_mem>>) src(%dma_wait3A_175 : memref<10112x64xf32, #tpu.memory_space<vmem_shared>>) dst(%dma_wait3A_169 : memref<128x64xf32, #tpu.memory_space<vmem>>)
      %add3A_176 = arith.constant 3 : i32
      %add3A_177 = arith.addi %mul3A_44, %add3A_176 : i32
      %dma_start3A_178 = arith.constant 1 : i32
      %dma_start3A_179 = arith.constant 0 : i32
      %dma_start3A_180 = arith.constant 0 : i32
      %dma_start3A_181 = tpu.memref_slice %arg9[%dma_start3A_178, %dma_start3A_179, %dma_start3A_180] : memref<2x128x64xf32, #tpu.memory_space<vmem>> -> memref<1x128x64xf32, #tpu.memory_space<vmem>>
      %dma_start3A_182 = tpu.memref_squeeze %dma_start3A_181 : memref<1x128x64xf32, #tpu.memory_space<vmem>> -> memref<128x64xf32, #tpu.memory_space<vmem>>
      %dma_start3A_183 = arith.constant 0 : i32
      %dma_start3A_184 = tpu.memref_slice %arg8[%add3A_177, %dma_start3A_183] : memref<80x128xi32, #tpu.memory_space<vmem>> -> memref<1x128xi32, #tpu.memory_space<vmem>>
      %dma_start3A_185 = tpu.memref_squeeze %dma_start3A_184 : memref<1x128xi32, #tpu.memory_space<vmem>> -> memref<128xi32, #tpu.memory_space<vmem>>
      %dma_start3A_186 = arith.constant 0 : i32
      %dma_start3A_187 = arith.constant 0 : i32
      %dma_start3A_188 = tpu.memref_slice %arg11[%dma_start3A_186, %dma_start3A_187] : memref<10112x64xf32, #tpu.memory_space<vmem_shared>> -> memref<10112x64xf32, #tpu.memory_space<vmem_shared>>
      tpu.enqueue_indirect_dma source(%dma_start3A_182 : memref<128x64xf32, #tpu.memory_space<vmem>>) target(%dma_start3A_188 : memref<10112x64xf32, #tpu.memory_space<vmem_shared>>) offsets(%dma_start3A_185 : memref<128xi32, #tpu.memory_space<vmem>>) semaphore(%arg15 : memref<!tpu.dma_semaphore, #tpu.memory_space<semaphore_mem>>) {add = true}
      %add3A_189 = arith.constant 2 : i32
      %add3A_190 = arith.addi %mul3A_44, %add3A_189 : i32
      %dma_wait3A_191 = arith.constant 0 : i32
      %dma_wait3A_192 = arith.constant 0 : i32
      %dma_wait3A_193 = arith.constant 0 : i32
      %dma_wait3A_194 = tpu.memref_slice %arg9[%dma_wait3A_191, %dma_wait3A_192, %dma_wait3A_193] : memref<2x128x64xf32, #tpu.memory_space<vmem>> -> memref<1x128x64xf32, #tpu.memory_space<vmem>>
      %dma_wait3A_195 = tpu.memref_squeeze %dma_wait3A_194 : memref<1x128x64xf32, #tpu.memory_space<vmem>> -> memref<128x64xf32, #tpu.memory_space<vmem>>
      %dma_wait3A_196 = arith.constant 0 : i32
      %dma_wait3A_197 = tpu.memref_slice %arg8[%add3A_190, %dma_wait3A_196] : memref<80x128xi32, #tpu.memory_space<vmem>> -> memref<1x128xi32, #tpu.memory_space<vmem>>
      %dma_wait3A_198 = tpu.memref_squeeze %dma_wait3A_197 : memref<1x128xi32, #tpu.memory_space<vmem>> -> memref<128xi32, #tpu.memory_space<vmem>>
      %dma_wait3A_199 = arith.constant 0 : i32
      %dma_wait3A_200 = arith.constant 0 : i32
      %dma_wait3A_201 = tpu.memref_slice %arg11[%dma_wait3A_199, %dma_wait3A_200] : memref<10112x64xf32, #tpu.memory_space<vmem_shared>> -> memref<10112x64xf32, #tpu.memory_space<vmem_shared>>
      tpu.wait_indirect_dma semaphore(%arg14 : memref<!tpu.dma_semaphore, #tpu.memory_space<semaphore_mem>>) src(%dma_wait3A_195 : memref<128x64xf32, #tpu.memory_space<vmem>>) dst(%dma_wait3A_201 : memref<10112x64xf32, #tpu.memory_space<vmem_shared>>)
      %add3A_202 = arith.constant 2 : i32
      %add3A_203 = arith.addi %mul3A_44, %add3A_202 : i32
      %add3A_204 = arith.constant 2 : i32
      %add3A_205 = arith.addi %add3A_203, %add3A_204 : i32
      %lt3A_206 = arith.constant 80 : i32
      %lt3A_207 = arith.cmpi slt, %add3A_205, %lt3A_206 : i32
      %convert_element_type3A_208 = arith.extui %lt3A_207 : i1 to i32
      %cond3A_209 = arith.constant 0 : i32
      %cond3A_210 = arith.cmpi ne, %convert_element_type3A_208, %cond3A_209 : i32
      scf.if %cond3A_210 {
        %add3A_233 = arith.constant 2 : i32
        %add3A_234 = arith.addi %mul3A_44, %add3A_233 : i32
        %add3A_235 = arith.constant 2 : i32
        %add3A_236 = arith.addi %add3A_234, %add3A_235 : i32
        %dma_start3A_237 = arith.constant 0 : i32
        %dma_start3A_238 = arith.constant 0 : i32
        %dma_start3A_239 = arith.constant 0 : i32
        %dma_start3A_240 = tpu.memref_slice %arg9[%dma_start3A_237, %dma_start3A_238, %dma_start3A_239] : memref<2x128x64xf32, #tpu.memory_space<vmem>> -> memref<1x128x64xf32, #tpu.memory_space<vmem>>
        %dma_start3A_241 = tpu.memref_squeeze %dma_start3A_240 : memref<1x128x64xf32, #tpu.memory_space<vmem>> -> memref<128x64xf32, #tpu.memory_space<vmem>>
        %dma_start3A_242 = arith.constant 0 : i32
        %dma_start3A_243 = tpu.memref_slice %arg7[%add3A_236, %dma_start3A_242] : memref<80x128xi32, #tpu.memory_space<vmem>> -> memref<1x128xi32, #tpu.memory_space<vmem>>
        %dma_start3A_244 = tpu.memref_squeeze %dma_start3A_243 : memref<1x128xi32, #tpu.memory_space<vmem>> -> memref<128xi32, #tpu.memory_space<vmem>>
        %dma_start3A_245 = arith.constant 0 : i32
        %dma_start3A_246 = arith.constant 0 : i32
        %dma_start3A_247 = tpu.memref_slice %arg10[%dma_start3A_245, %dma_start3A_246] : memref<10112x64xf32, #tpu.memory_space<vmem_shared>> -> memref<10112x64xf32, #tpu.memory_space<vmem_shared>>
        tpu.enqueue_indirect_dma source(%dma_start3A_247 : memref<10112x64xf32, #tpu.memory_space<vmem_shared>>) target(%dma_start3A_241 : memref<128x64xf32, #tpu.memory_space<vmem>>) offsets(%dma_start3A_244 : memref<128xi32, #tpu.memory_space<vmem>>) semaphore(%arg12 : memref<!tpu.dma_semaphore, #tpu.memory_space<semaphore_mem>>)
      } else {
      }
      %add3A_211 = arith.constant 3 : i32
      %add3A_212 = arith.addi %mul3A_44, %add3A_211 : i32
      %dma_wait3A_213 = arith.constant 1 : i32
      %dma_wait3A_214 = arith.constant 0 : i32
      %dma_wait3A_215 = arith.constant 0 : i32
      %dma_wait3A_216 = tpu.memref_slice %arg9[%dma_wait3A_213, %dma_wait3A_214, %dma_wait3A_215] : memref<2x128x64xf32, #tpu.memory_space<vmem>> -> memref<1x128x64xf32, #tpu.memory_space<vmem>>
      %dma_wait3A_217 = tpu.memref_squeeze %dma_wait3A_216 : memref<1x128x64xf32, #tpu.memory_space<vmem>> -> memref<128x64xf32, #tpu.memory_space<vmem>>
      %dma_wait3A_218 = arith.constant 0 : i32
      %dma_wait3A_219 = tpu.memref_slice %arg8[%add3A_212, %dma_wait3A_218] : memref<80x128xi32, #tpu.memory_space<vmem>> -> memref<1x128xi32, #tpu.memory_space<vmem>>
      %dma_wait3A_220 = tpu.memref_squeeze %dma_wait3A_219 : memref<1x128xi32, #tpu.memory_space<vmem>> -> memref<128xi32, #tpu.memory_space<vmem>>
      %dma_wait3A_221 = arith.constant 0 : i32
      %dma_wait3A_222 = arith.constant 0 : i32
      %dma_wait3A_223 = tpu.memref_slice %arg11[%dma_wait3A_221, %dma_wait3A_222] : memref<10112x64xf32, #tpu.memory_space<vmem_shared>> -> memref<10112x64xf32, #tpu.memory_space<vmem_shared>>
      tpu.wait_indirect_dma semaphore(%arg15 : memref<!tpu.dma_semaphore, #tpu.memory_space<semaphore_mem>>) src(%dma_wait3A_217 : memref<128x64xf32, #tpu.memory_space<vmem>>) dst(%dma_wait3A_223 : memref<10112x64xf32, #tpu.memory_space<vmem_shared>>)
      %add3A_224 = arith.constant 3 : i32
      %add3A_225 = arith.addi %mul3A_44, %add3A_224 : i32
      %add3A_226 = arith.constant 2 : i32
      %add3A_227 = arith.addi %add3A_225, %add3A_226 : i32
      %lt3A_228 = arith.constant 80 : i32
      %lt3A_229 = arith.cmpi slt, %add3A_227, %lt3A_228 : i32
      %convert_element_type3A_230 = arith.extui %lt3A_229 : i1 to i32
      %cond3A_231 = arith.constant 0 : i32
      %cond3A_232 = arith.cmpi ne, %convert_element_type3A_230, %cond3A_231 : i32
      scf.if %cond3A_232 {
        %add3A_233 = arith.constant 3 : i32
        %add3A_234 = arith.addi %mul3A_44, %add3A_233 : i32
        %add3A_235 = arith.constant 2 : i32
        %add3A_236 = arith.addi %add3A_234, %add3A_235 : i32
        %dma_start3A_237 = arith.constant 1 : i32
        %dma_start3A_238 = arith.constant 0 : i32
        %dma_start3A_239 = arith.constant 0 : i32
        %dma_start3A_240 = tpu.memref_slice %arg9[%dma_start3A_237, %dma_start3A_238, %dma_start3A_239] : memref<2x128x64xf32, #tpu.memory_space<vmem>> -> memref<1x128x64xf32, #tpu.memory_space<vmem>>
        %dma_start3A_241 = tpu.memref_squeeze %dma_start3A_240 : memref<1x128x64xf32, #tpu.memory_space<vmem>> -> memref<128x64xf32, #tpu.memory_space<vmem>>
        %dma_start3A_242 = arith.constant 0 : i32
        %dma_start3A_243 = tpu.memref_slice %arg7[%add3A_236, %dma_start3A_242] : memref<80x128xi32, #tpu.memory_space<vmem>> -> memref<1x128xi32, #tpu.memory_space<vmem>>
        %dma_start3A_244 = tpu.memref_squeeze %dma_start3A_243 : memref<1x128xi32, #tpu.memory_space<vmem>> -> memref<128xi32, #tpu.memory_space<vmem>>
        %dma_start3A_245 = arith.constant 0 : i32
        %dma_start3A_246 = arith.constant 0 : i32
        %dma_start3A_247 = tpu.memref_slice %arg10[%dma_start3A_245, %dma_start3A_246] : memref<10112x64xf32, #tpu.memory_space<vmem_shared>> -> memref<10112x64xf32, #tpu.memory_space<vmem_shared>>
        tpu.enqueue_indirect_dma source(%dma_start3A_247 : memref<10112x64xf32, #tpu.memory_space<vmem_shared>>) target(%dma_start3A_241 : memref<128x64xf32, #tpu.memory_space<vmem>>) offsets(%dma_start3A_244 : memref<128xi32, #tpu.memory_space<vmem>>) semaphore(%arg13 : memref<!tpu.dma_semaphore, #tpu.memory_space<semaphore_mem>>)
      } else {
      }
    }
    %scan3A_36 = arith.constant 20 : i32
    %barrier3A_37 = arith.constant 0 : index
    tpu.barrier barrier_id(%barrier3A_37)
    %mul3A_38 = arith.constant 632 : i32
    %mul3A_39 = arith.muli %arg1, %mul3A_38 : i32
    %mul3A_40 = arith.constant 632 : i32
    %mul3A_41 = arith.muli %arg1, %mul3A_40 : i32
    "tpu.region"() ({
      %run_scoped3A = tpu.sem_alloc : memref<!tpu.dma_semaphore, #tpu.memory_space<semaphore_mem>>
      %dma_start3A_42 = arith.constant 0 : i32
      %dma_start3A_43 = tpu.memref_slice %arg6[%arg0, %mul3A_41, %dma_start3A_42] : memref<2x10112x64xf32, #tpu.memory_space<hbm>> -> memref<1x632x64xf32, #tpu.memory_space<hbm>>
      %dma_start3A_44 = tpu.memref_squeeze %dma_start3A_43 : memref<1x632x64xf32, #tpu.memory_space<hbm>> -> memref<632x64xf32, #tpu.memory_space<hbm>>
      %dma_start3A_45 = arith.constant 0 : i32
      %dma_start3A_46 = tpu.memref_slice %arg11[%mul3A_39, %dma_start3A_45] : memref<10112x64xf32, #tpu.memory_space<vmem_shared>> -> memref<632x64xf32, #tpu.memory_space<vmem_shared>>
      tpu.enqueue_dma source(%dma_start3A_46 : memref<632x64xf32, #tpu.memory_space<vmem_shared>>) target(%dma_start3A_44 : memref<632x64xf32, #tpu.memory_space<hbm>>) target_semaphore(%run_scoped3A : memref<!tpu.dma_semaphore, #tpu.memory_space<semaphore_mem>>)
      %dma_wait3A = arith.constant 0 : i32
      %dma_wait3A_47 = tpu.memref_slice %arg6[%arg0, %mul3A_41, %dma_wait3A] : memref<2x10112x64xf32, #tpu.memory_space<hbm>> -> memref<1x632x64xf32, #tpu.memory_space<hbm>>
      %dma_wait3A_48 = tpu.memref_squeeze %dma_wait3A_47 : memref<1x632x64xf32, #tpu.memory_space<hbm>> -> memref<632x64xf32, #tpu.memory_space<hbm>>
      %dma_wait3A_49 = arith.constant 0 : i32
      %dma_wait3A_50 = tpu.memref_slice %arg11[%mul3A_39, %dma_wait3A_49] : memref<10112x64xf32, #tpu.memory_space<vmem_shared>> -> memref<632x64xf32, #tpu.memory_space<vmem_shared>>
      tpu.wait_dma2 semaphore(%run_scoped3A : memref<!tpu.dma_semaphore, #tpu.memory_space<semaphore_mem>>) src(%dma_wait3A_50 : memref<632x64xf32, #tpu.memory_space<vmem_shared>>) dst(%dma_wait3A_48 : memref<632x64xf32, #tpu.memory_space<hbm>>)
      tpu.yield
    }) : () -> ()
    return
  }
}

#map = affine_map<(d0, d1) -> (0, 0)>
#map1 = affine_map<(d0, d1) -> (0)>
module attributes {stable_mosaic.version = 14 : i64} {
  func.func @deg(%arg0: i32, %arg1: i32, %arg2: memref<32x10240xi32, #tpu.memory_space<hbm>>, %arg3: memref<10112xf32, #tpu.memory_space<hbm>>, %arg4: memref<32x10112xf32, #tpu.memory_space<hbm>>, %arg5: memref<10240xi32, #tpu.memory_space<vmem>>, %arg6: memref<10112xf32, #tpu.memory_space<vmem>>) attributes {dimension_semantics = [#tpu.dimension_semantics<core_parallel>, #tpu.dimension_semantics<subcore_parallel>], iteration_bounds = array<i64: 2, 16>, scalar_prefetch = 0 : i64, scratch_operands = 2 : i64, tpu.core_type = #tpu.core_type<sc_vector_subcore>, window_params = [{transform_indices = #map}, {transform_indices = #map1}, {transform_indices = #map}]} {
    %mul3A = arith.constant 2 : i32
    %mul3A_0 = arith.muli %arg1, %mul3A : i32
    %add3A = arith.addi %mul3A_0, %arg0 : i32
    "tpu.region"() ({
      %run_scoped3A = tpu.sem_alloc : memref<!tpu.dma_semaphore, #tpu.memory_space<semaphore_mem>>
      %dma_start3A = arith.constant 0 : i32
      %dma_start3A_7 = tpu.memref_slice %arg2[%add3A, %dma_start3A] : memref<32x10240xi32, #tpu.memory_space<hbm>> -> memref<1x10240xi32, #tpu.memory_space<hbm>>
      %dma_start3A_8 = tpu.memref_squeeze %dma_start3A_7 : memref<1x10240xi32, #tpu.memory_space<hbm>> -> memref<10240xi32, #tpu.memory_space<hbm>>
      %dma_start3A_9 = arith.constant 0 : i32
      %dma_start3A_10 = tpu.memref_slice %arg2[%add3A, %dma_start3A_9] : memref<32x10240xi32, #tpu.memory_space<hbm>> -> memref<1x10240xi32, #tpu.memory_space<hbm>>
      %dma_start3A_11 = tpu.memref_squeeze %dma_start3A_10 : memref<1x10240xi32, #tpu.memory_space<hbm>> -> memref<10240xi32, #tpu.memory_space<hbm>>
      tpu.enqueue_dma source(%dma_start3A_11 : memref<10240xi32, #tpu.memory_space<hbm>>) target(%arg5 : memref<10240xi32, #tpu.memory_space<vmem>>) target_semaphore(%run_scoped3A : memref<!tpu.dma_semaphore, #tpu.memory_space<semaphore_mem>>)
      %dma_wait3A = arith.constant 0 : i32
      %dma_wait3A_12 = tpu.memref_slice %arg2[%add3A, %dma_wait3A] : memref<32x10240xi32, #tpu.memory_space<hbm>> -> memref<1x10240xi32, #tpu.memory_space<hbm>>
      %dma_wait3A_13 = tpu.memref_squeeze %dma_wait3A_12 : memref<1x10240xi32, #tpu.memory_space<hbm>> -> memref<10240xi32, #tpu.memory_space<hbm>>
      %dma_wait3A_14 = arith.constant 0 : i32
      %dma_wait3A_15 = tpu.memref_slice %arg2[%add3A, %dma_wait3A_14] : memref<32x10240xi32, #tpu.memory_space<hbm>> -> memref<1x10240xi32, #tpu.memory_space<hbm>>
      %dma_wait3A_16 = tpu.memref_squeeze %dma_wait3A_15 : memref<1x10240xi32, #tpu.memory_space<hbm>> -> memref<10240xi32, #tpu.memory_space<hbm>>
      tpu.wait_dma2 semaphore(%run_scoped3A : memref<!tpu.dma_semaphore, #tpu.memory_space<semaphore_mem>>) src(%dma_wait3A_16 : memref<10240xi32, #tpu.memory_space<hbm>>) dst(%arg5 : memref<10240xi32, #tpu.memory_space<vmem>>)
      tpu.yield
    }) : () -> ()
    "tpu.region"() ({
      %run_scoped3A = tpu.sem_alloc : memref<!tpu.dma_semaphore, #tpu.memory_space<semaphore_mem>>
      tpu.enqueue_dma source(%arg3 : memref<10112xf32, #tpu.memory_space<hbm>>) target(%arg6 : memref<10112xf32, #tpu.memory_space<vmem>>) target_semaphore(%run_scoped3A : memref<!tpu.dma_semaphore, #tpu.memory_space<semaphore_mem>>)
      tpu.wait_dma2 semaphore(%run_scoped3A : memref<!tpu.dma_semaphore, #tpu.memory_space<semaphore_mem>>) src(%arg3 : memref<10112xf32, #tpu.memory_space<hbm>>) dst(%arg6 : memref<10112xf32, #tpu.memory_space<vmem>>)
      tpu.yield
    }) : () -> ()
    %broadcast_in_dim3A = arith.constant 1.000000e+00 : f32
    %broadcast_in_dim3A_1 = vector.broadcast %broadcast_in_dim3A : f32 to vector<16xf32>
    %scan3A = arith.constant 0 : i32
    %scan3A_2 = arith.constant 0 : i32
    %scan3A_3 = arith.constant 80 : i32
    %scan3A_4 = arith.addi %scan3A_2, %scan3A_3 : i32
    %scan3A_5 = arith.constant 1 : i32
    scf.for %scan3A_7 = %scan3A_2 to %scan3A_4 step %scan3A_5  : i32 {
      %mul3A_8 = arith.constant 8 : i32
      %mul3A_9 = arith.muli %mul3A_8, %scan3A_7 : i32
      %add3A_10 = arith.constant 0 : i32
      %add3A_11 = arith.addi %mul3A_9, %add3A_10 : i32
      %mul3A_12 = arith.constant 16 : i32
      %mul3A_13 = arith.muli %add3A_11, %mul3A_12 : i32
      %get3A = arith.index_cast %mul3A_13 : i32 to index
      %get3A_14 = tpu.vector_load %arg5[%get3A] {strides = array<i32>} : memref<10240xi32, #tpu.memory_space<vmem>>, vector<16xi32>,
      tpu.vector_store_idx %arg6[%get3A_14], %broadcast_in_dim3A_1 {add = true} : memref<10112xf32, #tpu.memory_space<vmem>>[vector<16xi32>], vector<16xf32>,
      %mul3A_15 = arith.constant 8 : i32
      %mul3A_16 = arith.muli %mul3A_15, %scan3A_7 : i32
      %add3A_17 = arith.constant 1 : i32
      %add3A_18 = arith.addi %mul3A_16, %add3A_17 : i32
      %mul3A_19 = arith.constant 16 : i32
      %mul3A_20 = arith.muli %add3A_18, %mul3A_19 : i32
      %get3A_21 = arith.index_cast %mul3A_20 : i32 to index
      %get3A_22 = tpu.vector_load %arg5[%get3A_21] {strides = array<i32>} : memref<10240xi32, #tpu.memory_space<vmem>>, vector<16xi32>,
      tpu.vector_store_idx %arg6[%get3A_22], %broadcast_in_dim3A_1 {add = true} : memref<10112xf32, #tpu.memory_space<vmem>>[vector<16xi32>], vector<16xf32>,
      %mul3A_23 = arith.constant 8 : i32
      %mul3A_24 = arith.muli %mul3A_23, %scan3A_7 : i32
      %add3A_25 = arith.constant 2 : i32
      %add3A_26 = arith.addi %mul3A_24, %add3A_25 : i32
      %mul3A_27 = arith.constant 16 : i32
      %mul3A_28 = arith.muli %add3A_26, %mul3A_27 : i32
      %get3A_29 = arith.index_cast %mul3A_28 : i32 to index
      %get3A_30 = tpu.vector_load %arg5[%get3A_29] {strides = array<i32>} : memref<10240xi32, #tpu.memory_space<vmem>>, vector<16xi32>,
      tpu.vector_store_idx %arg6[%get3A_30], %broadcast_in_dim3A_1 {add = true} : memref<10112xf32, #tpu.memory_space<vmem>>[vector<16xi32>], vector<16xf32>,
      %mul3A_31 = arith.constant 8 : i32
      %mul3A_32 = arith.muli %mul3A_31, %scan3A_7 : i32
      %add3A_33 = arith.constant 3 : i32
      %add3A_34 = arith.addi %mul3A_32, %add3A_33 : i32
      %mul3A_35 = arith.constant 16 : i32
      %mul3A_36 = arith.muli %add3A_34, %mul3A_35 : i32
      %get3A_37 = arith.index_cast %mul3A_36 : i32 to index
      %get3A_38 = tpu.vector_load %arg5[%get3A_37] {strides = array<i32>} : memref<10240xi32, #tpu.memory_space<vmem>>, vector<16xi32>,
      tpu.vector_store_idx %arg6[%get3A_38], %broadcast_in_dim3A_1 {add = true} : memref<10112xf32, #tpu.memory_space<vmem>>[vector<16xi32>], vector<16xf32>,
      %mul3A_39 = arith.constant 8 : i32
      %mul3A_40 = arith.muli %mul3A_39, %scan3A_7 : i32
      %add3A_41 = arith.constant 4 : i32
      %add3A_42 = arith.addi %mul3A_40, %add3A_41 : i32
      %mul3A_43 = arith.constant 16 : i32
      %mul3A_44 = arith.muli %add3A_42, %mul3A_43 : i32
      %get3A_45 = arith.index_cast %mul3A_44 : i32 to index
      %get3A_46 = tpu.vector_load %arg5[%get3A_45] {strides = array<i32>} : memref<10240xi32, #tpu.memory_space<vmem>>, vector<16xi32>,
      tpu.vector_store_idx %arg6[%get3A_46], %broadcast_in_dim3A_1 {add = true} : memref<10112xf32, #tpu.memory_space<vmem>>[vector<16xi32>], vector<16xf32>,
      %mul3A_47 = arith.constant 8 : i32
      %mul3A_48 = arith.muli %mul3A_47, %scan3A_7 : i32
      %add3A_49 = arith.constant 5 : i32
      %add3A_50 = arith.addi %mul3A_48, %add3A_49 : i32
      %mul3A_51 = arith.constant 16 : i32
      %mul3A_52 = arith.muli %add3A_50, %mul3A_51 : i32
      %get3A_53 = arith.index_cast %mul3A_52 : i32 to index
      %get3A_54 = tpu.vector_load %arg5[%get3A_53] {strides = array<i32>} : memref<10240xi32, #tpu.memory_space<vmem>>, vector<16xi32>,
      tpu.vector_store_idx %arg6[%get3A_54], %broadcast_in_dim3A_1 {add = true} : memref<10112xf32, #tpu.memory_space<vmem>>[vector<16xi32>], vector<16xf32>,
      %mul3A_55 = arith.constant 8 : i32
      %mul3A_56 = arith.muli %mul3A_55, %scan3A_7 : i32
      %add3A_57 = arith.constant 6 : i32
      %add3A_58 = arith.addi %mul3A_56, %add3A_57 : i32
      %mul3A_59 = arith.constant 16 : i32
      %mul3A_60 = arith.muli %add3A_58, %mul3A_59 : i32
      %get3A_61 = arith.index_cast %mul3A_60 : i32 to index
      %get3A_62 = tpu.vector_load %arg5[%get3A_61] {strides = array<i32>} : memref<10240xi32, #tpu.memory_space<vmem>>, vector<16xi32>,
      tpu.vector_store_idx %arg6[%get3A_62], %broadcast_in_dim3A_1 {add = true} : memref<10112xf32, #tpu.memory_space<vmem>>[vector<16xi32>], vector<16xf32>,
      %mul3A_63 = arith.constant 8 : i32
      %mul3A_64 = arith.muli %mul3A_63, %scan3A_7 : i32
      %add3A_65 = arith.constant 7 : i32
      %add3A_66 = arith.addi %mul3A_64, %add3A_65 : i32
      %mul3A_67 = arith.constant 16 : i32
      %mul3A_68 = arith.muli %add3A_66, %mul3A_67 : i32
      %get3A_69 = arith.index_cast %mul3A_68 : i32 to index
      %get3A_70 = tpu.vector_load %arg5[%get3A_69] {strides = array<i32>} : memref<10240xi32, #tpu.memory_space<vmem>>, vector<16xi32>,
      tpu.vector_store_idx %arg6[%get3A_70], %broadcast_in_dim3A_1 {add = true} : memref<10112xf32, #tpu.memory_space<vmem>>[vector<16xi32>], vector<16xf32>,
    }
    %scan3A_6 = arith.constant 80 : i32
    "tpu.region"() ({
      %run_scoped3A = tpu.sem_alloc : memref<!tpu.dma_semaphore, #tpu.memory_space<semaphore_mem>>
      %dma_start3A = arith.constant 0 : i32
      %dma_start3A_7 = tpu.memref_slice %arg4[%add3A, %dma_start3A] : memref<32x10112xf32, #tpu.memory_space<hbm>> -> memref<1x10112xf32, #tpu.memory_space<hbm>>
      %dma_start3A_8 = tpu.memref_squeeze %dma_start3A_7 : memref<1x10112xf32, #tpu.memory_space<hbm>> -> memref<10112xf32, #tpu.memory_space<hbm>>
      %dma_start3A_9 = arith.constant 0 : i32
      %dma_start3A_10 = tpu.memref_slice %arg4[%add3A, %dma_start3A_9] : memref<32x10112xf32, #tpu.memory_space<hbm>> -> memref<1x10112xf32, #tpu.memory_space<hbm>>
      %dma_start3A_11 = tpu.memref_squeeze %dma_start3A_10 : memref<1x10112xf32, #tpu.memory_space<hbm>> -> memref<10112xf32, #tpu.memory_space<hbm>>
      tpu.enqueue_dma source(%arg6 : memref<10112xf32, #tpu.memory_space<vmem>>) target(%dma_start3A_11 : memref<10112xf32, #tpu.memory_space<hbm>>) target_semaphore(%run_scoped3A : memref<!tpu.dma_semaphore, #tpu.memory_space<semaphore_mem>>)
      %dma_wait3A = arith.constant 0 : i32
      %dma_wait3A_12 = tpu.memref_slice %arg4[%add3A, %dma_wait3A] : memref<32x10112xf32, #tpu.memory_space<hbm>> -> memref<1x10112xf32, #tpu.memory_space<hbm>>
      %dma_wait3A_13 = tpu.memref_squeeze %dma_wait3A_12 : memref<1x10112xf32, #tpu.memory_space<hbm>> -> memref<10112xf32, #tpu.memory_space<hbm>>
      %dma_wait3A_14 = arith.constant 0 : i32
      %dma_wait3A_15 = tpu.memref_slice %arg4[%add3A, %dma_wait3A_14] : memref<32x10112xf32, #tpu.memory_space<hbm>> -> memref<1x10112xf32, #tpu.memory_space<hbm>>
      %dma_wait3A_16 = tpu.memref_squeeze %dma_wait3A_15 : memref<1x10112xf32, #tpu.memory_space<hbm>> -> memref<10112xf32, #tpu.memory_space<hbm>>
      tpu.wait_dma2 semaphore(%run_scoped3A : memref<!tpu.dma_semaphore, #tpu.memory_space<semaphore_mem>>) src(%arg6 : memref<10112xf32, #tpu.memory_space<vmem>>) dst(%dma_wait3A_16 : memref<10112xf32, #tpu.memory_space<hbm>>)
      tpu.yield
    }) : () -> ()
    return
  }
}

#map = affine_map<(d0, d1) -> (0, 0)>
#map1 = affine_map<(d0, d1) -> (0, 0, 0)>
module attributes {stable_mosaic.version = 14 : i64} {
  func.func @agg(%arg0: i32, %arg1: i32, %arg2: memref<10112x64xf32, #tpu.memory_space<hbm>>, %arg3: memref<32x80x128xi32, #tpu.memory_space<hbm>>, %arg4: memref<32x80x128xi32, #tpu.memory_space<hbm>>, %arg5: memref<10112x64xf32, #tpu.memory_space<hbm>>, %arg6: memref<2x10112x64xf32, #tpu.memory_space<hbm>>, %arg7: memref<80x128xi32, #tpu.memory_space<vmem>>, %arg8: memref<80x128xi32, #tpu.memory_space<vmem>>, %arg9: memref<2x128x64xf32, #tpu.memory_space<vmem>>, %arg10: memref<10112x64xf32, #tpu.memory_space<vmem_shared>>, %arg11: memref<10112x64xf32, #tpu.memory_space<vmem_shared>>, %arg12: memref<!tpu.dma_semaphore, #tpu.memory_space<semaphore_mem>>, %arg13: memref<!tpu.dma_semaphore, #tpu.memory_space<semaphore_mem>>, %arg14: memref<!tpu.dma_semaphore, #tpu.memory_space<semaphore_mem>>, %arg15: memref<!tpu.dma_semaphore, #tpu.memory_space<semaphore_mem>>) attributes {dimension_semantics = [#tpu.dimension_semantics<core_parallel>, #tpu.dimension_semantics<subcore_parallel>], iteration_bounds = array<i64: 2, 16>, scalar_prefetch = 0 : i64, scratch_operands = 9 : i64, tpu.core_type = #tpu.core_type<sc_vector_subcore>, window_params = [{transform_indices = #map}, {transform_indices = #map1}, {transform_indices = #map1}, {transform_indices = #map}, {transform_indices = #map1}]} {
    %mul3A = arith.constant 2 : i32
    %mul3A_0 = arith.muli %arg1, %mul3A : i32
    %add3A = arith.addi %mul3A_0, %arg0 : i32
    "tpu.region"() ({
      %run_scoped3A = tpu.sem_alloc : memref<!tpu.dma_semaphore, #tpu.memory_space<semaphore_mem>>
      %dma_start3A_42 = arith.constant 0 : i32
      %dma_start3A_43 = arith.constant 0 : i32
      %dma_start3A_44 = tpu.memref_slice %arg3[%add3A, %dma_start3A_42, %dma_start3A_43] : memref<32x80x128xi32, #tpu.memory_space<hbm>> -> memref<1x80x128xi32, #tpu.memory_space<hbm>>
      %dma_start3A_45 = tpu.memref_squeeze %dma_start3A_44 : memref<1x80x128xi32, #tpu.memory_space<hbm>> -> memref<80x128xi32, #tpu.memory_space<hbm>>
      %dma_start3A_46 = arith.constant 0 : i32
      %dma_start3A_47 = arith.constant 0 : i32
      %dma_start3A_48 = tpu.memref_slice %arg3[%add3A, %dma_start3A_46, %dma_start3A_47] : memref<32x80x128xi32, #tpu.memory_space<hbm>> -> memref<1x80x128xi32, #tpu.memory_space<hbm>>
      %dma_start3A_49 = tpu.memref_squeeze %dma_start3A_48 : memref<1x80x128xi32, #tpu.memory_space<hbm>> -> memref<80x128xi32, #tpu.memory_space<hbm>>
      tpu.enqueue_dma source(%dma_start3A_49 : memref<80x128xi32, #tpu.memory_space<hbm>>) target(%arg7 : memref<80x128xi32, #tpu.memory_space<vmem>>) target_semaphore(%run_scoped3A : memref<!tpu.dma_semaphore, #tpu.memory_space<semaphore_mem>>)
      %dma_wait3A = arith.constant 0 : i32
      %dma_wait3A_50 = arith.constant 0 : i32
      %dma_wait3A_51 = tpu.memref_slice %arg3[%add3A, %dma_wait3A, %dma_wait3A_50] : memref<32x80x128xi32, #tpu.memory_space<hbm>> -> memref<1x80x128xi32, #tpu.memory_space<hbm>>
      %dma_wait3A_52 = tpu.memref_squeeze %dma_wait3A_51 : memref<1x80x128xi32, #tpu.memory_space<hbm>> -> memref<80x128xi32, #tpu.memory_space<hbm>>
      %dma_wait3A_53 = arith.constant 0 : i32
      %dma_wait3A_54 = arith.constant 0 : i32
      %dma_wait3A_55 = tpu.memref_slice %arg3[%add3A, %dma_wait3A_53, %dma_wait3A_54] : memref<32x80x128xi32, #tpu.memory_space<hbm>> -> memref<1x80x128xi32, #tpu.memory_space<hbm>>
      %dma_wait3A_56 = tpu.memref_squeeze %dma_wait3A_55 : memref<1x80x128xi32, #tpu.memory_space<hbm>> -> memref<80x128xi32, #tpu.memory_space<hbm>>
      tpu.wait_dma2 semaphore(%run_scoped3A : memref<!tpu.dma_semaphore, #tpu.memory_space<semaphore_mem>>) src(%dma_wait3A_56 : memref<80x128xi32, #tpu.memory_space<hbm>>) dst(%arg7 : memref<80x128xi32, #tpu.memory_space<vmem>>)
      tpu.yield
    }) : () -> ()
    "tpu.region"() ({
      %run_scoped3A = tpu.sem_alloc : memref<!tpu.dma_semaphore, #tpu.memory_space<semaphore_mem>>
      %dma_start3A_42 = arith.constant 0 : i32
      %dma_start3A_43 = arith.constant 0 : i32
      %dma_start3A_44 = tpu.memref_slice %arg4[%add3A, %dma_start3A_42, %dma_start3A_43] : memref<32x80x128xi32, #tpu.memory_space<hbm>> -> memref<1x80x128xi32, #tpu.memory_space<hbm>>
      %dma_start3A_45 = tpu.memref_squeeze %dma_start3A_44 : memref<1x80x128xi32, #tpu.memory_space<hbm>> -> memref<80x128xi32, #tpu.memory_space<hbm>>
      %dma_start3A_46 = arith.constant 0 : i32
      %dma_start3A_47 = arith.constant 0 : i32
      %dma_start3A_48 = tpu.memref_slice %arg4[%add3A, %dma_start3A_46, %dma_start3A_47] : memref<32x80x128xi32, #tpu.memory_space<hbm>> -> memref<1x80x128xi32, #tpu.memory_space<hbm>>
      %dma_start3A_49 = tpu.memref_squeeze %dma_start3A_48 : memref<1x80x128xi32, #tpu.memory_space<hbm>> -> memref<80x128xi32, #tpu.memory_space<hbm>>
      tpu.enqueue_dma source(%dma_start3A_49 : memref<80x128xi32, #tpu.memory_space<hbm>>) target(%arg8 : memref<80x128xi32, #tpu.memory_space<vmem>>) target_semaphore(%run_scoped3A : memref<!tpu.dma_semaphore, #tpu.memory_space<semaphore_mem>>)
      %dma_wait3A = arith.constant 0 : i32
      %dma_wait3A_50 = arith.constant 0 : i32
      %dma_wait3A_51 = tpu.memref_slice %arg4[%add3A, %dma_wait3A, %dma_wait3A_50] : memref<32x80x128xi32, #tpu.memory_space<hbm>> -> memref<1x80x128xi32, #tpu.memory_space<hbm>>
      %dma_wait3A_52 = tpu.memref_squeeze %dma_wait3A_51 : memref<1x80x128xi32, #tpu.memory_space<hbm>> -> memref<80x128xi32, #tpu.memory_space<hbm>>
      %dma_wait3A_53 = arith.constant 0 : i32
      %dma_wait3A_54 = arith.constant 0 : i32
      %dma_wait3A_55 = tpu.memref_slice %arg4[%add3A, %dma_wait3A_53, %dma_wait3A_54] : memref<32x80x128xi32, #tpu.memory_space<hbm>> -> memref<1x80x128xi32, #tpu.memory_space<hbm>>
      %dma_wait3A_56 = tpu.memref_squeeze %dma_wait3A_55 : memref<1x80x128xi32, #tpu.memory_space<hbm>> -> memref<80x128xi32, #tpu.memory_space<hbm>>
      tpu.wait_dma2 semaphore(%run_scoped3A : memref<!tpu.dma_semaphore, #tpu.memory_space<semaphore_mem>>) src(%dma_wait3A_56 : memref<80x128xi32, #tpu.memory_space<hbm>>) dst(%arg8 : memref<80x128xi32, #tpu.memory_space<vmem>>)
      tpu.yield
    }) : () -> ()
    %mul3A_1 = arith.constant 632 : i32
    %mul3A_2 = arith.muli %arg1, %mul3A_1 : i32
    %mul3A_3 = arith.constant 632 : i32
    %mul3A_4 = arith.muli %arg1, %mul3A_3 : i32
    "tpu.region"() ({
      %run_scoped3A = tpu.sem_alloc : memref<!tpu.dma_semaphore, #tpu.memory_space<semaphore_mem>>
      %dma_start3A_42 = arith.constant 0 : i32
      %dma_start3A_43 = tpu.memref_slice %arg10[%mul3A_4, %dma_start3A_42] : memref<10112x64xf32, #tpu.memory_space<vmem_shared>> -> memref<632x64xf32, #tpu.memory_space<vmem_shared>>
      %dma_start3A_44 = arith.constant 0 : i32
      %dma_start3A_45 = tpu.memref_slice %arg2[%mul3A_2, %dma_start3A_44] : memref<10112x64xf32, #tpu.memory_space<hbm>> -> memref<632x64xf32, #tpu.memory_space<hbm>>
      tpu.enqueue_dma source(%dma_start3A_45 : memref<632x64xf32, #tpu.memory_space<hbm>>) target(%dma_start3A_43 : memref<632x64xf32, #tpu.memory_space<vmem_shared>>) target_semaphore(%run_scoped3A : memref<!tpu.dma_semaphore, #tpu.memory_space<semaphore_mem>>)
      %dma_wait3A = arith.constant 0 : i32
      %dma_wait3A_46 = tpu.memref_slice %arg10[%mul3A_4, %dma_wait3A] : memref<10112x64xf32, #tpu.memory_space<vmem_shared>> -> memref<632x64xf32, #tpu.memory_space<vmem_shared>>
      %dma_wait3A_47 = arith.constant 0 : i32
      %dma_wait3A_48 = tpu.memref_slice %arg2[%mul3A_2, %dma_wait3A_47] : memref<10112x64xf32, #tpu.memory_space<hbm>> -> memref<632x64xf32, #tpu.memory_space<hbm>>
      tpu.wait_dma2 semaphore(%run_scoped3A : memref<!tpu.dma_semaphore, #tpu.memory_space<semaphore_mem>>) src(%dma_wait3A_48 : memref<632x64xf32, #tpu.memory_space<hbm>>) dst(%dma_wait3A_46 : memref<632x64xf32, #tpu.memory_space<vmem_shared>>)
      tpu.yield
    }) : () -> ()
    %mul3A_5 = arith.constant 632 : i32
    %mul3A_6 = arith.muli %arg1, %mul3A_5 : i32
    %mul3A_7 = arith.constant 632 : i32
    %mul3A_8 = arith.muli %arg1, %mul3A_7 : i32
    "tpu.region"() ({
      %run_scoped3A = tpu.sem_alloc : memref<!tpu.dma_semaphore, #tpu.memory_space<semaphore_mem>>
      %dma_start3A_42 = arith.constant 0 : i32
      %dma_start3A_43 = tpu.memref_slice %arg11[%mul3A_8, %dma_start3A_42] : memref<10112x64xf32, #tpu.memory_space<vmem_shared>> -> memref<632x64xf32, #tpu.memory_space<vmem_shared>>
      %dma_start3A_44 = arith.constant 0 : i32
      %dma_start3A_45 = tpu.memref_slice %arg5[%mul3A_6, %dma_start3A_44] : memref<10112x64xf32, #tpu.memory_space<hbm>> -> memref<632x64xf32, #tpu.memory_space<hbm>>
      tpu.enqueue_dma source(%dma_start3A_45 : memref<632x64xf32, #tpu.memory_space<hbm>>) target(%dma_start3A_43 : memref<632x64xf32, #tpu.memory_space<vmem_shared>>) target_semaphore(%run_scoped3A : memref<!tpu.dma_semaphore, #tpu.memory_space<semaphore_mem>>)
      %dma_wait3A = arith.constant 0 : i32
      %dma_wait3A_46 = tpu.memref_slice %arg11[%mul3A_8, %dma_wait3A] : memref<10112x64xf32, #tpu.memory_space<vmem_shared>> -> memref<632x64xf32, #tpu.memory_space<vmem_shared>>
      %dma_wait3A_47 = arith.constant 0 : i32
      %dma_wait3A_48 = tpu.memref_slice %arg5[%mul3A_6, %dma_wait3A_47] : memref<10112x64xf32, #tpu.memory_space<hbm>> -> memref<632x64xf32, #tpu.memory_space<hbm>>
      tpu.wait_dma2 semaphore(%run_scoped3A : memref<!tpu.dma_semaphore, #tpu.memory_space<semaphore_mem>>) src(%dma_wait3A_48 : memref<632x64xf32, #tpu.memory_space<hbm>>) dst(%dma_wait3A_46 : memref<632x64xf32, #tpu.memory_space<vmem_shared>>)
      tpu.yield
    }) : () -> ()
    %barrier3A = arith.constant 0 : index
    tpu.barrier barrier_id(%barrier3A)
    %dma_start3A = arith.constant 0 : i32
    %dma_start3A_9 = arith.constant 0 : i32
    %dma_start3A_10 = arith.constant 0 : i32
    %dma_start3A_11 = arith.constant 0 : i32
    %dma_start3A_12 = tpu.memref_slice %arg9[%dma_start3A_9, %dma_start3A_10, %dma_start3A_11] : memref<2x128x64xf32, #tpu.memory_space<vmem>> -> memref<1x128x64xf32, #tpu.memory_space<vmem>>
    %dma_start3A_13 = tpu.memref_squeeze %dma_start3A_12 : memref<1x128x64xf32, #tpu.memory_space<vmem>> -> memref<128x64xf32, #tpu.memory_space<vmem>>
    %dma_start3A_14 = arith.constant 0 : i32
    %dma_start3A_15 = tpu.memref_slice %arg7[%dma_start3A, %dma_start3A_14] : memref<80x128xi32, #tpu.memory_space<vmem>> -> memref<1x128xi32, #tpu.memory_space<vmem>>
    %dma_start3A_16 = tpu.memref_squeeze %dma_start3A_15 : memref<1x128xi32, #tpu.memory_space<vmem>> -> memref<128xi32, #tpu.memory_space<vmem>>
    %dma_start3A_17 = arith.constant 0 : i32
    %dma_start3A_18 = arith.constant 0 : i32
    %dma_start3A_19 = tpu.memref_slice %arg10[%dma_start3A_17, %dma_start3A_18] : memref<10112x64xf32, #tpu.memory_space<vmem_shared>> -> memref<10112x64xf32, #tpu.memory_space<vmem_shared>>
    tpu.enqueue_indirect_dma source(%dma_start3A_19 : memref<10112x64xf32, #tpu.memory_space<vmem_shared>>) target(%dma_start3A_13 : memref<128x64xf32, #tpu.memory_space<vmem>>) offsets(%dma_start3A_16 : memref<128xi32, #tpu.memory_space<vmem>>) semaphore(%arg12 : memref<!tpu.dma_semaphore, #tpu.memory_space<semaphore_mem>>)
    %dma_start3A_20 = arith.constant 1 : i32
    %dma_start3A_21 = arith.constant 1 : i32
    %dma_start3A_22 = arith.constant 0 : i32
    %dma_start3A_23 = arith.constant 0 : i32
    %dma_start3A_24 = tpu.memref_slice %arg9[%dma_start3A_21, %dma_start3A_22, %dma_start3A_23] : memref<2x128x64xf32, #tpu.memory_space<vmem>> -> memref<1x128x64xf32, #tpu.memory_space<vmem>>
    %dma_start3A_25 = tpu.memref_squeeze %dma_start3A_24 : memref<1x128x64xf32, #tpu.memory_space<vmem>> -> memref<128x64xf32, #tpu.memory_space<vmem>>
    %dma_start3A_26 = arith.constant 0 : i32
    %dma_start3A_27 = tpu.memref_slice %arg7[%dma_start3A_20, %dma_start3A_26] : memref<80x128xi32, #tpu.memory_space<vmem>> -> memref<1x128xi32, #tpu.memory_space<vmem>>
    %dma_start3A_28 = tpu.memref_squeeze %dma_start3A_27 : memref<1x128xi32, #tpu.memory_space<vmem>> -> memref<128xi32, #tpu.memory_space<vmem>>
    %dma_start3A_29 = arith.constant 0 : i32
    %dma_start3A_30 = arith.constant 0 : i32
    %dma_start3A_31 = tpu.memref_slice %arg10[%dma_start3A_29, %dma_start3A_30] : memref<10112x64xf32, #tpu.memory_space<vmem_shared>> -> memref<10112x64xf32, #tpu.memory_space<vmem_shared>>
    tpu.enqueue_indirect_dma source(%dma_start3A_31 : memref<10112x64xf32, #tpu.memory_space<vmem_shared>>) target(%dma_start3A_25 : memref<128x64xf32, #tpu.memory_space<vmem>>) offsets(%dma_start3A_28 : memref<128xi32, #tpu.memory_space<vmem>>) semaphore(%arg13 : memref<!tpu.dma_semaphore, #tpu.memory_space<semaphore_mem>>)
    %scan3A = arith.constant 0 : i32
    %scan3A_32 = arith.constant 0 : i32
    %scan3A_33 = arith.constant 20 : i32
    %scan3A_34 = arith.addi %scan3A_32, %scan3A_33 : i32
    %scan3A_35 = arith.constant 1 : i32
    scf.for %scan3A_42 = %scan3A_32 to %scan3A_34 step %scan3A_35  : i32 {
      %mul3A_43 = arith.constant 4 : i32
      %mul3A_44 = arith.muli %mul3A_43, %scan3A_42 : i32
      %add3A_45 = arith.constant 0 : i32
      %add3A_46 = arith.addi %mul3A_44, %add3A_45 : i32
      %dma_wait3A = arith.constant 0 : i32
      %dma_wait3A_47 = arith.constant 0 : i32
      %dma_wait3A_48 = arith.constant 0 : i32
      %dma_wait3A_49 = tpu.memref_slice %arg9[%dma_wait3A, %dma_wait3A_47, %dma_wait3A_48] : memref<2x128x64xf32, #tpu.memory_space<vmem>> -> memref<1x128x64xf32, #tpu.memory_space<vmem>>
      %dma_wait3A_50 = tpu.memref_squeeze %dma_wait3A_49 : memref<1x128x64xf32, #tpu.memory_space<vmem>> -> memref<128x64xf32, #tpu.memory_space<vmem>>
      %dma_wait3A_51 = arith.constant 0 : i32
      %dma_wait3A_52 = tpu.memref_slice %arg7[%add3A_46, %dma_wait3A_51] : memref<80x128xi32, #tpu.memory_space<vmem>> -> memref<1x128xi32, #tpu.memory_space<vmem>>
      %dma_wait3A_53 = tpu.memref_squeeze %dma_wait3A_52 : memref<1x128xi32, #tpu.memory_space<vmem>> -> memref<128xi32, #tpu.memory_space<vmem>>
      %dma_wait3A_54 = arith.constant 0 : i32
      %dma_wait3A_55 = arith.constant 0 : i32
      %dma_wait3A_56 = tpu.memref_slice %arg10[%dma_wait3A_54, %dma_wait3A_55] : memref<10112x64xf32, #tpu.memory_space<vmem_shared>> -> memref<10112x64xf32, #tpu.memory_space<vmem_shared>>
      tpu.wait_indirect_dma semaphore(%arg12 : memref<!tpu.dma_semaphore, #tpu.memory_space<semaphore_mem>>) src(%dma_wait3A_56 : memref<10112x64xf32, #tpu.memory_space<vmem_shared>>) dst(%dma_wait3A_50 : memref<128x64xf32, #tpu.memory_space<vmem>>)
      %add3A_57 = arith.constant 0 : i32
      %add3A_58 = arith.addi %mul3A_44, %add3A_57 : i32
      %dma_start3A_59 = arith.constant 0 : i32
      %dma_start3A_60 = arith.constant 0 : i32
      %dma_start3A_61 = arith.constant 0 : i32
      %dma_start3A_62 = tpu.memref_slice %arg9[%dma_start3A_59, %dma_start3A_60, %dma_start3A_61] : memref<2x128x64xf32, #tpu.memory_space<vmem>> -> memref<1x128x64xf32, #tpu.memory_space<vmem>>
      %dma_start3A_63 = tpu.memref_squeeze %dma_start3A_62 : memref<1x128x64xf32, #tpu.memory_space<vmem>> -> memref<128x64xf32, #tpu.memory_space<vmem>>
      %dma_start3A_64 = arith.constant 0 : i32
      %dma_start3A_65 = tpu.memref_slice %arg8[%add3A_58, %dma_start3A_64] : memref<80x128xi32, #tpu.memory_space<vmem>> -> memref<1x128xi32, #tpu.memory_space<vmem>>
      %dma_start3A_66 = tpu.memref_squeeze %dma_start3A_65 : memref<1x128xi32, #tpu.memory_space<vmem>> -> memref<128xi32, #tpu.memory_space<vmem>>
      %dma_start3A_67 = arith.constant 0 : i32
      %dma_start3A_68 = arith.constant 0 : i32
      %dma_start3A_69 = tpu.memref_slice %arg11[%dma_start3A_67, %dma_start3A_68] : memref<10112x64xf32, #tpu.memory_space<vmem_shared>> -> memref<10112x64xf32, #tpu.memory_space<vmem_shared>>
      tpu.enqueue_indirect_dma source(%dma_start3A_63 : memref<128x64xf32, #tpu.memory_space<vmem>>) target(%dma_start3A_69 : memref<10112x64xf32, #tpu.memory_space<vmem_shared>>) offsets(%dma_start3A_66 : memref<128xi32, #tpu.memory_space<vmem>>) semaphore(%arg14 : memref<!tpu.dma_semaphore, #tpu.memory_space<semaphore_mem>>) {add = true}
      %add3A_70 = arith.constant 1 : i32
      %add3A_71 = arith.addi %mul3A_44, %add3A_70 : i32
      %dma_wait3A_72 = arith.constant 1 : i32
      %dma_wait3A_73 = arith.constant 0 : i32
      %dma_wait3A_74 = arith.constant 0 : i32
      %dma_wait3A_75 = tpu.memref_slice %arg9[%dma_wait3A_72, %dma_wait3A_73, %dma_wait3A_74] : memref<2x128x64xf32, #tpu.memory_space<vmem>> -> memref<1x128x64xf32, #tpu.memory_space<vmem>>
      %dma_wait3A_76 = tpu.memref_squeeze %dma_wait3A_75 : memref<1x128x64xf32, #tpu.memory_space<vmem>> -> memref<128x64xf32, #tpu.memory_space<vmem>>
      %dma_wait3A_77 = arith.constant 0 : i32
      %dma_wait3A_78 = tpu.memref_slice %arg7[%add3A_71, %dma_wait3A_77] : memref<80x128xi32, #tpu.memory_space<vmem>> -> memref<1x128xi32, #tpu.memory_space<vmem>>
      %dma_wait3A_79 = tpu.memref_squeeze %dma_wait3A_78 : memref<1x128xi32, #tpu.memory_space<vmem>> -> memref<128xi32, #tpu.memory_space<vmem>>
      %dma_wait3A_80 = arith.constant 0 : i32
      %dma_wait3A_81 = arith.constant 0 : i32
      %dma_wait3A_82 = tpu.memref_slice %arg10[%dma_wait3A_80, %dma_wait3A_81] : memref<10112x64xf32, #tpu.memory_space<vmem_shared>> -> memref<10112x64xf32, #tpu.memory_space<vmem_shared>>
      tpu.wait_indirect_dma semaphore(%arg13 : memref<!tpu.dma_semaphore, #tpu.memory_space<semaphore_mem>>) src(%dma_wait3A_82 : memref<10112x64xf32, #tpu.memory_space<vmem_shared>>) dst(%dma_wait3A_76 : memref<128x64xf32, #tpu.memory_space<vmem>>)
      %add3A_83 = arith.constant 1 : i32
      %add3A_84 = arith.addi %mul3A_44, %add3A_83 : i32
      %dma_start3A_85 = arith.constant 1 : i32
      %dma_start3A_86 = arith.constant 0 : i32
      %dma_start3A_87 = arith.constant 0 : i32
      %dma_start3A_88 = tpu.memref_slice %arg9[%dma_start3A_85, %dma_start3A_86, %dma_start3A_87] : memref<2x128x64xf32, #tpu.memory_space<vmem>> -> memref<1x128x64xf32, #tpu.memory_space<vmem>>
      %dma_start3A_89 = tpu.memref_squeeze %dma_start3A_88 : memref<1x128x64xf32, #tpu.memory_space<vmem>> -> memref<128x64xf32, #tpu.memory_space<vmem>>
      %dma_start3A_90 = arith.constant 0 : i32
      %dma_start3A_91 = tpu.memref_slice %arg8[%add3A_84, %dma_start3A_90] : memref<80x128xi32, #tpu.memory_space<vmem>> -> memref<1x128xi32, #tpu.memory_space<vmem>>
      %dma_start3A_92 = tpu.memref_squeeze %dma_start3A_91 : memref<1x128xi32, #tpu.memory_space<vmem>> -> memref<128xi32, #tpu.memory_space<vmem>>
      %dma_start3A_93 = arith.constant 0 : i32
      %dma_start3A_94 = arith.constant 0 : i32
      %dma_start3A_95 = tpu.memref_slice %arg11[%dma_start3A_93, %dma_start3A_94] : memref<10112x64xf32, #tpu.memory_space<vmem_shared>> -> memref<10112x64xf32, #tpu.memory_space<vmem_shared>>
      tpu.enqueue_indirect_dma source(%dma_start3A_89 : memref<128x64xf32, #tpu.memory_space<vmem>>) target(%dma_start3A_95 : memref<10112x64xf32, #tpu.memory_space<vmem_shared>>) offsets(%dma_start3A_92 : memref<128xi32, #tpu.memory_space<vmem>>) semaphore(%arg15 : memref<!tpu.dma_semaphore, #tpu.memory_space<semaphore_mem>>) {add = true}
      %add3A_96 = arith.constant 0 : i32
      %add3A_97 = arith.addi %mul3A_44, %add3A_96 : i32
      %dma_wait3A_98 = arith.constant 0 : i32
      %dma_wait3A_99 = arith.constant 0 : i32
      %dma_wait3A_100 = arith.constant 0 : i32
      %dma_wait3A_101 = tpu.memref_slice %arg9[%dma_wait3A_98, %dma_wait3A_99, %dma_wait3A_100] : memref<2x128x64xf32, #tpu.memory_space<vmem>> -> memref<1x128x64xf32, #tpu.memory_space<vmem>>
      %dma_wait3A_102 = tpu.memref_squeeze %dma_wait3A_101 : memref<1x128x64xf32, #tpu.memory_space<vmem>> -> memref<128x64xf32, #tpu.memory_space<vmem>>
      %dma_wait3A_103 = arith.constant 0 : i32
      %dma_wait3A_104 = tpu.memref_slice %arg8[%add3A_97, %dma_wait3A_103] : memref<80x128xi32, #tpu.memory_space<vmem>> -> memref<1x128xi32, #tpu.memory_space<vmem>>
      %dma_wait3A_105 = tpu.memref_squeeze %dma_wait3A_104 : memref<1x128xi32, #tpu.memory_space<vmem>> -> memref<128xi32, #tpu.memory_space<vmem>>
      %dma_wait3A_106 = arith.constant 0 : i32
      %dma_wait3A_107 = arith.constant 0 : i32
      %dma_wait3A_108 = tpu.memref_slice %arg11[%dma_wait3A_106, %dma_wait3A_107] : memref<10112x64xf32, #tpu.memory_space<vmem_shared>> -> memref<10112x64xf32, #tpu.memory_space<vmem_shared>>
      tpu.wait_indirect_dma semaphore(%arg14 : memref<!tpu.dma_semaphore, #tpu.memory_space<semaphore_mem>>) src(%dma_wait3A_102 : memref<128x64xf32, #tpu.memory_space<vmem>>) dst(%dma_wait3A_108 : memref<10112x64xf32, #tpu.memory_space<vmem_shared>>)
      %add3A_109 = arith.constant 0 : i32
      %add3A_110 = arith.addi %mul3A_44, %add3A_109 : i32
      %add3A_111 = arith.constant 2 : i32
      %add3A_112 = arith.addi %add3A_110, %add3A_111 : i32
      %lt3A = arith.constant 80 : i32
      %lt3A_113 = arith.cmpi slt, %add3A_112, %lt3A : i32
      %convert_element_type3A = arith.extui %lt3A_113 : i1 to i32
      %cond3A = arith.constant 0 : i32
      %cond3A_114 = arith.cmpi ne, %convert_element_type3A, %cond3A : i32
      scf.if %cond3A_114 {
        %add3A_233 = arith.constant 0 : i32
        %add3A_234 = arith.addi %mul3A_44, %add3A_233 : i32
        %add3A_235 = arith.constant 2 : i32
        %add3A_236 = arith.addi %add3A_234, %add3A_235 : i32
        %dma_start3A_237 = arith.constant 0 : i32
        %dma_start3A_238 = arith.constant 0 : i32
        %dma_start3A_239 = arith.constant 0 : i32
        %dma_start3A_240 = tpu.memref_slice %arg9[%dma_start3A_237, %dma_start3A_238, %dma_start3A_239] : memref<2x128x64xf32, #tpu.memory_space<vmem>> -> memref<1x128x64xf32, #tpu.memory_space<vmem>>
        %dma_start3A_241 = tpu.memref_squeeze %dma_start3A_240 : memref<1x128x64xf32, #tpu.memory_space<vmem>> -> memref<128x64xf32, #tpu.memory_space<vmem>>
        %dma_start3A_242 = arith.constant 0 : i32
        %dma_start3A_243 = tpu.memref_slice %arg7[%add3A_236, %dma_start3A_242] : memref<80x128xi32, #tpu.memory_space<vmem>> -> memref<1x128xi32, #tpu.memory_space<vmem>>
        %dma_start3A_244 = tpu.memref_squeeze %dma_start3A_243 : memref<1x128xi32, #tpu.memory_space<vmem>> -> memref<128xi32, #tpu.memory_space<vmem>>
        %dma_start3A_245 = arith.constant 0 : i32
        %dma_start3A_246 = arith.constant 0 : i32
        %dma_start3A_247 = tpu.memref_slice %arg10[%dma_start3A_245, %dma_start3A_246] : memref<10112x64xf32, #tpu.memory_space<vmem_shared>> -> memref<10112x64xf32, #tpu.memory_space<vmem_shared>>
        tpu.enqueue_indirect_dma source(%dma_start3A_247 : memref<10112x64xf32, #tpu.memory_space<vmem_shared>>) target(%dma_start3A_241 : memref<128x64xf32, #tpu.memory_space<vmem>>) offsets(%dma_start3A_244 : memref<128xi32, #tpu.memory_space<vmem>>) semaphore(%arg12 : memref<!tpu.dma_semaphore, #tpu.memory_space<semaphore_mem>>)
      } else {
      }
      %add3A_115 = arith.constant 1 : i32
      %add3A_116 = arith.addi %mul3A_44, %add3A_115 : i32
      %dma_wait3A_117 = arith.constant 1 : i32
      %dma_wait3A_118 = arith.constant 0 : i32
      %dma_wait3A_119 = arith.constant 0 : i32
      %dma_wait3A_120 = tpu.memref_slice %arg9[%dma_wait3A_117, %dma_wait3A_118, %dma_wait3A_119] : memref<2x128x64xf32, #tpu.memory_space<vmem>> -> memref<1x128x64xf32, #tpu.memory_space<vmem>>
      %dma_wait3A_121 = tpu.memref_squeeze %dma_wait3A_120 : memref<1x128x64xf32, #tpu.memory_space<vmem>> -> memref<128x64xf32, #tpu.memory_space<vmem>>
      %dma_wait3A_122 = arith.constant 0 : i32
      %dma_wait3A_123 = tpu.memref_slice %arg8[%add3A_116, %dma_wait3A_122] : memref<80x128xi32, #tpu.memory_space<vmem>> -> memref<1x128xi32, #tpu.memory_space<vmem>>
      %dma_wait3A_124 = tpu.memref_squeeze %dma_wait3A_123 : memref<1x128xi32, #tpu.memory_space<vmem>> -> memref<128xi32, #tpu.memory_space<vmem>>
      %dma_wait3A_125 = arith.constant 0 : i32
      %dma_wait3A_126 = arith.constant 0 : i32
      %dma_wait3A_127 = tpu.memref_slice %arg11[%dma_wait3A_125, %dma_wait3A_126] : memref<10112x64xf32, #tpu.memory_space<vmem_shared>> -> memref<10112x64xf32, #tpu.memory_space<vmem_shared>>
      tpu.wait_indirect_dma semaphore(%arg15 : memref<!tpu.dma_semaphore, #tpu.memory_space<semaphore_mem>>) src(%dma_wait3A_121 : memref<128x64xf32, #tpu.memory_space<vmem>>) dst(%dma_wait3A_127 : memref<10112x64xf32, #tpu.memory_space<vmem_shared>>)
      %add3A_128 = arith.constant 1 : i32
      %add3A_129 = arith.addi %mul3A_44, %add3A_128 : i32
      %add3A_130 = arith.constant 2 : i32
      %add3A_131 = arith.addi %add3A_129, %add3A_130 : i32
      %lt3A_132 = arith.constant 80 : i32
      %lt3A_133 = arith.cmpi slt, %add3A_131, %lt3A_132 : i32
      %convert_element_type3A_134 = arith.extui %lt3A_133 : i1 to i32
      %cond3A_135 = arith.constant 0 : i32
      %cond3A_136 = arith.cmpi ne, %convert_element_type3A_134, %cond3A_135 : i32
      scf.if %cond3A_136 {
        %add3A_233 = arith.constant 1 : i32
        %add3A_234 = arith.addi %mul3A_44, %add3A_233 : i32
        %add3A_235 = arith.constant 2 : i32
        %add3A_236 = arith.addi %add3A_234, %add3A_235 : i32
        %dma_start3A_237 = arith.constant 1 : i32
        %dma_start3A_238 = arith.constant 0 : i32
        %dma_start3A_239 = arith.constant 0 : i32
        %dma_start3A_240 = tpu.memref_slice %arg9[%dma_start3A_237, %dma_start3A_238, %dma_start3A_239] : memref<2x128x64xf32, #tpu.memory_space<vmem>> -> memref<1x128x64xf32, #tpu.memory_space<vmem>>
        %dma_start3A_241 = tpu.memref_squeeze %dma_start3A_240 : memref<1x128x64xf32, #tpu.memory_space<vmem>> -> memref<128x64xf32, #tpu.memory_space<vmem>>
        %dma_start3A_242 = arith.constant 0 : i32
        %dma_start3A_243 = tpu.memref_slice %arg7[%add3A_236, %dma_start3A_242] : memref<80x128xi32, #tpu.memory_space<vmem>> -> memref<1x128xi32, #tpu.memory_space<vmem>>
        %dma_start3A_244 = tpu.memref_squeeze %dma_start3A_243 : memref<1x128xi32, #tpu.memory_space<vmem>> -> memref<128xi32, #tpu.memory_space<vmem>>
        %dma_start3A_245 = arith.constant 0 : i32
        %dma_start3A_246 = arith.constant 0 : i32
        %dma_start3A_247 = tpu.memref_slice %arg10[%dma_start3A_245, %dma_start3A_246] : memref<10112x64xf32, #tpu.memory_space<vmem_shared>> -> memref<10112x64xf32, #tpu.memory_space<vmem_shared>>
        tpu.enqueue_indirect_dma source(%dma_start3A_247 : memref<10112x64xf32, #tpu.memory_space<vmem_shared>>) target(%dma_start3A_241 : memref<128x64xf32, #tpu.memory_space<vmem>>) offsets(%dma_start3A_244 : memref<128xi32, #tpu.memory_space<vmem>>) semaphore(%arg13 : memref<!tpu.dma_semaphore, #tpu.memory_space<semaphore_mem>>)
      } else {
      }
      %add3A_137 = arith.constant 2 : i32
      %add3A_138 = arith.addi %mul3A_44, %add3A_137 : i32
      %dma_wait3A_139 = arith.constant 0 : i32
      %dma_wait3A_140 = arith.constant 0 : i32
      %dma_wait3A_141 = arith.constant 0 : i32
      %dma_wait3A_142 = tpu.memref_slice %arg9[%dma_wait3A_139, %dma_wait3A_140, %dma_wait3A_141] : memref<2x128x64xf32, #tpu.memory_space<vmem>> -> memref<1x128x64xf32, #tpu.memory_space<vmem>>
      %dma_wait3A_143 = tpu.memref_squeeze %dma_wait3A_142 : memref<1x128x64xf32, #tpu.memory_space<vmem>> -> memref<128x64xf32, #tpu.memory_space<vmem>>
      %dma_wait3A_144 = arith.constant 0 : i32
      %dma_wait3A_145 = tpu.memref_slice %arg7[%add3A_138, %dma_wait3A_144] : memref<80x128xi32, #tpu.memory_space<vmem>> -> memref<1x128xi32, #tpu.memory_space<vmem>>
      %dma_wait3A_146 = tpu.memref_squeeze %dma_wait3A_145 : memref<1x128xi32, #tpu.memory_space<vmem>> -> memref<128xi32, #tpu.memory_space<vmem>>
      %dma_wait3A_147 = arith.constant 0 : i32
      %dma_wait3A_148 = arith.constant 0 : i32
      %dma_wait3A_149 = tpu.memref_slice %arg10[%dma_wait3A_147, %dma_wait3A_148] : memref<10112x64xf32, #tpu.memory_space<vmem_shared>> -> memref<10112x64xf32, #tpu.memory_space<vmem_shared>>
      tpu.wait_indirect_dma semaphore(%arg12 : memref<!tpu.dma_semaphore, #tpu.memory_space<semaphore_mem>>) src(%dma_wait3A_149 : memref<10112x64xf32, #tpu.memory_space<vmem_shared>>) dst(%dma_wait3A_143 : memref<128x64xf32, #tpu.memory_space<vmem>>)
      %add3A_150 = arith.constant 2 : i32
      %add3A_151 = arith.addi %mul3A_44, %add3A_150 : i32
      %dma_start3A_152 = arith.constant 0 : i32
      %dma_start3A_153 = arith.constant 0 : i32
      %dma_start3A_154 = arith.constant 0 : i32
      %dma_start3A_155 = tpu.memref_slice %arg9[%dma_start3A_152, %dma_start3A_153, %dma_start3A_154] : memref<2x128x64xf32, #tpu.memory_space<vmem>> -> memref<1x128x64xf32, #tpu.memory_space<vmem>>
      %dma_start3A_156 = tpu.memref_squeeze %dma_start3A_155 : memref<1x128x64xf32, #tpu.memory_space<vmem>> -> memref<128x64xf32, #tpu.memory_space<vmem>>
      %dma_start3A_157 = arith.constant 0 : i32
      %dma_start3A_158 = tpu.memref_slice %arg8[%add3A_151, %dma_start3A_157] : memref<80x128xi32, #tpu.memory_space<vmem>> -> memref<1x128xi32, #tpu.memory_space<vmem>>
      %dma_start3A_159 = tpu.memref_squeeze %dma_start3A_158 : memref<1x128xi32, #tpu.memory_space<vmem>> -> memref<128xi32, #tpu.memory_space<vmem>>
      %dma_start3A_160 = arith.constant 0 : i32
      %dma_start3A_161 = arith.constant 0 : i32
      %dma_start3A_162 = tpu.memref_slice %arg11[%dma_start3A_160, %dma_start3A_161] : memref<10112x64xf32, #tpu.memory_space<vmem_shared>> -> memref<10112x64xf32, #tpu.memory_space<vmem_shared>>
      tpu.enqueue_indirect_dma source(%dma_start3A_156 : memref<128x64xf32, #tpu.memory_space<vmem>>) target(%dma_start3A_162 : memref<10112x64xf32, #tpu.memory_space<vmem_shared>>) offsets(%dma_start3A_159 : memref<128xi32, #tpu.memory_space<vmem>>) semaphore(%arg14 : memref<!tpu.dma_semaphore, #tpu.memory_space<semaphore_mem>>) {add = true}
      %add3A_163 = arith.constant 3 : i32
      %add3A_164 = arith.addi %mul3A_44, %add3A_163 : i32
      %dma_wait3A_165 = arith.constant 1 : i32
      %dma_wait3A_166 = arith.constant 0 : i32
      %dma_wait3A_167 = arith.constant 0 : i32
      %dma_wait3A_168 = tpu.memref_slice %arg9[%dma_wait3A_165, %dma_wait3A_166, %dma_wait3A_167] : memref<2x128x64xf32, #tpu.memory_space<vmem>> -> memref<1x128x64xf32, #tpu.memory_space<vmem>>
      %dma_wait3A_169 = tpu.memref_squeeze %dma_wait3A_168 : memref<1x128x64xf32, #tpu.memory_space<vmem>> -> memref<128x64xf32, #tpu.memory_space<vmem>>
      %dma_wait3A_170 = arith.constant 0 : i32
      %dma_wait3A_171 = tpu.memref_slice %arg7[%add3A_164, %dma_wait3A_170] : memref<80x128xi32, #tpu.memory_space<vmem>> -> memref<1x128xi32, #tpu.memory_space<vmem>>
      %dma_wait3A_172 = tpu.memref_squeeze %dma_wait3A_171 : memref<1x128xi32, #tpu.memory_space<vmem>> -> memref<128xi32, #tpu.memory_space<vmem>>
      %dma_wait3A_173 = arith.constant 0 : i32
      %dma_wait3A_174 = arith.constant 0 : i32
      %dma_wait3A_175 = tpu.memref_slice %arg10[%dma_wait3A_173, %dma_wait3A_174] : memref<10112x64xf32, #tpu.memory_space<vmem_shared>> -> memref<10112x64xf32, #tpu.memory_space<vmem_shared>>
      tpu.wait_indirect_dma semaphore(%arg13 : memref<!tpu.dma_semaphore, #tpu.memory_space<semaphore_mem>>) src(%dma_wait3A_175 : memref<10112x64xf32, #tpu.memory_space<vmem_shared>>) dst(%dma_wait3A_169 : memref<128x64xf32, #tpu.memory_space<vmem>>)
      %add3A_176 = arith.constant 3 : i32
      %add3A_177 = arith.addi %mul3A_44, %add3A_176 : i32
      %dma_start3A_178 = arith.constant 1 : i32
      %dma_start3A_179 = arith.constant 0 : i32
      %dma_start3A_180 = arith.constant 0 : i32
      %dma_start3A_181 = tpu.memref_slice %arg9[%dma_start3A_178, %dma_start3A_179, %dma_start3A_180] : memref<2x128x64xf32, #tpu.memory_space<vmem>> -> memref<1x128x64xf32, #tpu.memory_space<vmem>>
      %dma_start3A_182 = tpu.memref_squeeze %dma_start3A_181 : memref<1x128x64xf32, #tpu.memory_space<vmem>> -> memref<128x64xf32, #tpu.memory_space<vmem>>
      %dma_start3A_183 = arith.constant 0 : i32
      %dma_start3A_184 = tpu.memref_slice %arg8[%add3A_177, %dma_start3A_183] : memref<80x128xi32, #tpu.memory_space<vmem>> -> memref<1x128xi32, #tpu.memory_space<vmem>>
      %dma_start3A_185 = tpu.memref_squeeze %dma_start3A_184 : memref<1x128xi32, #tpu.memory_space<vmem>> -> memref<128xi32, #tpu.memory_space<vmem>>
      %dma_start3A_186 = arith.constant 0 : i32
      %dma_start3A_187 = arith.constant 0 : i32
      %dma_start3A_188 = tpu.memref_slice %arg11[%dma_start3A_186, %dma_start3A_187] : memref<10112x64xf32, #tpu.memory_space<vmem_shared>> -> memref<10112x64xf32, #tpu.memory_space<vmem_shared>>
      tpu.enqueue_indirect_dma source(%dma_start3A_182 : memref<128x64xf32, #tpu.memory_space<vmem>>) target(%dma_start3A_188 : memref<10112x64xf32, #tpu.memory_space<vmem_shared>>) offsets(%dma_start3A_185 : memref<128xi32, #tpu.memory_space<vmem>>) semaphore(%arg15 : memref<!tpu.dma_semaphore, #tpu.memory_space<semaphore_mem>>) {add = true}
      %add3A_189 = arith.constant 2 : i32
      %add3A_190 = arith.addi %mul3A_44, %add3A_189 : i32
      %dma_wait3A_191 = arith.constant 0 : i32
      %dma_wait3A_192 = arith.constant 0 : i32
      %dma_wait3A_193 = arith.constant 0 : i32
      %dma_wait3A_194 = tpu.memref_slice %arg9[%dma_wait3A_191, %dma_wait3A_192, %dma_wait3A_193] : memref<2x128x64xf32, #tpu.memory_space<vmem>> -> memref<1x128x64xf32, #tpu.memory_space<vmem>>
      %dma_wait3A_195 = tpu.memref_squeeze %dma_wait3A_194 : memref<1x128x64xf32, #tpu.memory_space<vmem>> -> memref<128x64xf32, #tpu.memory_space<vmem>>
      %dma_wait3A_196 = arith.constant 0 : i32
      %dma_wait3A_197 = tpu.memref_slice %arg8[%add3A_190, %dma_wait3A_196] : memref<80x128xi32, #tpu.memory_space<vmem>> -> memref<1x128xi32, #tpu.memory_space<vmem>>
      %dma_wait3A_198 = tpu.memref_squeeze %dma_wait3A_197 : memref<1x128xi32, #tpu.memory_space<vmem>> -> memref<128xi32, #tpu.memory_space<vmem>>
      %dma_wait3A_199 = arith.constant 0 : i32
      %dma_wait3A_200 = arith.constant 0 : i32
      %dma_wait3A_201 = tpu.memref_slice %arg11[%dma_wait3A_199, %dma_wait3A_200] : memref<10112x64xf32, #tpu.memory_space<vmem_shared>> -> memref<10112x64xf32, #tpu.memory_space<vmem_shared>>
      tpu.wait_indirect_dma semaphore(%arg14 : memref<!tpu.dma_semaphore, #tpu.memory_space<semaphore_mem>>) src(%dma_wait3A_195 : memref<128x64xf32, #tpu.memory_space<vmem>>) dst(%dma_wait3A_201 : memref<10112x64xf32, #tpu.memory_space<vmem_shared>>)
      %add3A_202 = arith.constant 2 : i32
      %add3A_203 = arith.addi %mul3A_44, %add3A_202 : i32
      %add3A_204 = arith.constant 2 : i32
      %add3A_205 = arith.addi %add3A_203, %add3A_204 : i32
      %lt3A_206 = arith.constant 80 : i32
      %lt3A_207 = arith.cmpi slt, %add3A_205, %lt3A_206 : i32
      %convert_element_type3A_208 = arith.extui %lt3A_207 : i1 to i32
      %cond3A_209 = arith.constant 0 : i32
      %cond3A_210 = arith.cmpi ne, %convert_element_type3A_208, %cond3A_209 : i32
      scf.if %cond3A_210 {
        %add3A_233 = arith.constant 2 : i32
        %add3A_234 = arith.addi %mul3A_44, %add3A_233 : i32
        %add3A_235 = arith.constant 2 : i32
        %add3A_236 = arith.addi %add3A_234, %add3A_235 : i32
        %dma_start3A_237 = arith.constant 0 : i32
        %dma_start3A_238 = arith.constant 0 : i32
        %dma_start3A_239 = arith.constant 0 : i32
        %dma_start3A_240 = tpu.memref_slice %arg9[%dma_start3A_237, %dma_start3A_238, %dma_start3A_239] : memref<2x128x64xf32, #tpu.memory_space<vmem>> -> memref<1x128x64xf32, #tpu.memory_space<vmem>>
        %dma_start3A_241 = tpu.memref_squeeze %dma_start3A_240 : memref<1x128x64xf32, #tpu.memory_space<vmem>> -> memref<128x64xf32, #tpu.memory_space<vmem>>
        %dma_start3A_242 = arith.constant 0 : i32
        %dma_start3A_243 = tpu.memref_slice %arg7[%add3A_236, %dma_start3A_242] : memref<80x128xi32, #tpu.memory_space<vmem>> -> memref<1x128xi32, #tpu.memory_space<vmem>>
        %dma_start3A_244 = tpu.memref_squeeze %dma_start3A_243 : memref<1x128xi32, #tpu.memory_space<vmem>> -> memref<128xi32, #tpu.memory_space<vmem>>
        %dma_start3A_245 = arith.constant 0 : i32
        %dma_start3A_246 = arith.constant 0 : i32
        %dma_start3A_247 = tpu.memref_slice %arg10[%dma_start3A_245, %dma_start3A_246] : memref<10112x64xf32, #tpu.memory_space<vmem_shared>> -> memref<10112x64xf32, #tpu.memory_space<vmem_shared>>
        tpu.enqueue_indirect_dma source(%dma_start3A_247 : memref<10112x64xf32, #tpu.memory_space<vmem_shared>>) target(%dma_start3A_241 : memref<128x64xf32, #tpu.memory_space<vmem>>) offsets(%dma_start3A_244 : memref<128xi32, #tpu.memory_space<vmem>>) semaphore(%arg12 : memref<!tpu.dma_semaphore, #tpu.memory_space<semaphore_mem>>)
      } else {
      }
      %add3A_211 = arith.constant 3 : i32
      %add3A_212 = arith.addi %mul3A_44, %add3A_211 : i32
      %dma_wait3A_213 = arith.constant 1 : i32
      %dma_wait3A_214 = arith.constant 0 : i32
      %dma_wait3A_215 = arith.constant 0 : i32
      %dma_wait3A_216 = tpu.memref_slice %arg9[%dma_wait3A_213, %dma_wait3A_214, %dma_wait3A_215] : memref<2x128x64xf32, #tpu.memory_space<vmem>> -> memref<1x128x64xf32, #tpu.memory_space<vmem>>
      %dma_wait3A_217 = tpu.memref_squeeze %dma_wait3A_216 : memref<1x128x64xf32, #tpu.memory_space<vmem>> -> memref<128x64xf32, #tpu.memory_space<vmem>>
      %dma_wait3A_218 = arith.constant 0 : i32
      %dma_wait3A_219 = tpu.memref_slice %arg8[%add3A_212, %dma_wait3A_218] : memref<80x128xi32, #tpu.memory_space<vmem>> -> memref<1x128xi32, #tpu.memory_space<vmem>>
      %dma_wait3A_220 = tpu.memref_squeeze %dma_wait3A_219 : memref<1x128xi32, #tpu.memory_space<vmem>> -> memref<128xi32, #tpu.memory_space<vmem>>
      %dma_wait3A_221 = arith.constant 0 : i32
      %dma_wait3A_222 = arith.constant 0 : i32
      %dma_wait3A_223 = tpu.memref_slice %arg11[%dma_wait3A_221, %dma_wait3A_222] : memref<10112x64xf32, #tpu.memory_space<vmem_shared>> -> memref<10112x64xf32, #tpu.memory_space<vmem_shared>>
      tpu.wait_indirect_dma semaphore(%arg15 : memref<!tpu.dma_semaphore, #tpu.memory_space<semaphore_mem>>) src(%dma_wait3A_217 : memref<128x64xf32, #tpu.memory_space<vmem>>) dst(%dma_wait3A_223 : memref<10112x64xf32, #tpu.memory_space<vmem_shared>>)
      %add3A_224 = arith.constant 3 : i32
      %add3A_225 = arith.addi %mul3A_44, %add3A_224 : i32
      %add3A_226 = arith.constant 2 : i32
      %add3A_227 = arith.addi %add3A_225, %add3A_226 : i32
      %lt3A_228 = arith.constant 80 : i32
      %lt3A_229 = arith.cmpi slt, %add3A_227, %lt3A_228 : i32
      %convert_element_type3A_230 = arith.extui %lt3A_229 : i1 to i32
      %cond3A_231 = arith.constant 0 : i32
      %cond3A_232 = arith.cmpi ne, %convert_element_type3A_230, %cond3A_231 : i32
      scf.if %cond3A_232 {
        %add3A_233 = arith.constant 3 : i32
        %add3A_234 = arith.addi %mul3A_44, %add3A_233 : i32
        %add3A_235 = arith.constant 2 : i32
        %add3A_236 = arith.addi %add3A_234, %add3A_235 : i32
        %dma_start3A_237 = arith.constant 1 : i32
        %dma_start3A_238 = arith.constant 0 : i32
        %dma_start3A_239 = arith.constant 0 : i32
        %dma_start3A_240 = tpu.memref_slice %arg9[%dma_start3A_237, %dma_start3A_238, %dma_start3A_239] : memref<2x128x64xf32, #tpu.memory_space<vmem>> -> memref<1x128x64xf32, #tpu.memory_space<vmem>>
        %dma_start3A_241 = tpu.memref_squeeze %dma_start3A_240 : memref<1x128x64xf32, #tpu.memory_space<vmem>> -> memref<128x64xf32, #tpu.memory_space<vmem>>
        %dma_start3A_242 = arith.constant 0 : i32
        %dma_start3A_243 = tpu.memref_slice %arg7[%add3A_236, %dma_start3A_242] : memref<80x128xi32, #tpu.memory_space<vmem>> -> memref<1x128xi32, #tpu.memory_space<vmem>>
        %dma_start3A_244 = tpu.memref_squeeze %dma_start3A_243 : memref<1x128xi32, #tpu.memory_space<vmem>> -> memref<128xi32, #tpu.memory_space<vmem>>
        %dma_start3A_245 = arith.constant 0 : i32
        %dma_start3A_246 = arith.constant 0 : i32
        %dma_start3A_247 = tpu.memref_slice %arg10[%dma_start3A_245, %dma_start3A_246] : memref<10112x64xf32, #tpu.memory_space<vmem_shared>> -> memref<10112x64xf32, #tpu.memory_space<vmem_shared>>
        tpu.enqueue_indirect_dma source(%dma_start3A_247 : memref<10112x64xf32, #tpu.memory_space<vmem_shared>>) target(%dma_start3A_241 : memref<128x64xf32, #tpu.memory_space<vmem>>) offsets(%dma_start3A_244 : memref<128xi32, #tpu.memory_space<vmem>>) semaphore(%arg13 : memref<!tpu.dma_semaphore, #tpu.memory_space<semaphore_mem>>)
      } else {
      }
    }
    %scan3A_36 = arith.constant 20 : i32
    %barrier3A_37 = arith.constant 0 : index
    tpu.barrier barrier_id(%barrier3A_37)
    %mul3A_38 = arith.constant 632 : i32
    %mul3A_39 = arith.muli %arg1, %mul3A_38 : i32
    %mul3A_40 = arith.constant 632 : i32
    %mul3A_41 = arith.muli %arg1, %mul3A_40 : i32
    "tpu.region"() ({
      %run_scoped3A = tpu.sem_alloc : memref<!tpu.dma_semaphore, #tpu.memory_space<semaphore_mem>>
      %dma_start3A_42 = arith.constant 0 : i32
      %dma_start3A_43 = tpu.memref_slice %arg6[%arg0, %mul3A_41, %dma_start3A_42] : memref<2x10112x64xf32, #tpu.memory_space<hbm>> -> memref<1x632x64xf32, #tpu.memory_space<hbm>>
      %dma_start3A_44 = tpu.memref_squeeze %dma_start3A_43 : memref<1x632x64xf32, #tpu.memory_space<hbm>> -> memref<632x64xf32, #tpu.memory_space<hbm>>
      %dma_start3A_45 = arith.constant 0 : i32
      %dma_start3A_46 = tpu.memref_slice %arg11[%mul3A_39, %dma_start3A_45] : memref<10112x64xf32, #tpu.memory_space<vmem_shared>> -> memref<632x64xf32, #tpu.memory_space<vmem_shared>>
      tpu.enqueue_dma source(%dma_start3A_46 : memref<632x64xf32, #tpu.memory_space<vmem_shared>>) target(%dma_start3A_44 : memref<632x64xf32, #tpu.memory_space<hbm>>) target_semaphore(%run_scoped3A : memref<!tpu.dma_semaphore, #tpu.memory_space<semaphore_mem>>)
      %dma_wait3A = arith.constant 0 : i32
      %dma_wait3A_47 = tpu.memref_slice %arg6[%arg0, %mul3A_41, %dma_wait3A] : memref<2x10112x64xf32, #tpu.memory_space<hbm>> -> memref<1x632x64xf32, #tpu.memory_space<hbm>>
      %dma_wait3A_48 = tpu.memref_squeeze %dma_wait3A_47 : memref<1x632x64xf32, #tpu.memory_space<hbm>> -> memref<632x64xf32, #tpu.memory_space<hbm>>
      %dma_wait3A_49 = arith.constant 0 : i32
      %dma_wait3A_50 = tpu.memref_slice %arg11[%mul3A_39, %dma_wait3A_49] : memref<10112x64xf32, #tpu.memory_space<vmem_shared>> -> memref<632x64xf32, #tpu.memory_space<vmem_shared>>
      tpu.wait_dma2 semaphore(%run_scoped3A : memref<!tpu.dma_semaphore, #tpu.memory_space<semaphore_mem>>) src(%dma_wait3A_50 : memref<632x64xf32, #tpu.memory_space<vmem_shared>>) dst(%dma_wait3A_48 : memref<632x64xf32, #tpu.memory_space<hbm>>)
      tpu.yield
    }) : () -> ()
    return
  }
}

module attributes {stable_mosaic.version = 14 : i64} {
  func.func @_tc_first(%arg0: memref<10000x128xf32, #tpu.memory_space<vmem>>, %arg1: memref<128x64xf32, #tpu.memory_space<vmem>>, %arg2: memref<32x10112xf32, #tpu.memory_space<vmem>>, %arg3: memref<10112x64xf32, #tpu.memory_space<vmem>>, %arg4: memref<10000x1xf32, #tpu.memory_space<vmem>>) attributes {dimension_semantics = [], scalar_prefetch = 0 : i64, scratch_operands = 0 : i64, tpu.core_type = #tpu.core_type<tc>} {
    %get3A = arith.constant 0 : index
    %get3A_0 = arith.constant 0 : index
    %get3A_1 = vector.load %arg2[%get3A, %get3A_0] : memref<32x10112xf32, #tpu.memory_space<vmem>>, vector<32x10112xf32>
    %slice3A = vector.extract_strided_slice %get3A_1 {offsets = [0, 0], sizes = [32, 10000], strides = [1, 1]} : vector<32x10112xf32> to vector<32x10000xf32>
    %reduce_sum3A = arith.constant dense<0.000000e+00> : vector<10000xf32>
    %reduce_sum3A_2 = vector.multi_reduction <add>, %slice3A, %reduce_sum3A [0] : vector<32x10000xf32> to vector<10000xf32>
    %broadcast_in_dim3A = vector.shape_cast %reduce_sum3A_2 : vector<10000xf32> to vector<10000x1xf32>
    %add3A = arith.constant 1.000000e+00 : f32
    %add3A_3 = vector.broadcast %add3A : f32 to vector<10000x1xf32>
    %add3A_4 = arith.addf %add3A_3, %broadcast_in_dim3A : vector<10000x1xf32>
    %sqrt3A = math.sqrt %add3A_4 : vector<10000x1xf32>
    %div3A = arith.constant 1.000000e+00 : f32
    %div3A_5 = vector.broadcast %div3A : f32 to vector<10000x1xf32>
    %div3A_6 = arith.divf %div3A_5, %sqrt3A : vector<10000x1xf32>
    %get3A_7 = arith.constant 0 : index
    %get3A_8 = arith.constant 0 : index
    %get3A_9 = vector.load %arg0[%get3A_7, %get3A_8] : memref<10000x128xf32, #tpu.memory_space<vmem>>, vector<10000x128xf32>
    %get3A_10 = arith.constant 0 : index
    %get3A_11 = arith.constant 0 : index
    %get3A_12 = vector.load %arg1[%get3A_10, %get3A_11] : memref<128x64xf32, #tpu.memory_space<vmem>>, vector<128x64xf32>
    %convert_element_type3A = arith.truncf %get3A_9 : vector<10000x128xf32> to vector<10000x128xbf16>
    %convert_element_type3A_13 = arith.truncf %get3A_12 : vector<128x64xf32> to vector<128x64xbf16>
    %dot_general3A = arith.constant dense<0.000000e+00> : vector<10000x64xf32>
    %dot_general3A_14 = tpu.matmul %convert_element_type3A, %convert_element_type3A_13, %dot_general3A {dimension_numbers = #tpu.dot_dimension_numbers<[1], [0], [0], [1], [0, 0, 1, 1], [], []>, transpose_lhs_hint = false} : vector<10000x128xbf16>, vector<128x64xbf16>, vector<10000x64xf32> -> vector<10000x64xf32>
    %mul3A = vector.broadcast %div3A_6 : vector<10000x1xf32> to vector<10000x64xf32>
    %mul3A_15 = arith.mulf %dot_general3A_14, %mul3A : vector<10000x64xf32>
    %swap3A = arith.constant 0 : index
    %swap3A_16 = arith.constant 0 : index
    %swap3A_17 = vector.load %arg3[%swap3A, %swap3A_16] : memref<10112x64xf32, #tpu.memory_space<vmem>>, vector<10000x64xf32>
    tpu.vector_store %arg3[%swap3A, %swap3A_16], %mul3A_15 {strides = array<i32>} : memref<10112x64xf32, #tpu.memory_space<vmem>>, vector<10000x64xf32>,
    %broadcast_in_dim3A_18 = arith.constant 0.000000e+00 : f32
    %broadcast_in_dim3A_19 = vector.broadcast %broadcast_in_dim3A_18 : f32 to vector<112x64xf32>
    %swap3A_20 = arith.constant 10000 : index
    %swap3A_21 = arith.constant 0 : index
    %swap3A_22 = vector.load %arg3[%swap3A_20, %swap3A_21] : memref<10112x64xf32, #tpu.memory_space<vmem>>, vector<112x64xf32>
    tpu.vector_store %arg3[%swap3A_20, %swap3A_21], %broadcast_in_dim3A_19 {strides = array<i32>} : memref<10112x64xf32, #tpu.memory_space<vmem>>, vector<112x64xf32>,
    %swap3A_23 = arith.constant 0 : index
    %swap3A_24 = arith.constant 0 : index
    %swap3A_25 = vector.load %arg4[%swap3A_23, %swap3A_24] : memref<10000x1xf32, #tpu.memory_space<vmem>>, vector<10000x1xf32>
    tpu.vector_store %arg4[%swap3A_23, %swap3A_24], %div3A_6 {strides = array<i32>} : memref<10000x1xf32, #tpu.memory_space<vmem>>, vector<10000x1xf32>,
    return
  }
}

module attributes {stable_mosaic.version = 14 : i64} {
  func.func @_tc_mid(%arg0: memref<2x10112x64xf32, #tpu.memory_space<vmem>>, %arg1: memref<10112x64xf32, #tpu.memory_space<vmem>>, %arg2: memref<10000x1xf32, #tpu.memory_space<vmem>>, %arg3: memref<1x64xf32, #tpu.memory_space<vmem>>, %arg4: memref<1x64xf32, #tpu.memory_space<vmem>>, %arg5: memref<1x64xf32, #tpu.memory_space<vmem>>, %arg6: memref<64x64xf32, #tpu.memory_space<vmem>>, %arg7: memref<10112x64xf32, #tpu.memory_space<vmem>>) attributes {dimension_semantics = [], scalar_prefetch = 0 : i64, scratch_operands = 0 : i64, tpu.core_type = #tpu.core_type<tc>} {
    %get3A = arith.constant 0 : index
    %get3A_0 = arith.constant 0 : index
    %get3A_1 = vector.load %arg2[%get3A, %get3A_0] : memref<10000x1xf32, #tpu.memory_space<vmem>>, vector<10000x1xf32>
    %get3A_2 = arith.constant 0 : index
    %get3A_3 = arith.constant 0 : index
    %get3A_4 = arith.constant 0 : index
    %get3A_5 = vector.load %arg0[%get3A_2, %get3A_3, %get3A_4] : memref<2x10112x64xf32, #tpu.memory_space<vmem>>, vector<1x10000x64xf32>
    %get3A_6 = vector.shape_cast %get3A_5 : vector<1x10000x64xf32> to vector<10000x64xf32>
    %get3A_7 = arith.constant 1 : index
    %get3A_8 = arith.constant 0 : index
    %get3A_9 = arith.constant 0 : index
    %get3A_10 = vector.load %arg0[%get3A_7, %get3A_8, %get3A_9] : memref<2x10112x64xf32, #tpu.memory_space<vmem>>, vector<1x10000x64xf32>
    %get3A_11 = vector.shape_cast %get3A_10 : vector<1x10000x64xf32> to vector<10000x64xf32>
    %add3A = arith.addf %get3A_6, %get3A_11 : vector<10000x64xf32>
    %get3A_12 = arith.constant 0 : index
    %get3A_13 = arith.constant 0 : index
    %get3A_14 = vector.load %arg1[%get3A_12, %get3A_13] : memref<10112x64xf32, #tpu.memory_space<vmem>>, vector<10000x64xf32>
    %add3A_15 = arith.addf %add3A, %get3A_14 : vector<10000x64xf32>
    %mul3A = vector.broadcast %get3A_1 : vector<10000x1xf32> to vector<10000x64xf32>
    %mul3A_16 = arith.mulf %mul3A, %add3A_15 : vector<10000x64xf32>
    %get3A_17 = arith.constant 0 : index
    %get3A_18 = arith.constant 0 : index
    %get3A_19 = vector.load %arg3[%get3A_17, %get3A_18] : memref<1x64xf32, #tpu.memory_space<vmem>>, vector<1x64xf32>
    %add3A_20 = vector.broadcast %get3A_19 : vector<1x64xf32> to vector<10000x64xf32>
    %add3A_21 = arith.addf %mul3A_16, %add3A_20 : vector<10000x64xf32>
    %reduce_sum3A = arith.constant dense<0.000000e+00> : vector<64xf32>
    %reduce_sum3A_22 = vector.multi_reduction <add>, %add3A_21, %reduce_sum3A [0] : vector<10000x64xf32> to vector<64xf32>
    %broadcast_in_dim3A = vector.shape_cast %reduce_sum3A_22 : vector<64xf32> to vector<1x64xf32>
    %div3A = arith.constant 1.000000e+04 : f32
    %div3A_23 = vector.broadcast %div3A : f32 to vector<1x64xf32>
    %div3A_24 = arith.divf %broadcast_in_dim3A, %div3A_23 : vector<1x64xf32>
    %sub3A = vector.broadcast %div3A_24 : vector<1x64xf32> to vector<10000x64xf32>
    %sub3A_25 = arith.subf %add3A_21, %sub3A : vector<10000x64xf32>
    %integer_pow3A = arith.mulf %sub3A_25, %sub3A_25 : vector<10000x64xf32>
    %reduce_sum3A_26 = arith.constant dense<0.000000e+00> : vector<64xf32>
    %reduce_sum3A_27 = vector.multi_reduction <add>, %integer_pow3A, %reduce_sum3A_26 [0] : vector<10000x64xf32> to vector<64xf32>
    %broadcast_in_dim3A_28 = vector.shape_cast %reduce_sum3A_27 : vector<64xf32> to vector<1x64xf32>
    %div3A_29 = arith.constant 1.000000e+04 : f32
    %div3A_30 = vector.broadcast %div3A_29 : f32 to vector<1x64xf32>
    %div3A_31 = arith.divf %broadcast_in_dim3A_28, %div3A_30 : vector<1x64xf32>
    %sub3A_32 = vector.broadcast %div3A_24 : vector<1x64xf32> to vector<10000x64xf32>
    %sub3A_33 = arith.subf %add3A_21, %sub3A_32 : vector<10000x64xf32>
    %add3A_34 = arith.constant 9.99999974E-6 : f32
    %add3A_35 = vector.broadcast %add3A_34 : f32 to vector<1x64xf32>
    %add3A_36 = arith.addf %div3A_31, %add3A_35 : vector<1x64xf32>
    %sqrt3A = math.sqrt %add3A_36 : vector<1x64xf32>
    %div3A_37 = vector.broadcast %sqrt3A : vector<1x64xf32> to vector<10000x64xf32>
    %div3A_38 = arith.divf %sub3A_33, %div3A_37 : vector<10000x64xf32>
    %get3A_39 = arith.constant 0 : index
    %get3A_40 = arith.constant 0 : index
    %get3A_41 = vector.load %arg4[%get3A_39, %get3A_40] : memref<1x64xf32, #tpu.memory_space<vmem>>, vector<1x64xf32>
    %mul3A_42 = vector.broadcast %get3A_41 : vector<1x64xf32> to vector<10000x64xf32>
    %mul3A_43 = arith.mulf %div3A_38, %mul3A_42 : vector<10000x64xf32>
    %get3A_44 = arith.constant 0 : index
    %get3A_45 = arith.constant 0 : index
    %get3A_46 = vector.load %arg5[%get3A_44, %get3A_45] : memref<1x64xf32, #tpu.memory_space<vmem>>, vector<1x64xf32>
    %add3A_47 = vector.broadcast %get3A_46 : vector<1x64xf32> to vector<10000x64xf32>
    %add3A_48 = arith.addf %mul3A_43, %add3A_47 : vector<10000x64xf32>
    %max3A = arith.constant 0.000000e+00 : f32
    %max3A_49 = vector.broadcast %max3A : f32 to vector<10000x64xf32>
    %max3A_50 = arith.maximumf %add3A_48, %max3A_49 : vector<10000x64xf32>
    %get3A_51 = arith.constant 0 : index
    %get3A_52 = arith.constant 0 : index
    %get3A_53 = vector.load %arg6[%get3A_51, %get3A_52] : memref<64x64xf32, #tpu.memory_space<vmem>>, vector<64x64xf32>
    %convert_element_type3A = arith.truncf %max3A_50 : vector<10000x64xf32> to vector<10000x64xbf16>
    %convert_element_type3A_54 = arith.truncf %get3A_53 : vector<64x64xf32> to vector<64x64xbf16>
    %dot_general3A = arith.constant dense<0.000000e+00> : vector<10000x64xf32>
    %dot_general3A_55 = tpu.matmul %convert_element_type3A, %convert_element_type3A_54, %dot_general3A {dimension_numbers = #tpu.dot_dimension_numbers<[1], [0], [0], [1], [0, 0, 1, 1], [], []>, transpose_lhs_hint = false} : vector<10000x64xbf16>, vector<64x64xbf16>, vector<10000x64xf32> -> vector<10000x64xf32>
    %mul3A_56 = vector.broadcast %get3A_1 : vector<10000x1xf32> to vector<10000x64xf32>
    %mul3A_57 = arith.mulf %dot_general3A_55, %mul3A_56 : vector<10000x64xf32>
    %swap3A = arith.constant 0 : index
    %swap3A_58 = arith.constant 0 : index
    %swap3A_59 = vector.load %arg7[%swap3A, %swap3A_58] : memref<10112x64xf32, #tpu.memory_space<vmem>>, vector<10000x64xf32>
    tpu.vector_store %arg7[%swap3A, %swap3A_58], %mul3A_57 {strides = array<i32>} : memref<10112x64xf32, #tpu.memory_space<vmem>>, vector<10000x64xf32>,
    %broadcast_in_dim3A_60 = arith.constant 0.000000e+00 : f32
    %broadcast_in_dim3A_61 = vector.broadcast %broadcast_in_dim3A_60 : f32 to vector<112x64xf32>
    %swap3A_62 = arith.constant 10000 : index
    %swap3A_63 = arith.constant 0 : index
    %swap3A_64 = vector.load %arg7[%swap3A_62, %swap3A_63] : memref<10112x64xf32, #tpu.memory_space<vmem>>, vector<112x64xf32>
    tpu.vector_store %arg7[%swap3A_62, %swap3A_63], %broadcast_in_dim3A_61 {strides = array<i32>} : memref<10112x64xf32, #tpu.memory_space<vmem>>, vector<112x64xf32>,
    return
  }
}

module attributes {stable_mosaic.version = 14 : i64} {
  func.func @_tc_last(%arg0: memref<2x10112x64xf32, #tpu.memory_space<vmem>>, %arg1: memref<10112x64xf32, #tpu.memory_space<vmem>>, %arg2: memref<10000x1xf32, #tpu.memory_space<vmem>>, %arg3: memref<1x64xf32, #tpu.memory_space<vmem>>, %arg4: memref<1x64xf32, #tpu.memory_space<vmem>>, %arg5: memref<1x64xf32, #tpu.memory_space<vmem>>, %arg6: memref<1x10000xi32, #tpu.memory_space<vmem>>, %arg7: memref<64x32xf32, #tpu.memory_space<vmem>>, %arg8: memref<1x32xf32, #tpu.memory_space<vmem>>, %arg9: memref<32x1xf32, #tpu.memory_space<vmem>>, %arg10: memref<1x1xf32, #tpu.memory_space<vmem>>, %arg11: memref<64x1xf32, #tpu.memory_space<vmem>>) attributes {dimension_semantics = [], scalar_prefetch = 0 : i64, scratch_operands = 0 : i64, tpu.core_type = #tpu.core_type<tc>} {
    %get3A = arith.constant 0 : index
    %get3A_0 = arith.constant 0 : index
    %get3A_1 = vector.load %arg2[%get3A, %get3A_0] : memref<10000x1xf32, #tpu.memory_space<vmem>>, vector<10000x1xf32>
    %get3A_2 = arith.constant 0 : index
    %get3A_3 = arith.constant 0 : index
    %get3A_4 = arith.constant 0 : index
    %get3A_5 = vector.load %arg0[%get3A_2, %get3A_3, %get3A_4] : memref<2x10112x64xf32, #tpu.memory_space<vmem>>, vector<1x10000x64xf32>
    %get3A_6 = vector.shape_cast %get3A_5 : vector<1x10000x64xf32> to vector<10000x64xf32>
    %get3A_7 = arith.constant 1 : index
    %get3A_8 = arith.constant 0 : index
    %get3A_9 = arith.constant 0 : index
    %get3A_10 = vector.load %arg0[%get3A_7, %get3A_8, %get3A_9] : memref<2x10112x64xf32, #tpu.memory_space<vmem>>, vector<1x10000x64xf32>
    %get3A_11 = vector.shape_cast %get3A_10 : vector<1x10000x64xf32> to vector<10000x64xf32>
    %add3A = arith.addf %get3A_6, %get3A_11 : vector<10000x64xf32>
    %get3A_12 = arith.constant 0 : index
    %get3A_13 = arith.constant 0 : index
    %get3A_14 = vector.load %arg1[%get3A_12, %get3A_13] : memref<10112x64xf32, #tpu.memory_space<vmem>>, vector<10000x64xf32>
    %add3A_15 = arith.addf %add3A, %get3A_14 : vector<10000x64xf32>
    %mul3A = vector.broadcast %get3A_1 : vector<10000x1xf32> to vector<10000x64xf32>
    %mul3A_16 = arith.mulf %mul3A, %add3A_15 : vector<10000x64xf32>
    %get3A_17 = arith.constant 0 : index
    %get3A_18 = arith.constant 0 : index
    %get3A_19 = vector.load %arg3[%get3A_17, %get3A_18] : memref<1x64xf32, #tpu.memory_space<vmem>>, vector<1x64xf32>
    %add3A_20 = vector.broadcast %get3A_19 : vector<1x64xf32> to vector<10000x64xf32>
    %add3A_21 = arith.addf %mul3A_16, %add3A_20 : vector<10000x64xf32>
    %reduce_sum3A = arith.constant dense<0.000000e+00> : vector<64xf32>
    %reduce_sum3A_22 = vector.multi_reduction <add>, %add3A_21, %reduce_sum3A [0] : vector<10000x64xf32> to vector<64xf32>
    %broadcast_in_dim3A = vector.shape_cast %reduce_sum3A_22 : vector<64xf32> to vector<1x64xf32>
    %div3A = arith.constant 1.000000e+04 : f32
    %div3A_23 = vector.broadcast %div3A : f32 to vector<1x64xf32>
    %div3A_24 = arith.divf %broadcast_in_dim3A, %div3A_23 : vector<1x64xf32>
    %sub3A = vector.broadcast %div3A_24 : vector<1x64xf32> to vector<10000x64xf32>
    %sub3A_25 = arith.subf %add3A_21, %sub3A : vector<10000x64xf32>
    %integer_pow3A = arith.mulf %sub3A_25, %sub3A_25 : vector<10000x64xf32>
    %reduce_sum3A_26 = arith.constant dense<0.000000e+00> : vector<64xf32>
    %reduce_sum3A_27 = vector.multi_reduction <add>, %integer_pow3A, %reduce_sum3A_26 [0] : vector<10000x64xf32> to vector<64xf32>
    %broadcast_in_dim3A_28 = vector.shape_cast %reduce_sum3A_27 : vector<64xf32> to vector<1x64xf32>
    %div3A_29 = arith.constant 1.000000e+04 : f32
    %div3A_30 = vector.broadcast %div3A_29 : f32 to vector<1x64xf32>
    %div3A_31 = arith.divf %broadcast_in_dim3A_28, %div3A_30 : vector<1x64xf32>
    %sub3A_32 = vector.broadcast %div3A_24 : vector<1x64xf32> to vector<10000x64xf32>
    %sub3A_33 = arith.subf %add3A_21, %sub3A_32 : vector<10000x64xf32>
    %add3A_34 = arith.constant 9.99999974E-6 : f32
    %add3A_35 = vector.broadcast %add3A_34 : f32 to vector<1x64xf32>
    %add3A_36 = arith.addf %div3A_31, %add3A_35 : vector<1x64xf32>
    %sqrt3A = math.sqrt %add3A_36 : vector<1x64xf32>
    %div3A_37 = vector.broadcast %sqrt3A : vector<1x64xf32> to vector<10000x64xf32>
    %div3A_38 = arith.divf %sub3A_33, %div3A_37 : vector<10000x64xf32>
    %get3A_39 = arith.constant 0 : index
    %get3A_40 = arith.constant 0 : index
    %get3A_41 = vector.load %arg4[%get3A_39, %get3A_40] : memref<1x64xf32, #tpu.memory_space<vmem>>, vector<1x64xf32>
    %mul3A_42 = vector.broadcast %get3A_41 : vector<1x64xf32> to vector<10000x64xf32>
    %mul3A_43 = arith.mulf %div3A_38, %mul3A_42 : vector<10000x64xf32>
    %get3A_44 = arith.constant 0 : index
    %get3A_45 = arith.constant 0 : index
    %get3A_46 = vector.load %arg5[%get3A_44, %get3A_45] : memref<1x64xf32, #tpu.memory_space<vmem>>, vector<1x64xf32>
    %add3A_47 = vector.broadcast %get3A_46 : vector<1x64xf32> to vector<10000x64xf32>
    %add3A_48 = arith.addf %mul3A_43, %add3A_47 : vector<10000x64xf32>
    %max3A = arith.constant 0.000000e+00 : f32
    %max3A_49 = vector.broadcast %max3A : f32 to vector<10000x64xf32>
    %max3A_50 = arith.maximumf %add3A_48, %max3A_49 : vector<10000x64xf32>
    %iota3A = tpu.iota {dimensions = array<i32: 0>} : vector<64x10000xi32>
    %get3A_51 = arith.constant 0 : index
    %get3A_52 = arith.constant 0 : index
    %get3A_53 = vector.load %arg6[%get3A_51, %get3A_52] : memref<1x10000xi32, #tpu.memory_space<vmem>>, vector<1x10000xi32>
    %eq3A = vector.broadcast %get3A_53 : vector<1x10000xi32> to vector<64x10000xi32>
    %eq3A_54 = arith.cmpi eq, %eq3A, %iota3A : vector<64x10000xi32>
    %convert_element_type3A = arith.extui %eq3A_54 : vector<64x10000xi1> to vector<64x10000xi32>
    %convert_element_type3A_55 = arith.sitofp %convert_element_type3A : vector<64x10000xi32> to vector<64x10000xf32>
    %dot_general3A = arith.constant dense<0.000000e+00> : vector<64x64xf32>
    %dot_general3A_56 = tpu.matmul %convert_element_type3A_55, %max3A_50, %dot_general3A {dimension_numbers = #tpu.dot_dimension_numbers<[1], [0], [0], [1], [0, 0, 1, 1], [], []>, precision = #tpu.contract_precision<fp32>, transpose_lhs_hint = false} : vector<64x10000xf32>, vector<10000x64xf32>, vector<64x64xf32> -> vector<64x64xf32>
    %reduce_sum3A_57 = arith.constant dense<0.000000e+00> : vector<64xf32>
    %reduce_sum3A_58 = vector.multi_reduction <add>, %convert_element_type3A_55, %reduce_sum3A_57 [1] : vector<64x10000xf32> to vector<64xf32>
    %broadcast_in_dim3A_59 = vector.shape_cast %reduce_sum3A_58 : vector<64xf32> to vector<64x1xf32>
    %max3A_60 = arith.constant 1.000000e+00 : f32
    %max3A_61 = vector.broadcast %max3A_60 : f32 to vector<64x1xf32>
    %max3A_62 = arith.maximumf %broadcast_in_dim3A_59, %max3A_61 : vector<64x1xf32>
    %div3A_63 = vector.broadcast %max3A_62 : vector<64x1xf32> to vector<64x64xf32>
    %div3A_64 = arith.divf %dot_general3A_56, %div3A_63 : vector<64x64xf32>
    %get3A_65 = arith.constant 0 : index
    %get3A_66 = arith.constant 0 : index
    %get3A_67 = vector.load %arg7[%get3A_65, %get3A_66] : memref<64x32xf32, #tpu.memory_space<vmem>>, vector<64x32xf32>
    %convert_element_type3A_68 = arith.truncf %div3A_64 : vector<64x64xf32> to vector<64x64xbf16>
    %convert_element_type3A_69 = arith.truncf %get3A_67 : vector<64x32xf32> to vector<64x32xbf16>
    %dot_general3A_70 = arith.constant dense<0.000000e+00> : vector<64x32xf32>
    %dot_general3A_71 = tpu.matmul %convert_element_type3A_68, %convert_element_type3A_69, %dot_general3A_70 {dimension_numbers = #tpu.dot_dimension_numbers<[1], [0], [0], [1], [0, 0, 1, 1], [], []>, transpose_lhs_hint = false} : vector<64x64xbf16>, vector<64x32xbf16>, vector<64x32xf32> -> vector<64x32xf32>
    %get3A_72 = arith.constant 0 : index
    %get3A_73 = arith.constant 0 : index
    %get3A_74 = vector.load %arg8[%get3A_72, %get3A_73] : memref<1x32xf32, #tpu.memory_space<vmem>>, vector<1x32xf32>
    %add3A_75 = vector.broadcast %get3A_74 : vector<1x32xf32> to vector<64x32xf32>
    %add3A_76 = arith.addf %dot_general3A_71, %add3A_75 : vector<64x32xf32>
    %max3A_77 = arith.constant 0.000000e+00 : f32
    %max3A_78 = vector.broadcast %max3A_77 : f32 to vector<64x32xf32>
    %max3A_79 = arith.maximumf %add3A_76, %max3A_78 : vector<64x32xf32>
    %get3A_80 = arith.constant 0 : index
    %get3A_81 = arith.constant 0 : index
    %get3A_82 = vector.load %arg9[%get3A_80, %get3A_81] : memref<32x1xf32, #tpu.memory_space<vmem>>, vector<32x1xf32>
    %convert_element_type3A_83 = arith.truncf %max3A_79 : vector<64x32xf32> to vector<64x32xbf16>
    %convert_element_type3A_84 = arith.truncf %get3A_82 : vector<32x1xf32> to vector<32x1xbf16>
    %dot_general3A_85 = arith.constant dense<0.000000e+00> : vector<64x1xf32>
    %dot_general3A_86 = tpu.matmul %convert_element_type3A_83, %convert_element_type3A_84, %dot_general3A_85 {dimension_numbers = #tpu.dot_dimension_numbers<[1], [0], [0], [1], [0, 0, 1, 1], [], []>, transpose_lhs_hint = false} : vector<64x32xbf16>, vector<32x1xbf16>, vector<64x1xf32> -> vector<64x1xf32>
    %get3A_87 = arith.constant 0 : index
    %get3A_88 = arith.constant 0 : index
    %get3A_89 = vector.load %arg10[%get3A_87, %get3A_88] : memref<1x1xf32, #tpu.memory_space<vmem>>, vector<1x1xf32>
    %add3A_90 = vector.broadcast %get3A_89 : vector<1x1xf32> to vector<64x1xf32>
    %add3A_91 = arith.addf %dot_general3A_86, %add3A_90 : vector<64x1xf32>
    %swap3A = arith.constant 0 : index
    %swap3A_92 = arith.constant 0 : index
    %swap3A_93 = vector.load %arg11[%swap3A, %swap3A_92] : memref<64x1xf32, #tpu.memory_space<vmem>>, vector<64x1xf32>
    tpu.vector_store %arg11[%swap3A, %swap3A_92], %add3A_91 {strides = array<i32>} : memref<64x1xf32, #tpu.memory_space<vmem>>, vector<64x1xf32>,
    return
  }
}

</mosaic_0001>

<sc_bundles>
// kernel: kernel.10.cloned.1.call-start
scs
__scs_entry_jumppad:
0x0: {  	(pc) =	sbr.rel $0x88, $3  }
0x1: {  	(tag) =	ssettag $0x0;
	lr =	simm.s32 $0x1  }
0x2: {  	[smem:$0x3F8E] =	sst lr;
	_ =	strace $0xD0000000  }
0x3: {  	_ = 	snop  }
0x4: {  	_ = 	snop  }
0x5: {  	_ = 	snop  }
0x6: {  	_ = 	snop  }
0x7: {  	_ = 	snop  }
__scs_overlays_trampoline_lowered:
0x8: {  	[smem:$0x3F9D] =	sst s0  }
0x9: {  	[smem:$0x3F9E] =	sst s1  }
0xa: {  	[smem:$0x3F9F] =	sst s2  }
0xb: {  	[smem:$0x3FA0] =	sst s3  }
0xc: {  	[smem:$0x3FA1] =	sst s4  }
0xd: {  	[smem:$0x3FA2] =	sst s5  }
0xe: {  	[smem:$0x3FA3] =	sst s6  }
0xf: {  	[smem:$0x3FA4] =	sst s7  }
0x10: {  	[smem:$0x3FA5] =	sst s8  }
0x11: {  	[smem:$0x3FA6] =	sst s9;
	s0 =	simm.s32 @!p0 $0x0  }
0x12: {  	s1 =	sld [smem:$0x3F8C];
	s0 =	simm.s32 @p0 $0x1  }
0x13: {  	[smem:$0x3FA7] =	sst s0;
	s0 =	simm.s32 @!p1 $0x0  }
0x14: {  	s2 =	sld [smem:$0x3F8B];
	s0 =	simm.s32 @p1 $0x1  }
0x15: {  	[smem:$0x3FA8] =	sst s0;
	s0 =	simm.s32 @!p2 $0x0  }
0x16: {  	s3 =	sld [smem:$0x3FDB];
	s0 =	simm.s32 @p2 $0x1  }
0x17: {  	s4 =	simm.s32 $0x1BF5;
	[smem:$0x3FAA] =	sst s0  }
0x18: {  	s0 =	sld [smem:$0x3F8D];
	_ =	swait.ge [sflag:s4], $0x0  }
0x19: {  	s7 =	sld [smem:$0x3F8E]  }
0x1a: {  	s8 =	sadd.s32 $0xFFFFE003, lr  }
0x1b: {  	s9 =	sadd.s32 $0xFFFFFEF7, lr;
	s5 =	simm.s32 $0xFFFFFFFF;
	p2 =	slt.u32 s8, $0xFFFFF086  }
0x1c: {  	p1 =	slt.u32 s9, $0xF7A;
	s5 =	simm.s32 @!p2 $0x0  }
0x1d: {  	s5 =	simm.s32 @p1 $0x1;
	p0 =	seq.s32 s7, s2  }
0x1e: {  	s7 =	smul.u32 @!p0 $0xF7A, s2;
	p2 =	seq.s32 @!p0 s5, $0x0  }
0x1f: {  	s9 =	smul.u32 $0xF7A, s1;
	s8 =	simm.s32 @!p0 $0x1BF5;
	p2 =	por !p2, p0  }
0x20: {  	[sflag:s8] =	ssyncset.s32 @!p0 $0xFFFFF086;
	s6 =	sadd.s32 @!p0 s3, s7;
	s7 =	simm.s32 @!p0 $0x108  }
0x21: {  	s3 =	sadd.s32 s3, s9;
	s6 =	sadd.s32 @!p0 $0x88, s6;
	s7 =	simm.s32 @p2 $0x1082  }
0x22: {  	[simem:s7], [sflag:s8] =	dma.local @!p0 [hbm:s6], $0xF7A  }
0x23: {  	s9 =	sor.u32 $0xD0000000, s2;
	s6 =	simm.s32 $0x108;
	_ =	swait.ge @!p0 [sflag:s8], $0x0  }
0x24: {  	s3 =	sadd.s32 $0x88, s3;
	s6 =	simm.s32 @!p1 $0x1082;
	[sflag:s4] =	ssyncset.s32 $0xFFFFF086  }
0x25: {  	[simem:s6], [sflag:s4] =	dma.local [hbm:s3], $0xF7A  }
0x26: {  	[smem:$0x3F8E] =	sst s1;
	(tag) =	ssettag s2;
	_ =	strace s9  }
0x27: {  	s1 =	sld [smem:$0x3F9E]  }
0x28: {  	s2 =	sld [smem:$0x3F9F]  }
0x29: {  	s4 =	sld [smem:$0x3FA1]  }
0x2a: {  	p0 =	seq.s32 s5, $0x0;
	s5 =	sld [smem:$0x3FA2]  }
0x2b: {  	s6 =	sld [smem:$0x3FA3]  }
0x2c: {  	s7 =	sld [smem:$0x3FA4]  }
0x2d: {  	s3 =	simm.s32 $0x108;
	s8 =	sld [smem:$0x3FA5]  }
0x2e: {  	s3 =	simm.s32 @!p0 $0x1082;
	s9 =	sld [smem:$0x3FA6]  }
0x2f: {  	lr =	sadd.s32 s0, s3;
	s0 =	sld [smem:$0x3F9D]  }
0x30: {  	s3 =	sld [smem:$0x3FA0]  }
0x31: {  	[smem:$0x3FA9] =	sst s10  }
0x32: {  	s10 =	sld [smem:$0x3FA7];
	_ =	sdelay $0x3  }
0x33: {  	p0 =	seq.s32 s10, $0x1;
	s10 =	sld [smem:$0x3FA9];
	_ =	sdelay $0x3  }
0x34: {  	[smem:$0x3FA9] =	sst s10  }
0x35: {  	s10 =	sld [smem:$0x3FA8];
	_ =	sdelay $0x3  }
0x36: {  	p1 =	seq.s32 s10, $0x1;
	s10 =	sld [smem:$0x3FA9];
	_ =	sdelay $0x3  }
0x37: {  	[smem:$0x3FA9] =	sst s10  }
0x38: {  	s10 =	sld [smem:$0x3FAA]  }
0x39: {  	_ = 	snop;
	(pc) =	sbr.ind lr, $3  }
0x3a: {  	_ = 	snop  }
0x3b: {  	_ = 	snop  }
0x3c: {  	p2 =	seq.s32 s10, $0x1;
	s10 =	sld [smem:$0x3FA9]  }
0x3d: {  	_ =	shalt  }
0x3e: {  	_ =	shalt  }
0x3f: {  	_ =	shalt  }
0x40: {  	_ =	shalt  }
0x41: {  	_ =	shalt  }
0x42: {  	_ =	shalt  }
0x43: {  	_ =	shalt  }
0x44: {  	_ =	shalt  }
0x45: {  	_ =	shalt  }
0x46: {  	_ =	shalt  }
0x47: {  	_ =	shalt  }
0x48: {  	_ =	shalt  }
0x49: {  	_ =	shalt  }
0x4a: {  	_ =	shalt  }
0x4b: {  	_ =	shalt  }
0x4c: {  	_ =	shalt  }
0x4d: {  	_ =	shalt  }
0x4e: {  	_ =	shalt  }
0x4f: {  	_ =	shalt  }
0x50: {  	_ =	shalt  }
0x51: {  	_ =	shalt  }
0x52: {  	_ =	shalt  }
0x53: {  	_ =	shalt  }
0x54: {  	_ =	shalt  }
0x55: {  	_ =	shalt  }
0x56: {  	_ =	shalt  }
0x57: {  	_ =	shalt  }
0x58: {  	_ =	shalt  }
0x59: {  	_ =	shalt  }
0x5a: {  	_ =	shalt  }
0x5b: {  	_ =	shalt  }
0x5c: {  	_ =	shalt  }
0x5d: {  	_ =	shalt  }
0x5e: {  	_ =	shalt  }
0x5f: {  	_ =	shalt  }
0x60: {  	_ =	shalt  }
0x61: {  	_ =	shalt  }
0x62: {  	_ =	shalt  }
0x63: {  	_ =	shalt  }
0x64: {  	_ =	shalt  }
0x65: {  	_ =	shalt  }
0x66: {  	_ =	shalt  }
0x67: {  	_ =	shalt  }
0x68: {  	_ =	shalt  }
0x69: {  	_ =	shalt  }
0x6a: {  	_ =	shalt  }
0x6b: {  	_ =	shalt  }
0x6c: {  	_ =	shalt  }
0x6d: {  	_ =	shalt  }
0x6e: {  	_ =	shalt  }
0x6f: {  	_ =	shalt  }
0x70: {  	_ =	shalt  }
0x71: {  	_ =	shalt  }
0x72: {  	_ =	shalt  }
0x73: {  	_ =	shalt  }
0x74: {  	_ =	shalt  }
0x75: {  	_ =	shalt  }
0x76: {  	_ =	shalt  }
0x77: {  	_ =	shalt  }
0x78: {  	_ =	shalt  }
0x79: {  	_ =	shalt  }
0x7a: {  	_ =	shalt  }
0x7b: {  	_ =	shalt  }
0x7c: {  	_ =	shalt  }
0x7d: {  	_ =	shalt  }
0x7e: {  	_ =	shalt  }
0x7f: {  	_ =	shalt  }
0x80: {  	_ =	shalt  }
0x81: {  	_ =	shalt  }
0x82: {  	_ =	shalt  }
0x83: {  	_ =	shalt  }
0x84: {  	_ =	shalt  }
0x85: {  	_ =	shalt  }
0x86: {  	_ =	shalt  }
0x87: {  	_ =	shalt  }
.Lfunc_end0:
.L_simem_size_0:
called_computation_lowered:
.L_overlay_start_0:
0x88: {  	s2 =	sld [smem:$0x3FD9]  }
0x89: {  	s3 =	sld [smem:$0x3FFE];
	_ =	sdelay $0x1  }
0x8a: {  	s1 =	srdreg.scid  }
0x8b: {  	s0 =	sand.u32 $0x1, s1  }
0x8c: {  	s16 =	sshll.u32 s0, $0xA;
	s2 =	sadd.s32 s3, s2  }
0x8d: {  	s2 =	sadd.s32 s2, s16  }
0x8e: {  	[smem:$0x3FB5] =	sst s2  }
0x8f: {  	_ = 	snop  }
0x90: {  	(tm) =	ssettm $0x1  }
0x91: {  	s17 =	sld [smem:$0x3FFB];
	_ =	sdelay $0x3  }
0x92: {  	_ =	strace s17  }
0x93: {  	s2 =	sld [smem:$0x3FFC];
	_ =	sdelay $0x3  }
0x94: {  	_ =	strace s2  }
0x95: {  	s2 =	sld [smem:$0x3FFD];
	_ =	sdelay $0x3  }
0x96: {  	_ =	strace s2  }
0x97: {  	_ =	strace $0x8FFFFFFF  }
0x98: {  	s18 =	sld [smem:$0x3FDB];
	_ =	sdelay $0x1  }
0x99: {  	s19 =	simm.s32 $_scs_section_size  }
0x9a: {  	s4 =	simm.s32 $_size__tile_overlayer_lowered;
	s5 =	simm.s32 $_tile_overlayer_lowered  }
0x9b: {  	s22 =	simm.s32 $0x1BFF;
	s21 =	sshll.u32 s5, $0x1;
	s2 =	sadd.s32 s19, s18  }
0x9c: {  	s6 =	simm.s32 $0x0;
	s20 =	sshll.u32 s4, $0x1;
	s4 =	sadd.s32 s21, s2  }
0x9d: {  	[timem:s6], [sflag:s22] =	dma.local [hbm:s4], s20  }
0x9e: {  	_ =	swait.ge [sflag:s22], s20  }
0x9f: {  	s3 =	ssub.s32 $0x0, s20;
	[sflag:s22] =	ssyncset.done $0x0  }
0xa0: {  	[sflag:s22] =	ssyncadd.s32 s3;
	_ =	sdelay $0x1  }
0xa1: {  	s23 =	simm.s32 $0x1B8B  }
0xa2: {  	_ =	swait.ge [sflag:s23], $0x1  }
0xa3: {  	[sflag:s23] =	ssyncset.done $0x0  }
0xa4: {  	s25 =	simm.s32 $0x1B8E;
	s24 =	sld [smem:$0x3FFE];
	[sflag:s23] =	ssyncadd.s32 $0xFFFFFFFF  }
0xa5: {  	s26 =	simm.s32 $execute0_lowered;
	[smem:$0x3FD2] =	sst s25  }
0xa6: {  	s4 =	sshll.u32 s26, $0x1;
	_ =	strace $0x80000046;
	[dreg:$0x1] =	wrdreg $0xFFFFFFFF  }
0xa7: {  	s28 =	simm.s32 $_size_execute0_lowered;
	s2 =	sadd.s32 s2, s4;
	[dreg:$0x0] =	wrdreg $0x0  }
0xa8: {  	s4 =	sshll.u32 s28, $0x1;
	[dreg:$0x2] =	wrdreg s2  }
0xa9: {  	[dreg:$0x3] =	wrdreg s4  }
0xaa: {  	[dreg:$0x4] =	wrdreg $0xC0  }
0xab: {  	_ =	task [dreg:s6], $0x5FFFF  }
0xac: {  	[dreg:$0x1] =	wrdreg $0xFFFFFFFF  }
0xad: {  	[dreg:$0x0] =	wrdreg $0x60  }
0xae: {  	[dreg:$0x2] =	wrdreg s24  }
0xaf: {  	[dreg:$0x3] =	wrdreg $0x9  }
0xb0: {  	_ =	task.clear_ibuf [dreg:s6], $0x4FFFF;
	_ =	strace $0x90000046  }
0xb1: {  	s29 =	simm.s32 $0x9;
	_ =	strace $0x80000048  }
0xb2: {  	_ =	swait.ge [sflag:s29], $0x1  }
0xb3: {  	[sflag:s29] =	ssyncadd.s32 $0xFFFFFFFF  }
0xb4: {  	_ =	strace $0x90000048  }
0xb5: {  	_ =	sfence  }
0xb6: {  	s30 =	sld [smem:$0x0];
	_ =	sdelay $0x2  }
0xb7: {  	s31 =	sshll.u32 s1, $0xD;
	s1 =	sshrl.u32 s1, $0x2  }
0xb8: {  	s3 =	sand.u32 $0x4000, s31;
	s1 =	sadd.s32 s1, s30  }
0xb9: {  	s0 =	sor.u32 s3, s0;
	s1 =	sshll.u32 s1, $0x11  }
0xba: {  	s0 =	sor.u32 s1, s0  }
0xbb: {  	s0 =	sadd.s32 $0x8F2B, s0  }
0xbc: {  	[sflag:s0] =	ssyncadd.remote.s32 $0x1  }
0xbd: {  	_ =	sfence.sel $0xFFFF  }
0xbe: {  	[dreg:$0x0] =	wrdreg $0xFFFFFFFF;
	(pc) =	sbr.abs _section_cstart, $3  }
0xbf: {  	[dreg:$0x1] =	wrdreg $0xFFFFFFFF  }
0xc0: {  	_ =	task.clear_ibuf [dreg:s6], $0x2FFFF;
	_ =	strace $0x9FFFFFFF  }
0xc1: {  	(tm) =	ssettm $0x7FFFFFFF  }
tec
execute0_lowered:
.L_overlay_start_1:
0x0: {  	(tag) =	ssettag $0x1  }
0x1: {  	s1 =	srdreg.scid  }
0x2: {  	s0 =	stileid.u32;
	s4 =	rddreg [dreg:$0x0]  }
0x3: {  	s2 =	simm.s32 $0x0;
	s3 =	sand.u32 $0x1, s1;
	s31 =	sshll.u32 s0, $0x1  }
0x4: {  	s9 =	simm.s32 $0x0;
	s1 =	rddreg [dreg:$0x1];
	s5 =	sor.u32 s3, s31  }
0x5: {  	[smem:$0x7FF] =	sst s2;
	s7 =	ssub.s32 $0x2, s3;
	s6 =	smul.u32 $0x500, s5  }
0x6: {  	_ =	strace $0x80000047;
	s5 =	smul.u32 $0x4F0, s5;
	s8 =	sshrl.u32 s7, $0x1  }
0x7: {  	s3 =	sadd.s32 $0xD200, s4;
	s7 =	ssub.s32 s7, s8;
	s6 =	sadd.s32 s6, s4  }
0x8: {  	s8 =	simm.s32 $0x2800;
	s5 =	sadd.s32 s5, s4;
	s4 =	sadd.s32 $0x3200, s6  }
0x9: {  	v0 =	vimm.f32 $1.000000000e+00;
	s5 =	sadd.s32 $0xD800, s5;
	s6 =	smax.u32 s7, $0x1;
	s7 =	simm.s32 $0x1  }
.LBB2_1:
0xa: {  	[tilespmem:s2], [sflag:$0x1] =	stream.linear.gather [hbm4b:s4+s2], $0x2800, $0x38;
	[tilespmem:$0x4F80] =	vst v63  }
0xb: {  	_ =	swait.ge [sflag:s7], $0x2800  }
0xc: {  	[sflag:s7] =	ssyncset.done $0x0  }
0xd: {  	[sflag:s7] =	ssyncadd.s32 $0xFFFFD800  }
0xe: {  	[tilespmem:s8], [sflag:$0x1] =	stream.linear.gather [hbm4b:s3+s2], $0x2780, $0x38;
	[tilespmem:$0x4F80] =	vst v63  }
0xf: {  	_ =	swait.ge [sflag:s7], $0x2780  }
0x10: {  	[sflag:s7] =	ssyncset.done $0x0  }
0x11: {  	s10 =	simm.s32 $0x0;
	[sflag:s7] =	ssyncadd.s32 $0xFFFFD880  }
.LBB2_2:
0x12: {  	s11 =	sshra.s32 s10, $0x2  }
0x13: {  	v1 =	vld [tilespmem:s11+$0x0];
	_ =	sdelay $0x7  }
0x14: {  	[tilespmem:v1+s8+$0x0] =	vst.idx.add.f32.msk $0xffff, v0  }
0x15: {  	v1 =	vld [tilespmem:s11+$0x10];
	_ =	sdelay $0x7  }
0x16: {  	[tilespmem:v1+s8+$0x0] =	vst.idx.add.f32.msk $0xffff, v0  }
0x17: {  	v1 =	vld [tilespmem:s11+$0x20];
	_ =	sdelay $0x7  }
0x18: {  	[tilespmem:v1+s8+$0x0] =	vst.idx.add.f32.msk $0xffff, v0  }
0x19: {  	v1 =	vld [tilespmem:s11+$0x30];
	_ =	sdelay $0x7  }
0x1a: {  	[tilespmem:v1+s8+$0x0] =	vst.idx.add.f32.msk $0xffff, v0  }
0x1b: {  	v1 =	vld [tilespmem:s11+$0x40];
	_ =	sdelay $0x7  }
0x1c: {  	[tilespmem:v1+s8+$0x0] =	vst.idx.add.f32.msk $0xffff, v0  }
0x1d: {  	v1 =	vld [tilespmem:s11+$0x50];
	_ =	sdelay $0x7  }
0x1e: {  	[tilespmem:v1+s8+$0x0] =	vst.idx.add.f32.msk $0xffff, v0  }
0x1f: {  	v1 =	vld [tilespmem:s11+$0x60];
	_ =	sdelay $0x7  }
0x20: {  	[tilespmem:v1+s8+$0x0] =	vst.idx.add.f32.msk $0xffff, v0  }
0x21: {  	v1 =	vld [tilespmem:s11+$0x70];
	_ =	sdelay $0x2  }
0x22: {  	p0 =	sne.s32 s10, $0x9E00  }
.Ltmp0:
0x23: {  	_ = 	snop;
	(pc) =	sbr.rel @p0 .LBB2_2-.Ltmp0, $2  }
0x24: {  	_ =	sdelay $0x2  }
0x25: {  	s10 =	sadd.s32 $0x200, s10;
	[tilespmem:v1+s8+$0x0] =	vst.idx.add.f32.msk $0xffff, v0  }
0x26: {  	s9 =	sadd.s32 $0x1, s9  }
0x27: {  	p0 =	sne.s32 s9, s6  }
.Ltmp1:
0x28: {  	_ = 	snop;
	(pc) =	sbr.rel @p0 .LBB2_1-.Ltmp1, $4  }
0x29: {  	[hbm4b:s5+s2] =	stream.linear.scatter [tilespmem:s8], [sflag:$0x1], $0x2780, $0x38;
	[tilespmem:$0x4F80] =	vst v63  }
0x2a: {  	_ =	swait.ge [sflag:s7], $0x2780  }
0x2b: {  	[sflag:s7] =	ssyncset.done $0x0  }
0x2c: {  	[sflag:s7] =	ssyncadd.s32 $0xFFFFD880  }
0x2d: {  	_ =	sfence.sel $0x180000  }
0x2e: {  	[bflag:$0x0] =	sbarrier.arrive $0xFFFF  }
0x2f: {  	p0 =	sne.s32 s0, $0x0;
	_ =	strace $0x90000047  }
0x30: {  	s0 =	sadd.s32 @!p0 $0x100000, s1;
	[bflag:$0x2] =	sbarrier.arrive $0xFFFF  }
0x31: {  	[sflag:s0] =	ssyncadd.tile.s32 @!p0 $0x1;
	_ =	shalt  }
.Lfunc_end2:
_tile_overlayer_lowered:
.L_overlay_start_2:
0x32: {  	(tag) =	ssettag $0x2  }
0x33: {  	s0 =	rddreg [dreg:$0x0];
	s2 =	stileid.u32  }
0x34: {  	s1 =	rddreg [dreg:$0x1];
	p0 =	sne.s32 s2, $0x0  }
0x35: {  	s3 =	rddreg [dreg:$0x2];
	[bflag:$0x3] =	sbarrier.arrive $0xFFFF;
	s2 =	simm.s32 @!p0 $0x1C01  }
0x36: {  	[timem:s3], [sflag:s2] =	dma.local @!p0 [hbm:s0], s1  }
0x37: {  	s0 =	simm.s32 @!p0 $0x1  }
0x38: {  	_ =	swait.ge @!p0 [sflag:s0], s1  }
0x39: {  	s1 =	ssub.s32 @!p0 $0x0, s1;
	[sflag:s0] =	ssyncset.done @!p0 $0x0  }
0x3a: {  	[sflag:s0] =	ssyncadd.s32 @!p0 s1  }
0x3b: {  	[bflag:$0x3] =	sbarrier.arrive $0xFFFF  }
0x3c: {  	_ =	shalt  }

// kernel: kernel.13.cloned.1.call-start
scs
__scs_entry_jumppad:
0x0: {  	(pc) =	sbr.rel $0x88, $3  }
0x1: {  	(tag) =	ssettag $0x0;
	lr =	simm.s32 $0x1  }
0x2: {  	[smem:$0x3F8E] =	sst lr;
	_ =	strace $0xD0000000  }
0x3: {  	_ = 	snop  }
0x4: {  	_ = 	snop  }
0x5: {  	_ = 	snop  }
0x6: {  	_ = 	snop  }
0x7: {  	_ = 	snop  }
__scs_overlays_trampoline_lowered:
0x8: {  	[smem:$0x3F9D] =	sst s0  }
0x9: {  	[smem:$0x3F9E] =	sst s1  }
0xa: {  	[smem:$0x3F9F] =	sst s2  }
0xb: {  	[smem:$0x3FA0] =	sst s3  }
0xc: {  	[smem:$0x3FA1] =	sst s4  }
0xd: {  	[smem:$0x3FA2] =	sst s5  }
0xe: {  	[smem:$0x3FA3] =	sst s6  }
0xf: {  	[smem:$0x3FA4] =	sst s7  }
0x10: {  	[smem:$0x3FA5] =	sst s8  }
0x11: {  	[smem:$0x3FA6] =	sst s9;
	s0 =	simm.s32 @!p0 $0x0  }
0x12: {  	s1 =	sld [smem:$0x3F8C];
	s0 =	simm.s32 @p0 $0x1  }
0x13: {  	[smem:$0x3FA7] =	sst s0;
	s0 =	simm.s32 @!p1 $0x0  }
0x14: {  	s2 =	sld [smem:$0x3F8B];
	s0 =	simm.s32 @p1 $0x1  }
0x15: {  	[smem:$0x3FA8] =	sst s0;
	s0 =	simm.s32 @!p2 $0x0  }
0x16: {  	s3 =	sld [smem:$0x3FDB];
	s0 =	simm.s32 @p2 $0x1  }
0x17: {  	s4 =	simm.s32 $0x1BF5;
	[smem:$0x3FAA] =	sst s0  }
0x18: {  	s0 =	sld [smem:$0x3F8D];
	_ =	swait.ge [sflag:s4], $0x0  }
0x19: {  	s7 =	sld [smem:$0x3F8E]  }
0x1a: {  	s8 =	sadd.s32 $0xFFFFE003, lr  }
0x1b: {  	s9 =	sadd.s32 $0xFFFFFEF7, lr;
	s5 =	simm.s32 $0xFFFFFFFF;
	p2 =	slt.u32 s8, $0xFFFFF086  }
0x1c: {  	p1 =	slt.u32 s9, $0xF7A;
	s5 =	simm.s32 @!p2 $0x0  }
0x1d: {  	s5 =	simm.s32 @p1 $0x1;
	p0 =	seq.s32 s7, s2  }
0x1e: {  	s7 =	smul.u32 @!p0 $0xF7A, s2;
	p2 =	seq.s32 @!p0 s5, $0x0  }
0x1f: {  	s9 =	smul.u32 $0xF7A, s1;
	s8 =	simm.s32 @!p0 $0x1BF5;
	p2 =	por !p2, p0  }
0x20: {  	[sflag:s8] =	ssyncset.s32 @!p0 $0xFFFFF086;
	s6 =	sadd.s32 @!p0 s3, s7;
	s7 =	simm.s32 @!p0 $0x108  }
0x21: {  	s3 =	sadd.s32 s3, s9;
	s6 =	sadd.s32 @!p0 $0x88, s6;
	s7 =	simm.s32 @p2 $0x1082  }
0x22: {  	[simem:s7], [sflag:s8] =	dma.local @!p0 [hbm:s6], $0xF7A  }
0x23: {  	s9 =	sor.u32 $0xD0000000, s2;
	s6 =	simm.s32 $0x108;
	_ =	swait.ge @!p0 [sflag:s8], $0x0  }
0x24: {  	s3 =	sadd.s32 $0x88, s3;
	s6 =	simm.s32 @!p1 $0x1082;
	[sflag:s4] =	ssyncset.s32 $0xFFFFF086  }
0x25: {  	[simem:s6], [sflag:s4] =	dma.local [hbm:s3], $0xF7A  }
0x26: {  	[smem:$0x3F8E] =	sst s1;
	(tag) =	ssettag s2;
	_ =	strace s9  }
0x27: {  	s1 =	sld [smem:$0x3F9E]  }
0x28: {  	s2 =	sld [smem:$0x3F9F]  }
0x29: {  	s4 =	sld [smem:$0x3FA1]  }
0x2a: {  	p0 =	seq.s32 s5, $0x0;
	s5 =	sld [smem:$0x3FA2]  }
0x2b: {  	s6 =	sld [smem:$0x3FA3]  }
0x2c: {  	s7 =	sld [smem:$0x3FA4]  }
0x2d: {  	s3 =	simm.s32 $0x108;
	s8 =	sld [smem:$0x3FA5]  }
0x2e: {  	s3 =	simm.s32 @!p0 $0x1082;
	s9 =	sld [smem:$0x3FA6]  }
0x2f: {  	lr =	sadd.s32 s0, s3;
	s0 =	sld [smem:$0x3F9D]  }
0x30: {  	s3 =	sld [smem:$0x3FA0]  }
0x31: {  	[smem:$0x3FA9] =	sst s10  }
0x32: {  	s10 =	sld [smem:$0x3FA7];
	_ =	sdelay $0x3  }
0x33: {  	p0 =	seq.s32 s10, $0x1;
	s10 =	sld [smem:$0x3FA9];
	_ =	sdelay $0x3  }
0x34: {  	[smem:$0x3FA9] =	sst s10  }
0x35: {  	s10 =	sld [smem:$0x3FA8];
	_ =	sdelay $0x3  }
0x36: {  	p1 =	seq.s32 s10, $0x1;
	s10 =	sld [smem:$0x3FA9];
	_ =	sdelay $0x3  }
0x37: {  	[smem:$0x3FA9] =	sst s10  }
0x38: {  	s10 =	sld [smem:$0x3FAA]  }
0x39: {  	_ = 	snop;
	(pc) =	sbr.ind lr, $3  }
0x3a: {  	_ = 	snop  }
0x3b: {  	_ = 	snop  }
0x3c: {  	p2 =	seq.s32 s10, $0x1;
	s10 =	sld [smem:$0x3FA9]  }
0x3d: {  	_ =	shalt  }
0x3e: {  	_ =	shalt  }
0x3f: {  	_ =	shalt  }
0x40: {  	_ =	shalt  }
0x41: {  	_ =	shalt  }
0x42: {  	_ =	shalt  }
0x43: {  	_ =	shalt  }
0x44: {  	_ =	shalt  }
0x45: {  	_ =	shalt  }
0x46: {  	_ =	shalt  }
0x47: {  	_ =	shalt  }
0x48: {  	_ =	shalt  }
0x49: {  	_ =	shalt  }
0x4a: {  	_ =	shalt  }
0x4b: {  	_ =	shalt  }
0x4c: {  	_ =	shalt  }
0x4d: {  	_ =	shalt  }
0x4e: {  	_ =	shalt  }
0x4f: {  	_ =	shalt  }
0x50: {  	_ =	shalt  }
0x51: {  	_ =	shalt  }
0x52: {  	_ =	shalt  }
0x53: {  	_ =	shalt  }
0x54: {  	_ =	shalt  }
0x55: {  	_ =	shalt  }
0x56: {  	_ =	shalt  }
0x57: {  	_ =	shalt  }
0x58: {  	_ =	shalt  }
0x59: {  	_ =	shalt  }
0x5a: {  	_ =	shalt  }
0x5b: {  	_ =	shalt  }
0x5c: {  	_ =	shalt  }
0x5d: {  	_ =	shalt  }
0x5e: {  	_ =	shalt  }
0x5f: {  	_ =	shalt  }
0x60: {  	_ =	shalt  }
0x61: {  	_ =	shalt  }
0x62: {  	_ =	shalt  }
0x63: {  	_ =	shalt  }
0x64: {  	_ =	shalt  }
0x65: {  	_ =	shalt  }
0x66: {  	_ =	shalt  }
0x67: {  	_ =	shalt  }
0x68: {  	_ =	shalt  }
0x69: {  	_ =	shalt  }
0x6a: {  	_ =	shalt  }
0x6b: {  	_ =	shalt  }
0x6c: {  	_ =	shalt  }
0x6d: {  	_ =	shalt  }
0x6e: {  	_ =	shalt  }
0x6f: {  	_ =	shalt  }
0x70: {  	_ =	shalt  }
0x71: {  	_ =	shalt  }
0x72: {  	_ =	shalt  }
0x73: {  	_ =	shalt  }
0x74: {  	_ =	shalt  }
0x75: {  	_ =	shalt  }
0x76: {  	_ =	shalt  }
0x77: {  	_ =	shalt  }
0x78: {  	_ =	shalt  }
0x79: {  	_ =	shalt  }
0x7a: {  	_ =	shalt  }
0x7b: {  	_ =	shalt  }
0x7c: {  	_ =	shalt  }
0x7d: {  	_ =	shalt  }
0x7e: {  	_ =	shalt  }
0x7f: {  	_ =	shalt  }
0x80: {  	_ =	shalt  }
0x81: {  	_ =	shalt  }
0x82: {  	_ =	shalt  }
0x83: {  	_ =	shalt  }
0x84: {  	_ =	shalt  }
0x85: {  	_ =	shalt  }
0x86: {  	_ =	shalt  }
0x87: {  	_ =	shalt  }
.Lfunc_end0:
.L_simem_size_0:
called_computation.1_lowered:
.L_overlay_start_0:
0x88: {  	s2 =	sld [smem:$0x3FD9]  }
0x89: {  	s3 =	sld [smem:$0x3FFE];
	_ =	sdelay $0x1  }
0x8a: {  	s1 =	srdreg.scid  }
0x8b: {  	s0 =	sand.u32 $0x1, s1  }
0x8c: {  	s16 =	sshll.u32 s0, $0xA;
	s2 =	sadd.s32 s3, s2  }
0x8d: {  	s2 =	sadd.s32 s2, s16  }
0x8e: {  	[smem:$0x3FB5] =	sst s2  }
0x8f: {  	_ = 	snop  }
0x90: {  	(tm) =	ssettm $0x1  }
0x91: {  	s17 =	sld [smem:$0x3FFB];
	_ =	sdelay $0x3  }
0x92: {  	_ =	strace s17  }
0x93: {  	s2 =	sld [smem:$0x3FFC];
	_ =	sdelay $0x3  }
0x94: {  	_ =	strace s2  }
0x95: {  	s2 =	sld [smem:$0x3FFD];
	_ =	sdelay $0x3  }
0x96: {  	_ =	strace s2  }
0x97: {  	_ =	strace $0x8FFFFFFF  }
0x98: {  	s18 =	sld [smem:$0x3FDB];
	_ =	sdelay $0x1  }
0x99: {  	s19 =	simm.s32 $_scs_section_size  }
0x9a: {  	s4 =	simm.s32 $_size__tile_overlayer_lowered;
	s5 =	simm.s32 $_tile_overlayer_lowered  }
0x9b: {  	s22 =	simm.s32 $0x1BFF;
	s21 =	sshll.u32 s5, $0x1;
	s2 =	sadd.s32 s19, s18  }
0x9c: {  	s6 =	simm.s32 $0x0;
	s20 =	sshll.u32 s4, $0x1;
	s4 =	sadd.s32 s21, s2  }
0x9d: {  	[timem:s6], [sflag:s22] =	dma.local [hbm:s4], s20  }
0x9e: {  	_ =	swait.ge [sflag:s22], s20  }
0x9f: {  	s3 =	ssub.s32 $0x0, s20;
	[sflag:s22] =	ssyncset.done $0x0  }
0xa0: {  	[sflag:s22] =	ssyncadd.s32 s3;
	_ =	sdelay $0x1  }
0xa1: {  	s23 =	simm.s32 $0x1B8B  }
0xa2: {  	_ =	swait.ge [sflag:s23], $0x1  }
0xa3: {  	[sflag:s23] =	ssyncset.done $0x0  }
0xa4: {  	s25 =	simm.s32 $0x1B8E;
	s24 =	sld [smem:$0x3FFE];
	[sflag:s23] =	ssyncadd.s32 $0xFFFFFFFF  }
0xa5: {  	s26 =	simm.s32 $execute0_lowered;
	[smem:$0x3FD2] =	sst s25  }
0xa6: {  	s4 =	sshll.u32 s26, $0x1;
	_ =	strace $0x80000049;
	[dreg:$0x1] =	wrdreg $0xFFFFFFFF  }
0xa7: {  	s28 =	simm.s32 $_size_execute0_lowered;
	s2 =	sadd.s32 s2, s4;
	[dreg:$0x0] =	wrdreg $0x0  }
0xa8: {  	s4 =	sshll.u32 s28, $0x1;
	[dreg:$0x2] =	wrdreg s2  }
0xa9: {  	[dreg:$0x3] =	wrdreg s4  }
0xaa: {  	[dreg:$0x4] =	wrdreg $0xC0  }
0xab: {  	_ =	task [dreg:s6], $0x5FFFF  }
0xac: {  	[dreg:$0x1] =	wrdreg $0xFFFFFFFF  }
0xad: {  	[dreg:$0x0] =	wrdreg $0x60  }
0xae: {  	[dreg:$0x2] =	wrdreg s24  }
0xaf: {  	[dreg:$0x3] =	wrdreg $0x90000  }
0xb0: {  	[dreg:$0x4] =	wrdreg $0x12E000  }
0xb1: {  	[dreg:$0x5] =	wrdreg $0x9  }
0xb2: {  	_ =	task.clear_ibuf [dreg:s6], $0x6FFFF;
	_ =	strace $0x90000049  }
0xb3: {  	s29 =	simm.s32 $0x9;
	_ =	strace $0x8000004B  }
0xb4: {  	_ =	swait.ge [sflag:s29], $0x1  }
0xb5: {  	[sflag:s29] =	ssyncadd.s32 $0xFFFFFFFF  }
0xb6: {  	_ =	strace $0x9000004B  }
0xb7: {  	_ =	sfence  }
0xb8: {  	s30 =	sld [smem:$0x0];
	_ =	sdelay $0x2  }
0xb9: {  	s31 =	sshll.u32 s1, $0xD;
	s1 =	sshrl.u32 s1, $0x2  }
0xba: {  	s3 =	sand.u32 $0x4000, s31;
	s1 =	sadd.s32 s1, s30  }
0xbb: {  	s0 =	sor.u32 s3, s0;
	s1 =	sshll.u32 s1, $0x11  }
0xbc: {  	s0 =	sor.u32 s1, s0  }
0xbd: {  	s0 =	sadd.s32 $0x8F2B, s0  }
0xbe: {  	[sflag:s0] =	ssyncadd.remote.s32 $0x1  }
0xbf: {  	_ =	sfence.sel $0xFFFF  }
0xc0: {  	[dreg:$0x0] =	wrdreg $0xFFFFFFFF;
	(pc) =	sbr.abs _section_cstart, $3  }
0xc1: {  	[dreg:$0x1] =	wrdreg $0xFFFFFFFF  }
0xc2: {  	_ =	task.clear_ibuf [dreg:s6], $0x2FFFF;
	_ =	strace $0x9FFFFFFF  }
0xc3: {  	(tm) =	ssettm $0x7FFFFFFF  }
tec
execute0_lowered:
.L_overlay_start_1:
0x0: {  	(tag) =	ssettag $0x1  }
0x1: {  	s1 =	srdreg.scid  }
0x2: {  	s0 =	stileid.u32;
	s5 =	rddreg [dreg:$0x0]  }
0x3: {  	s2 =	rddreg [dreg:$0x1];
	s12 =	simm.s32 $0x2800;
	s16 =	simm.s32 $0x80  }
0x4: {  	s17 =	simm.s32 $0x5000;
	s18 =	simm.s32 $0x7000;
	s19 =	simm.s32 $0x1  }
0x5: {  	s20 =	simm.s32 $0x2;
	s21 =	simm.s32 $0x3;
	s22 =	simm.s32 $0x4  }
0x6: {  	s23 =	simm.s32 $0x4E00;
	s24 =	simm.s32 $0x4E80;
	s25 =	simm.s32 $0x2700  }
0x7: {  	s26 =	simm.s32 $0x2780;
	s28 =	simm.s32 $0x4F00;
	s29 =	simm.s32 $0x4F80  }
0x8: {  	s30 =	simm.s32 $0x0;
	s1 =	sand.u32 $0x1, s1;
	s3 =	sshll.u32 s0, $0x1  }
0x9: {  	s8 =	smul.u32 $0x9E00, s0;
	s31 =	sshll.u32 s0, $0x6;
	s4 =	sor.u32 s1, s3  }
0xa: {  	s3 =	rddreg [dreg:$0x2];
	s7 =	smul.u32 $0x9E000, s1;
	s1 =	ssub.s32 $0x2, s1  }
0xb: {  	s13 =	sor.u32 $0x1C05, s31;
	s6 =	smul.u32 $0x500, s4;
	s4 =	simm.s32 $0x0  }
0xc: {  	s9 =	sshrl.u32 s8, $0x3;
	s10 =	sshrl.u32 s1, $0x1;
	s14 =	sadd.s32 s8, s2  }
0xd: {  	s15 =	sadd.s32 s8, s3;
	[smem:$0x7FF] =	sst s4;
	s7 =	sadd.s32 s8, s7  }
0xe: {  	s9 =	sadd.s32 s9, s5;
	s1 =	ssub.s32 s1, s10;
	s14 =	sshrl.u32 s14, $0x3  }
0xf: {  	s15 =	sshrl.u32 s15, $0x3;
	_ =	strace $0x8000004A;
	s6 =	sadd.s32 s6, s5  }
0x10: {  	s7 =	sshrl.u32 s7, $0x3;
	s8 =	sadd.s32 $0x35200, s9;
	s10 =	smax.u32 s1, $0x1  }
0x11: {  	s11 =	sadd.s32 s7, s5;
	s5 =	sadd.s32 $0x17600, s6;
	s6 =	sadd.s32 $0x3200, s6  }
0x12: {  	s7 =	sadd.s32 $0x21600, s9;
	s9 =	sadd.s32 $0x48E00, s11;
	s11 =	simm.s32 $0x5  }
.LBB2_1:
0x13: {  	[tilespmem:s4], [sflag:$0x5] =	stream.linear.gather [hbm4b:s5+s4], $0x2800, $0x38;
	[tilespmem:$0x1CC00] =	vst v63  }
0x14: {  	_ =	swait.ge [sflag:s11], $0x2800  }
0x15: {  	[sflag:s11] =	ssyncset.done $0x0  }
0x16: {  	[sflag:s11] =	ssyncadd.s32 $0xFFFFD800  }
0x17: {  	[tilespmem:s12], [sflag:$0x5] =	stream.linear.gather [hbm4b:s6+s4], $0x2800, $0x38;
	[tilespmem:$0x1CC00] =	vst v63  }
0x18: {  	_ =	swait.ge [sflag:s11], $0x2800  }
0x19: {  	[sflag:s11] =	ssyncset.done $0x0  }
0x1a: {  	[sflag:s11] =	ssyncadd.s32 $0xFFFFD800  }
0x1b: {  	[spmem:s14], [sflag:s13] =	dma.local [hbm:s7], $0x13C0  }
0x1c: {  	_ =	swait.ge [sflag:s11], $0x13C0  }
0x1d: {  	[sflag:s11] =	ssyncset.done $0x0  }
0x1e: {  	[sflag:s11] =	ssyncadd.s32 $0xFFFFEC40  }
0x1f: {  	[spmem:s15], [sflag:s13] =	dma.local [hbm:s8], $0x13C0  }
0x20: {  	_ =	swait.ge [sflag:s11], $0x13C0  }
0x21: {  	[sflag:s11] =	ssyncset.done $0x0  }
0x22: {  	[sflag:s11] =	ssyncadd.s32 $0xFFFFEC40  }
0x23: {  	[bflag:$0x0] =	sbarrier.arrive $0xFFFF  }
0x24: {  	[tilespmem:s17], [sflag:$0x1] =	stream.indirect.gather [spmem:s2], $0x40, s4, s16, $0xb8;
	[tilespmem:$0x1CC00] =	vst v63  }
0x25: {  	_ = 	snop  }
0x26: {  	[tilespmem:s18], [sflag:$0x2] =	stream.indirect.gather [spmem:s2], $0x40, s16, s16, $0xb8;
	[tilespmem:$0x1CC00] =	vst v63  }
0x27: {  	_ =	swait.ge [sflag:s19], $0x2000  }
0x28: {  	[sflag:s19] =	ssyncset.done $0x0  }
0x29: {  	s1 =	simm.s32 $0x2800;
	[sflag:s19] =	ssyncadd.s32 $0xFFFFE000  }
0x2a: {  	[spmem:s3] =	stream.indirect.scatter.add.f32 [tilespmem:s17], [sflag:$0x3], $0x40, s1, s16, $0xb8;
	[tilespmem:$0x1CC00] =	vst v63  }
0x2b: {  	_ =	swait.ge [sflag:s20], $0x2000  }
0x2c: {  	[sflag:s20] =	ssyncset.done $0x0  }
0x2d: {  	s0 =	simm.s32 $0x2880;
	[sflag:s20] =	ssyncadd.s32 $0xFFFFE000  }
0x2e: {  	[spmem:s3] =	stream.indirect.scatter.add.f32 [tilespmem:s18], [sflag:$0x4], $0x40, s0, s16, $0xb8;
	[tilespmem:$0x1CC00] =	vst v63  }
0x2f: {  	_ =	swait.ge [sflag:s21], $0x2000  }
0x30: {  	[sflag:s21] =	ssyncset.done $0x0  }
0x31: {  	s0 =	simm.s32 $0x100;
	[sflag:s21] =	ssyncadd.s32 $0xFFFFE000  }
0x32: {  	[tilespmem:s17], [sflag:$0x1] =	stream.indirect.gather [spmem:s2], $0x40, s0, s16, $0xb8;
	[tilespmem:$0x1CC00] =	vst v63  }
0x33: {  	_ =	swait.ge [sflag:s22], $0x2000  }
0x34: {  	[sflag:s22] =	ssyncset.done $0x0  }
0x35: {  	s0 =	simm.s32 $0x180;
	[sflag:s22] =	ssyncadd.s32 $0xFFFFE000  }
0x36: {  	[tilespmem:s18], [sflag:$0x2] =	stream.indirect.gather [spmem:s2], $0x40, s0, s16, $0xb8;
	[tilespmem:$0x1CC00] =	vst v63  }
0x37: {  	_ =	swait.ge [sflag:s19], $0x2000  }
0x38: {  	[sflag:s19] =	ssyncset.done $0x0  }
0x39: {  	s0 =	simm.s32 $0x2900;
	[sflag:s19] =	ssyncadd.s32 $0xFFFFE000  }
0x3a: {  	[spmem:s3] =	stream.indirect.scatter.add.f32 [tilespmem:s17], [sflag:$0x3], $0x40, s0, s16, $0xb8;
	[tilespmem:$0x1CC00] =	vst v63  }
0x3b: {  	_ =	swait.ge [sflag:s20], $0x2000  }
0x3c: {  	[sflag:s20] =	ssyncset.done $0x0  }
0x3d: {  	s0 =	simm.s32 $0x2980;
	[sflag:s20] =	ssyncadd.s32 $0xFFFFE000  }
0x3e: {  	[spmem:s3] =	stream.indirect.scatter.add.f32 [tilespmem:s18], [sflag:$0x4], $0x40, s0, s16, $0xb8;
	[tilespmem:$0x1CC00] =	vst v63  }
0x3f: {  	_ =	swait.ge [sflag:s21], $0x2000  }
0x40: {  	[sflag:s21] =	ssyncset.done $0x0  }
0x41: {  	s0 =	simm.s32 $0x200;
	[sflag:s21] =	ssyncadd.s32 $0xFFFFE000  }
0x42: {  	[tilespmem:s17], [sflag:$0x1] =	stream.indirect.gather [spmem:s2], $0x40, s0, s16, $0xb8;
	[tilespmem:$0x1CC00] =	vst v63  }
0x43: {  	_ =	swait.ge [sflag:s22], $0x2000  }
0x44: {  	[sflag:s22] =	ssyncset.done $0x0  }
0x45: {  	s31 =	simm.s32 $0x800;
	s1 =	simm.s32 $0x280;
	[sflag:s22] =	ssyncadd.s32 $0xFFFFE000  }
.LBB2_2:
0x46: {  	[tilespmem:s18], [sflag:$0x2] =	stream.indirect.gather [spmem:s2], $0x40, s1, s16, $0xb8;
	[tilespmem:$0x1CC00] =	vst v63  }
0x47: {  	s1 =	smov.u32 s31  }
0x48: {  	p0 =	sne.s32 s31, $0x9000;
	s31 =	sadd.s32 $0x800, s31;
	_ =	swait.ge [sflag:s19], $0x2000  }
0x49: {  	s1 =	sshra.s32 s1, $0x2;
	[sflag:s19] =	ssyncset.done $0x0  }
0x4a: {  	s0 =	sadd.s32 $0x2800, s1;
	[sflag:s19] =	ssyncadd.s32 $0xFFFFE000  }
0x4b: {  	[spmem:s3] =	stream.indirect.scatter.add.f32 [tilespmem:s17], [sflag:$0x3], $0x40, s0, s16, $0xb8;
	[tilespmem:$0x1CC00] =	vst v63  }
0x4c: {  	_ =	swait.ge [sflag:s20], $0x2000  }
0x4d: {  	[sflag:s20] =	ssyncset.done $0x0  }
0x4e: {  	s0 =	sadd.s32 $0x2880, s1;
	[sflag:s20] =	ssyncadd.s32 $0xFFFFE000  }
0x4f: {  	[spmem:s3] =	stream.indirect.scatter.add.f32 [tilespmem:s18], [sflag:$0x4], $0x40, s0, s16, $0xb8;
	[tilespmem:$0x1CC00] =	vst v63  }
0x50: {  	_ =	swait.ge [sflag:s21], $0x2000  }
0x51: {  	[sflag:s21] =	ssyncset.done $0x0  }
0x52: {  	s0 =	sadd.s32 $0x100, s1;
	[sflag:s21] =	ssyncadd.s32 $0xFFFFE000  }
0x53: {  	[tilespmem:s17], [sflag:$0x1] =	stream.indirect.gather [spmem:s2], $0x40, s0, s16, $0xb8;
	[tilespmem:$0x1CC00] =	vst v63  }
0x54: {  	_ =	swait.ge [sflag:s22], $0x2000  }
0x55: {  	[sflag:s22] =	ssyncset.done $0x0  }
0x56: {  	s0 =	sadd.s32 $0x180, s1;
	[sflag:s22] =	ssyncadd.s32 $0xFFFFE000  }
0x57: {  	[tilespmem:s18], [sflag:$0x2] =	stream.indirect.gather [spmem:s2], $0x40, s0, s16, $0xb8;
	[tilespmem:$0x1CC00] =	vst v63  }
0x58: {  	_ =	swait.ge [sflag:s19], $0x2000  }
0x59: {  	[sflag:s19] =	ssyncset.done $0x0  }
0x5a: {  	s0 =	sadd.s32 $0x2900, s1;
	[sflag:s19] =	ssyncadd.s32 $0xFFFFE000  }
0x5b: {  	[spmem:s3] =	stream.indirect.scatter.add.f32 [tilespmem:s17], [sflag:$0x3], $0x40, s0, s16, $0xb8;
	[tilespmem:$0x1CC00] =	vst v63  }
0x5c: {  	_ =	swait.ge [sflag:s20], $0x2000  }
0x5d: {  	[sflag:s20] =	ssyncset.done $0x0  }
0x5e: {  	s0 =	sadd.s32 $0x2980, s1;
	[sflag:s20] =	ssyncadd.s32 $0xFFFFE000  }
0x5f: {  	[spmem:s3] =	stream.indirect.scatter.add.f32 [tilespmem:s18], [sflag:$0x4], $0x40, s0, s16, $0xb8;
	[tilespmem:$0x1CC00] =	vst v63  }
0x60: {  	_ =	swait.ge [sflag:s21], $0x2000  }
0x61: {  	[sflag:s21] =	ssyncset.done $0x0  }
.Ltmp0:
0x62: {  	s0 =	sadd.s32 $0x200, s1;
	[sflag:s21] =	ssyncadd.s32 $0xFFFFE000;
	(pc) =	sbr.rel @p0 .LBB2_2-.Ltmp0, $4  }
0x63: {  	[tilespmem:s17], [sflag:$0x1] =	stream.indirect.gather [spmem:s2], $0x40, s0, s16, $0xb8;
	[tilespmem:$0x1CC00] =	vst v63  }
0x64: {  	_ =	swait.ge [sflag:s22], $0x2000  }
0x65: {  	[sflag:s22] =	ssyncset.done $0x0  }
0x66: {  	s1 =	sadd.s32 $0x280, s1;
	[sflag:s22] =	ssyncadd.s32 $0xFFFFE000  }
0x67: {  	[tilespmem:s18], [sflag:$0x2] =	stream.indirect.gather [spmem:s2], $0x40, s1, s16, $0xb8;
	[tilespmem:$0x1CC00] =	vst v63  }
0x68: {  	_ =	swait.ge [sflag:s19], $0x2000  }
0x69: {  	[sflag:s19] =	ssyncset.done $0x0  }
0x6a: {  	[sflag:s19] =	ssyncadd.s32 $0xFFFFE000  }
0x6b: {  	[spmem:s3] =	stream.indirect.scatter.add.f32 [tilespmem:s17], [sflag:$0x3], $0x40, s23, s16, $0xb8;
	[tilespmem:$0x1CC00] =	vst v63  }
0x6c: {  	_ =	swait.ge [sflag:s20], $0x2000  }
0x6d: {  	[sflag:s20] =	ssyncset.done $0x0  }
0x6e: {  	[sflag:s20] =	ssyncadd.s32 $0xFFFFE000  }
0x6f: {  	[spmem:s3] =	stream.indirect.scatter.add.f32 [tilespmem:s18], [sflag:$0x4], $0x40, s24, s16, $0xb8;
	[tilespmem:$0x1CC00] =	vst v63  }
0x70: {  	_ =	swait.ge [sflag:s21], $0x2000  }
0x71: {  	[sflag:s21] =	ssyncset.done $0x0  }
0x72: {  	[sflag:s21] =	ssyncadd.s32 $0xFFFFE000  }
0x73: {  	[tilespmem:s17], [sflag:$0x1] =	stream.indirect.gather [spmem:s2], $0x40, s25, s16, $0xb8;
	[tilespmem:$0x1CC00] =	vst v63  }
0x74: {  	_ =	swait.ge [sflag:s22], $0x2000  }
0x75: {  	[sflag:s22] =	ssyncset.done $0x0  }
0x76: {  	[sflag:s22] =	ssyncadd.s32 $0xFFFFE000  }
0x77: {  	[tilespmem:s18], [sflag:$0x2] =	stream.indirect.gather [spmem:s2], $0x40, s26, s16, $0xb8;
	[tilespmem:$0x1CC00] =	vst v63  }
0x78: {  	_ =	swait.ge [sflag:s19], $0x2000  }
0x79: {  	[sflag:s19] =	ssyncset.done $0x0  }
0x7a: {  	[sflag:s19] =	ssyncadd.s32 $0xFFFFE000  }
0x7b: {  	[spmem:s3] =	stream.indirect.scatter.add.f32 [tilespmem:s17], [sflag:$0x3], $0x40, s28, s16, $0xb8;
	[tilespmem:$0x1CC00] =	vst v63  }
0x7c: {  	_ =	swait.ge [sflag:s20], $0x2000  }
0x7d: {  	[sflag:s20] =	ssyncset.done $0x0  }
0x7e: {  	[sflag:s20] =	ssyncadd.s32 $0xFFFFE000  }
0x7f: {  	[spmem:s3] =	stream.indirect.scatter.add.f32 [tilespmem:s18], [sflag:$0x4], $0x40, s29, s16, $0xb8;
	[tilespmem:$0x1CC00] =	vst v63  }
0x80: {  	_ =	swait.ge [sflag:s21], $0x2000  }
0x81: {  	[sflag:s21] =	ssyncset.done $0x0  }
0x82: {  	[sflag:s21] =	ssyncadd.s32 $0xFFFFE000  }
0x83: {  	_ =	swait.ge [sflag:s22], $0x2000  }
0x84: {  	s30 =	sadd.s32 $0x1, s30;
	[sflag:s22] =	ssyncset.done $0x0  }
0x85: {  	p0 =	sne.s32 s30, s10;
	[sflag:s22] =	ssyncadd.s32 $0xFFFFE000  }
.Ltmp1:
0x86: {  	[bflag:$0x0] =	sbarrier.arrive $0xFFFF;
	(pc) =	sbr.rel @p0 .LBB2_1-.Ltmp1, $4  }
0x87: {  	[hbm:s9], [sflag:s13] =	dma.local [spmem:s15], $0x13C0  }
0x88: {  	_ =	swait.ge [sflag:s11], $0x13C0  }
0x89: {  	[sflag:s11] =	ssyncset.done $0x0  }
0x8a: {  	[sflag:s11] =	ssyncadd.s32 $0xFFFFEC40  }
0x8b: {  	_ =	sfence.sel $0x180000  }
0x8c: {  	[bflag:$0x0] =	sbarrier.arrive $0xFFFF  }
0x8d: {  	_ =	strace $0x9000004A  }
0x8e: {  	s0 =	stileid.u32;
	[bflag:$0x2] =	sbarrier.arrive $0xFFFF  }
0x8f: {  	p0 =	sne.s32 s0, $0x0;
	s0 =	rddreg [dreg:$0x3]  }
0x90: {  	s0 =	sadd.s32 @!p0 $0x100000, s0  }
0x91: {  	[sflag:s0] =	ssyncadd.tile.s32 @!p0 $0x1;
	_ =	shalt  }
.Lfunc_end2:
_tile_overlayer_lowered:
.L_overlay_start_2:
0x92: {  	(tag) =	ssettag $0x2  }
0x93: {  	s0 =	rddreg [dreg:$0x0];
	s2 =	stileid.u32  }
0x94: {  	s1 =	rddreg [dreg:$0x1];
	p0 =	sne.s32 s2, $0x0  }
0x95: {  	s3 =	rddreg [dreg:$0x2];
	[bflag:$0x3] =	sbarrier.arrive $0xFFFF;
	s2 =	simm.s32 @!p0 $0x1C05  }
0x96: {  	[timem:s3], [sflag:s2] =	dma.local @!p0 [hbm:s0], s1  }
0x97: {  	s0 =	simm.s32 @!p0 $0x5  }
0x98: {  	_ =	swait.ge @!p0 [sflag:s0], s1  }
0x99: {  	s1 =	ssub.s32 @!p0 $0x0, s1;
	[sflag:s0] =	ssyncset.done @!p0 $0x0  }
0x9a: {  	[sflag:s0] =	ssyncadd.s32 @!p0 s1  }
0x9b: {  	[bflag:$0x3] =	sbarrier.arrive $0xFFFF  }
0x9c: {  	_ =	shalt  }

// kernel: kernel.16.cloned.1.call-start
scs
__scs_entry_jumppad:
0x0: {  	(pc) =	sbr.rel $0x88, $3  }
0x1: {  	(tag) =	ssettag $0x0;
	lr =	simm.s32 $0x1  }
0x2: {  	[smem:$0x3F8E] =	sst lr;
	_ =	strace $0xD0000000  }
0x3: {  	_ = 	snop  }
0x4: {  	_ = 	snop  }
0x5: {  	_ = 	snop  }
0x6: {  	_ = 	snop  }
0x7: {  	_ = 	snop  }
__scs_overlays_trampoline_lowered:
0x8: {  	[smem:$0x3F9D] =	sst s0  }
0x9: {  	[smem:$0x3F9E] =	sst s1  }
0xa: {  	[smem:$0x3F9F] =	sst s2  }
0xb: {  	[smem:$0x3FA0] =	sst s3  }
0xc: {  	[smem:$0x3FA1] =	sst s4  }
0xd: {  	[smem:$0x3FA2] =	sst s5  }
0xe: {  	[smem:$0x3FA3] =	sst s6  }
0xf: {  	[smem:$0x3FA4] =	sst s7  }
0x10: {  	[smem:$0x3FA5] =	sst s8  }
0x11: {  	[smem:$0x3FA6] =	sst s9;
	s0 =	simm.s32 @!p0 $0x0  }
0x12: {  	s1 =	sld [smem:$0x3F8C];
	s0 =	simm.s32 @p0 $0x1  }
0x13: {  	[smem:$0x3FA7] =	sst s0;
	s0 =	simm.s32 @!p1 $0x0  }
0x14: {  	s2 =	sld [smem:$0x3F8B];
	s0 =	simm.s32 @p1 $0x1  }
0x15: {  	[smem:$0x3FA8] =	sst s0;
	s0 =	simm.s32 @!p2 $0x0  }
0x16: {  	s3 =	sld [smem:$0x3FDB];
	s0 =	simm.s32 @p2 $0x1  }
0x17: {  	s4 =	simm.s32 $0x1BF5;
	[smem:$0x3FAA] =	sst s0  }
0x18: {  	s0 =	sld [smem:$0x3F8D];
	_ =	swait.ge [sflag:s4], $0x0  }
0x19: {  	s7 =	sld [smem:$0x3F8E]  }
0x1a: {  	s8 =	sadd.s32 $0xFFFFE003, lr  }
0x1b: {  	s9 =	sadd.s32 $0xFFFFFEF7, lr;
	s5 =	simm.s32 $0xFFFFFFFF;
	p2 =	slt.u32 s8, $0xFFFFF086  }
0x1c: {  	p1 =	slt.u32 s9, $0xF7A;
	s5 =	simm.s32 @!p2 $0x0  }
0x1d: {  	s5 =	simm.s32 @p1 $0x1;
	p0 =	seq.s32 s7, s2  }
0x1e: {  	s7 =	smul.u32 @!p0 $0xF7A, s2;
	p2 =	seq.s32 @!p0 s5, $0x0  }
0x1f: {  	s9 =	smul.u32 $0xF7A, s1;
	s8 =	simm.s32 @!p0 $0x1BF5;
	p2 =	por !p2, p0  }
0x20: {  	[sflag:s8] =	ssyncset.s32 @!p0 $0xFFFFF086;
	s6 =	sadd.s32 @!p0 s3, s7;
	s7 =	simm.s32 @!p0 $0x108  }
0x21: {  	s3 =	sadd.s32 s3, s9;
	s6 =	sadd.s32 @!p0 $0x88, s6;
	s7 =	simm.s32 @p2 $0x1082  }
0x22: {  	[simem:s7], [sflag:s8] =	dma.local @!p0 [hbm:s6], $0xF7A  }
0x23: {  	s9 =	sor.u32 $0xD0000000, s2;
	s6 =	simm.s32 $0x108;
	_ =	swait.ge @!p0 [sflag:s8], $0x0  }
0x24: {  	s3 =	sadd.s32 $0x88, s3;
	s6 =	simm.s32 @!p1 $0x1082;
	[sflag:s4] =	ssyncset.s32 $0xFFFFF086  }
0x25: {  	[simem:s6], [sflag:s4] =	dma.local [hbm:s3], $0xF7A  }
0x26: {  	[smem:$0x3F8E] =	sst s1;
	(tag) =	ssettag s2;
	_ =	strace s9  }
0x27: {  	s1 =	sld [smem:$0x3F9E]  }
0x28: {  	s2 =	sld [smem:$0x3F9F]  }
0x29: {  	s4 =	sld [smem:$0x3FA1]  }
0x2a: {  	p0 =	seq.s32 s5, $0x0;
	s5 =	sld [smem:$0x3FA2]  }
0x2b: {  	s6 =	sld [smem:$0x3FA3]  }
0x2c: {  	s7 =	sld [smem:$0x3FA4]  }
0x2d: {  	s3 =	simm.s32 $0x108;
	s8 =	sld [smem:$0x3FA5]  }
0x2e: {  	s3 =	simm.s32 @!p0 $0x1082;
	s9 =	sld [smem:$0x3FA6]  }
0x2f: {  	lr =	sadd.s32 s0, s3;
	s0 =	sld [smem:$0x3F9D]  }
0x30: {  	s3 =	sld [smem:$0x3FA0]  }
0x31: {  	[smem:$0x3FA9] =	sst s10  }
0x32: {  	s10 =	sld [smem:$0x3FA7];
	_ =	sdelay $0x3  }
0x33: {  	p0 =	seq.s32 s10, $0x1;
	s10 =	sld [smem:$0x3FA9];
	_ =	sdelay $0x3  }
0x34: {  	[smem:$0x3FA9] =	sst s10  }
0x35: {  	s10 =	sld [smem:$0x3FA8];
	_ =	sdelay $0x3  }
0x36: {  	p1 =	seq.s32 s10, $0x1;
	s10 =	sld [smem:$0x3FA9];
	_ =	sdelay $0x3  }
0x37: {  	[smem:$0x3FA9] =	sst s10  }
0x38: {  	s10 =	sld [smem:$0x3FAA]  }
0x39: {  	_ = 	snop;
	(pc) =	sbr.ind lr, $3  }
0x3a: {  	_ = 	snop  }
0x3b: {  	_ = 	snop  }
0x3c: {  	p2 =	seq.s32 s10, $0x1;
	s10 =	sld [smem:$0x3FA9]  }
0x3d: {  	_ =	shalt  }
0x3e: {  	_ =	shalt  }
0x3f: {  	_ =	shalt  }
0x40: {  	_ =	shalt  }
0x41: {  	_ =	shalt  }
0x42: {  	_ =	shalt  }
0x43: {  	_ =	shalt  }
0x44: {  	_ =	shalt  }
0x45: {  	_ =	shalt  }
0x46: {  	_ =	shalt  }
0x47: {  	_ =	shalt  }
0x48: {  	_ =	shalt  }
0x49: {  	_ =	shalt  }
0x4a: {  	_ =	shalt  }
0x4b: {  	_ =	shalt  }
0x4c: {  	_ =	shalt  }
0x4d: {  	_ =	shalt  }
0x4e: {  	_ =	shalt  }
0x4f: {  	_ =	shalt  }
0x50: {  	_ =	shalt  }
0x51: {  	_ =	shalt  }
0x52: {  	_ =	shalt  }
0x53: {  	_ =	shalt  }
0x54: {  	_ =	shalt  }
0x55: {  	_ =	shalt  }
0x56: {  	_ =	shalt  }
0x57: {  	_ =	shalt  }
0x58: {  	_ =	shalt  }
0x59: {  	_ =	shalt  }
0x5a: {  	_ =	shalt  }
0x5b: {  	_ =	shalt  }
0x5c: {  	_ =	shalt  }
0x5d: {  	_ =	shalt  }
0x5e: {  	_ =	shalt  }
0x5f: {  	_ =	shalt  }
0x60: {  	_ =	shalt  }
0x61: {  	_ =	shalt  }
0x62: {  	_ =	shalt  }
0x63: {  	_ =	shalt  }
0x64: {  	_ =	shalt  }
0x65: {  	_ =	shalt  }
0x66: {  	_ =	shalt  }
0x67: {  	_ =	shalt  }
0x68: {  	_ =	shalt  }
0x69: {  	_ =	shalt  }
0x6a: {  	_ =	shalt  }
0x6b: {  	_ =	shalt  }
0x6c: {  	_ =	shalt  }
0x6d: {  	_ =	shalt  }
0x6e: {  	_ =	shalt  }
0x6f: {  	_ =	shalt  }
0x70: {  	_ =	shalt  }
0x71: {  	_ =	shalt  }
0x72: {  	_ =	shalt  }
0x73: {  	_ =	shalt  }
0x74: {  	_ =	shalt  }
0x75: {  	_ =	shalt  }
0x76: {  	_ =	shalt  }
0x77: {  	_ =	shalt  }
0x78: {  	_ =	shalt  }
0x79: {  	_ =	shalt  }
0x7a: {  	_ =	shalt  }
0x7b: {  	_ =	shalt  }
0x7c: {  	_ =	shalt  }
0x7d: {  	_ =	shalt  }
0x7e: {  	_ =	shalt  }
0x7f: {  	_ =	shalt  }
0x80: {  	_ =	shalt  }
0x81: {  	_ =	shalt  }
0x82: {  	_ =	shalt  }
0x83: {  	_ =	shalt  }
0x84: {  	_ =	shalt  }
0x85: {  	_ =	shalt  }
0x86: {  	_ =	shalt  }
0x87: {  	_ =	shalt  }
.Lfunc_end0:
.L_simem_size_0:
called_computation.2_lowered:
.L_overlay_start_0:
0x88: {  	s2 =	sld [smem:$0x3FD9]  }
0x89: {  	s3 =	sld [smem:$0x3FFE];
	_ =	sdelay $0x1  }
0x8a: {  	s1 =	srdreg.scid  }
0x8b: {  	s0 =	sand.u32 $0x1, s1  }
0x8c: {  	s16 =	sshll.u32 s0, $0xA;
	s2 =	sadd.s32 s3, s2  }
0x8d: {  	s2 =	sadd.s32 s2, s16  }
0x8e: {  	[smem:$0x3FB5] =	sst s2  }
0x8f: {  	_ = 	snop  }
0x90: {  	(tm) =	ssettm $0x1  }
0x91: {  	s17 =	sld [smem:$0x3FFB];
	_ =	sdelay $0x3  }
0x92: {  	_ =	strace s17  }
0x93: {  	s2 =	sld [smem:$0x3FFC];
	_ =	sdelay $0x3  }
0x94: {  	_ =	strace s2  }
0x95: {  	s2 =	sld [smem:$0x3FFD];
	_ =	sdelay $0x3  }
0x96: {  	_ =	strace s2  }
0x97: {  	_ =	strace $0x8FFFFFFF  }
0x98: {  	s18 =	sld [smem:$0x3FDB];
	_ =	sdelay $0x1  }
0x99: {  	s19 =	simm.s32 $_scs_section_size  }
0x9a: {  	s4 =	simm.s32 $_size__tile_overlayer_lowered;
	s5 =	simm.s32 $_tile_overlayer_lowered  }
0x9b: {  	s22 =	simm.s32 $0x1BFF;
	s21 =	sshll.u32 s5, $0x1;
	s2 =	sadd.s32 s19, s18  }
0x9c: {  	s6 =	simm.s32 $0x0;
	s20 =	sshll.u32 s4, $0x1;
	s4 =	sadd.s32 s21, s2  }
0x9d: {  	[timem:s6], [sflag:s22] =	dma.local [hbm:s4], s20  }
0x9e: {  	_ =	swait.ge [sflag:s22], s20  }
0x9f: {  	s3 =	ssub.s32 $0x0, s20;
	[sflag:s22] =	ssyncset.done $0x0  }
0xa0: {  	[sflag:s22] =	ssyncadd.s32 s3;
	_ =	sdelay $0x1  }
0xa1: {  	s23 =	simm.s32 $0x1B8B  }
0xa2: {  	_ =	swait.ge [sflag:s23], $0x1  }
0xa3: {  	[sflag:s23] =	ssyncset.done $0x0  }
0xa4: {  	s25 =	simm.s32 $0x1B8E;
	s24 =	sld [smem:$0x3FFE];
	[sflag:s23] =	ssyncadd.s32 $0xFFFFFFFF  }
0xa5: {  	s26 =	simm.s32 $execute0_lowered;
	[smem:$0x3FD2] =	sst s25  }
0xa6: {  	s4 =	sshll.u32 s26, $0x1;
	_ =	strace $0x8000004C;
	[dreg:$0x1] =	wrdreg $0xFFFFFFFF  }
0xa7: {  	s28 =	simm.s32 $_size_execute0_lowered;
	s2 =	sadd.s32 s2, s4;
	[dreg:$0x0] =	wrdreg $0x0  }
0xa8: {  	s4 =	sshll.u32 s28, $0x1;
	[dreg:$0x2] =	wrdreg s2  }
0xa9: {  	[dreg:$0x3] =	wrdreg s4  }
0xaa: {  	[dreg:$0x4] =	wrdreg $0xC0  }
0xab: {  	_ =	task [dreg:s6], $0x5FFFF  }
0xac: {  	[dreg:$0x1] =	wrdreg $0xFFFFFFFF  }
0xad: {  	[dreg:$0x0] =	wrdreg $0x60  }
0xae: {  	[dreg:$0x2] =	wrdreg s24  }
0xaf: {  	[dreg:$0x3] =	wrdreg $0x90000  }
0xb0: {  	[dreg:$0x4] =	wrdreg $0x12E000  }
0xb1: {  	[dreg:$0x5] =	wrdreg $0x9  }
0xb2: {  	_ =	task.clear_ibuf [dreg:s6], $0x6FFFF;
	_ =	strace $0x9000004C  }
0xb3: {  	s29 =	simm.s32 $0x9;
	_ =	strace $0x8000004E  }
0xb4: {  	_ =	swait.ge [sflag:s29], $0x1  }
0xb5: {  	[sflag:s29] =	ssyncadd.s32 $0xFFFFFFFF  }
0xb6: {  	_ =	strace $0x9000004E  }
0xb7: {  	_ =	sfence  }
0xb8: {  	s30 =	sld [smem:$0x0];
	_ =	sdelay $0x2  }
0xb9: {  	s31 =	sshll.u32 s1, $0xD;
	s1 =	sshrl.u32 s1, $0x2  }
0xba: {  	s3 =	sand.u32 $0x4000, s31;
	s1 =	sadd.s32 s1, s30  }
0xbb: {  	s0 =	sor.u32 s3, s0;
	s1 =	sshll.u32 s1, $0x11  }
0xbc: {  	s0 =	sor.u32 s1, s0  }
0xbd: {  	s0 =	sadd.s32 $0x8F2B, s0  }
0xbe: {  	[sflag:s0] =	ssyncadd.remote.s32 $0x1  }
0xbf: {  	_ =	sfence.sel $0xFFFF  }
0xc0: {  	[dreg:$0x0] =	wrdreg $0xFFFFFFFF;
	(pc) =	sbr.abs _section_cstart, $3  }
0xc1: {  	[dreg:$0x1] =	wrdreg $0xFFFFFFFF  }
0xc2: {  	_ =	task.clear_ibuf [dreg:s6], $0x2FFFF;
	_ =	strace $0x9FFFFFFF  }
0xc3: {  	(tm) =	ssettm $0x7FFFFFFF  }
tec
execute0_lowered:
.L_overlay_start_1:
0x0: {  	(tag) =	ssettag $0x1  }
0x1: {  	s1 =	srdreg.scid  }
0x2: {  	s0 =	stileid.u32;
	s5 =	rddreg [dreg:$0x0]  }
0x3: {  	s2 =	rddreg [dreg:$0x1];
	s12 =	simm.s32 $0x2800;
	s16 =	simm.s32 $0x80  }
0x4: {  	s17 =	simm.s32 $0x5000;
	s18 =	simm.s32 $0x7000;
	s19 =	simm.s32 $0x1  }
0x5: {  	s20 =	simm.s32 $0x2;
	s21 =	simm.s32 $0x3;
	s22 =	simm.s32 $0x4  }
0x6: {  	s23 =	simm.s32 $0x4E00;
	s24 =	simm.s32 $0x4E80;
	s25 =	simm.s32 $0x2700  }
0x7: {  	s26 =	simm.s32 $0x2780;
	s28 =	simm.s32 $0x4F00;
	s29 =	simm.s32 $0x4F80  }
0x8: {  	s30 =	simm.s32 $0x0;
	s1 =	sand.u32 $0x1, s1;
	s3 =	sshll.u32 s0, $0x1  }
0x9: {  	s8 =	smul.u32 $0x9E00, s0;
	s31 =	sshll.u32 s0, $0x6;
	s4 =	sor.u32 s1, s3  }
0xa: {  	s3 =	rddreg [dreg:$0x2];
	s7 =	smul.u32 $0x9E000, s1;
	s1 =	ssub.s32 $0x2, s1  }
0xb: {  	s13 =	sor.u32 $0x1C05, s31;
	s6 =	smul.u32 $0x500, s4;
	s4 =	simm.s32 $0x0  }
0xc: {  	s9 =	sshrl.u32 s8, $0x3;
	s10 =	sshrl.u32 s1, $0x1;
	s14 =	sadd.s32 s8, s2  }
0xd: {  	s15 =	sadd.s32 s8, s3;
	[smem:$0x7FF] =	sst s4;
	s7 =	sadd.s32 s8, s7  }
0xe: {  	s9 =	sadd.s32 s9, s5;
	s1 =	ssub.s32 s1, s10;
	s14 =	sshrl.u32 s14, $0x3  }
0xf: {  	s15 =	sshrl.u32 s15, $0x3;
	_ =	strace $0x8000004D;
	s6 =	sadd.s32 s6, s5  }
0x10: {  	s7 =	sshrl.u32 s7, $0x3;
	s8 =	sadd.s32 $0x35200, s9;
	s10 =	smax.u32 s1, $0x1  }
0x11: {  	s11 =	sadd.s32 s7, s5;
	s5 =	sadd.s32 $0x17600, s6;
	s6 =	sadd.s32 $0x3200, s6  }
0x12: {  	s7 =	sadd.s32 $0x21600, s9;
	s9 =	sadd.s32 $0x48E00, s11;
	s11 =	simm.s32 $0x5  }
.LBB2_1:
0x13: {  	[tilespmem:s4], [sflag:$0x5] =	stream.linear.gather [hbm4b:s5+s4], $0x2800, $0x38;
	[tilespmem:$0x1CC00] =	vst v63  }
0x14: {  	_ =	swait.ge [sflag:s11], $0x2800  }
0x15: {  	[sflag:s11] =	ssyncset.done $0x0  }
0x16: {  	[sflag:s11] =	ssyncadd.s32 $0xFFFFD800  }
0x17: {  	[tilespmem:s12], [sflag:$0x5] =	stream.linear.gather [hbm4b:s6+s4], $0x2800, $0x38;
	[tilespmem:$0x1CC00] =	vst v63  }
0x18: {  	_ =	swait.ge [sflag:s11], $0x2800  }
0x19: {  	[sflag:s11] =	ssyncset.done $0x0  }
0x1a: {  	[sflag:s11] =	ssyncadd.s32 $0xFFFFD800  }
0x1b: {  	[spmem:s14], [sflag:s13] =	dma.local [hbm:s7], $0x13C0  }
0x1c: {  	_ =	swait.ge [sflag:s11], $0x13C0  }
0x1d: {  	[sflag:s11] =	ssyncset.done $0x0  }
0x1e: {  	[sflag:s11] =	ssyncadd.s32 $0xFFFFEC40  }
0x1f: {  	[spmem:s15], [sflag:s13] =	dma.local [hbm:s8], $0x13C0  }
0x20: {  	_ =	swait.ge [sflag:s11], $0x13C0  }
0x21: {  	[sflag:s11] =	ssyncset.done $0x0  }
0x22: {  	[sflag:s11] =	ssyncadd.s32 $0xFFFFEC40  }
0x23: {  	[bflag:$0x0] =	sbarrier.arrive $0xFFFF  }
0x24: {  	[tilespmem:s17], [sflag:$0x1] =	stream.indirect.gather [spmem:s2], $0x40, s4, s16, $0xb8;
	[tilespmem:$0x1CC00] =	vst v63  }
0x25: {  	_ = 	snop  }
0x26: {  	[tilespmem:s18], [sflag:$0x2] =	stream.indirect.gather [spmem:s2], $0x40, s16, s16, $0xb8;
	[tilespmem:$0x1CC00] =	vst v63  }
0x27: {  	_ =	swait.ge [sflag:s19], $0x2000  }
0x28: {  	[sflag:s19] =	ssyncset.done $0x0  }
0x29: {  	s1 =	simm.s32 $0x2800;
	[sflag:s19] =	ssyncadd.s32 $0xFFFFE000  }
0x2a: {  	[spmem:s3] =	stream.indirect.scatter.add.f32 [tilespmem:s17], [sflag:$0x3], $0x40, s1, s16, $0xb8;
	[tilespmem:$0x1CC00] =	vst v63  }
0x2b: {  	_ =	swait.ge [sflag:s20], $0x2000  }
0x2c: {  	[sflag:s20] =	ssyncset.done $0x0  }
0x2d: {  	s0 =	simm.s32 $0x2880;
	[sflag:s20] =	ssyncadd.s32 $0xFFFFE000  }
0x2e: {  	[spmem:s3] =	stream.indirect.scatter.add.f32 [tilespmem:s18], [sflag:$0x4], $0x40, s0, s16, $0xb8;
	[tilespmem:$0x1CC00] =	vst v63  }
0x2f: {  	_ =	swait.ge [sflag:s21], $0x2000  }
0x30: {  	[sflag:s21] =	ssyncset.done $0x0  }
0x31: {  	s0 =	simm.s32 $0x100;
	[sflag:s21] =	ssyncadd.s32 $0xFFFFE000  }
0x32: {  	[tilespmem:s17], [sflag:$0x1] =	stream.indirect.gather [spmem:s2], $0x40, s0, s16, $0xb8;
	[tilespmem:$0x1CC00] =	vst v63  }
0x33: {  	_ =	swait.ge [sflag:s22], $0x2000  }
0x34: {  	[sflag:s22] =	ssyncset.done $0x0  }
0x35: {  	s0 =	simm.s32 $0x180;
	[sflag:s22] =	ssyncadd.s32 $0xFFFFE000  }
0x36: {  	[tilespmem:s18], [sflag:$0x2] =	stream.indirect.gather [spmem:s2], $0x40, s0, s16, $0xb8;
	[tilespmem:$0x1CC00] =	vst v63  }
0x37: {  	_ =	swait.ge [sflag:s19], $0x2000  }
0x38: {  	[sflag:s19] =	ssyncset.done $0x0  }
0x39: {  	s0 =	simm.s32 $0x2900;
	[sflag:s19] =	ssyncadd.s32 $0xFFFFE000  }
0x3a: {  	[spmem:s3] =	stream.indirect.scatter.add.f32 [tilespmem:s17], [sflag:$0x3], $0x40, s0, s16, $0xb8;
	[tilespmem:$0x1CC00] =	vst v63  }
0x3b: {  	_ =	swait.ge [sflag:s20], $0x2000  }
0x3c: {  	[sflag:s20] =	ssyncset.done $0x0  }
0x3d: {  	s0 =	simm.s32 $0x2980;
	[sflag:s20] =	ssyncadd.s32 $0xFFFFE000  }
0x3e: {  	[spmem:s3] =	stream.indirect.scatter.add.f32 [tilespmem:s18], [sflag:$0x4], $0x40, s0, s16, $0xb8;
	[tilespmem:$0x1CC00] =	vst v63  }
0x3f: {  	_ =	swait.ge [sflag:s21], $0x2000  }
0x40: {  	[sflag:s21] =	ssyncset.done $0x0  }
0x41: {  	s0 =	simm.s32 $0x200;
	[sflag:s21] =	ssyncadd.s32 $0xFFFFE000  }
0x42: {  	[tilespmem:s17], [sflag:$0x1] =	stream.indirect.gather [spmem:s2], $0x40, s0, s16, $0xb8;
	[tilespmem:$0x1CC00] =	vst v63  }
0x43: {  	_ =	swait.ge [sflag:s22], $0x2000  }
0x44: {  	[sflag:s22] =	ssyncset.done $0x0  }
0x45: {  	s31 =	simm.s32 $0x800;
	s1 =	simm.s32 $0x280;
	[sflag:s22] =	ssyncadd.s32 $0xFFFFE000  }
.LBB2_2:
0x46: {  	[tilespmem:s18], [sflag:$0x2] =	stream.indirect.gather [spmem:s2], $0x40, s1, s16, $0xb8;
	[tilespmem:$0x1CC00] =	vst v63  }
0x47: {  	s1 =	smov.u32 s31  }
0x48: {  	p0 =	sne.s32 s31, $0x9000;
	s31 =	sadd.s32 $0x800, s31;
	_ =	swait.ge [sflag:s19], $0x2000  }
0x49: {  	s1 =	sshra.s32 s1, $0x2;
	[sflag:s19] =	ssyncset.done $0x0  }
0x4a: {  	s0 =	sadd.s32 $0x2800, s1;
	[sflag:s19] =	ssyncadd.s32 $0xFFFFE000  }
0x4b: {  	[spmem:s3] =	stream.indirect.scatter.add.f32 [tilespmem:s17], [sflag:$0x3], $0x40, s0, s16, $0xb8;
	[tilespmem:$0x1CC00] =	vst v63  }
0x4c: {  	_ =	swait.ge [sflag:s20], $0x2000  }
0x4d: {  	[sflag:s20] =	ssyncset.done $0x0  }
0x4e: {  	s0 =	sadd.s32 $0x2880, s1;
	[sflag:s20] =	ssyncadd.s32 $0xFFFFE000  }
0x4f: {  	[spmem:s3] =	stream.indirect.scatter.add.f32 [tilespmem:s18], [sflag:$0x4], $0x40, s0, s16, $0xb8;
	[tilespmem:$0x1CC00] =	vst v63  }
0x50: {  	_ =	swait.ge [sflag:s21], $0x2000  }
0x51: {  	[sflag:s21] =	ssyncset.done $0x0  }
0x52: {  	s0 =	sadd.s32 $0x100, s1;
	[sflag:s21] =	ssyncadd.s32 $0xFFFFE000  }
0x53: {  	[tilespmem:s17], [sflag:$0x1] =	stream.indirect.gather [spmem:s2], $0x40, s0, s16, $0xb8;
	[tilespmem:$0x1CC00] =	vst v63  }
0x54: {  	_ =	swait.ge [sflag:s22], $0x2000  }
0x55: {  	[sflag:s22] =	ssyncset.done $0x0  }
0x56: {  	s0 =	sadd.s32 $0x180, s1;
	[sflag:s22] =	ssyncadd.s32 $0xFFFFE000  }
0x57: {  	[tilespmem:s18], [sflag:$0x2] =	stream.indirect.gather [spmem:s2], $0x40, s0, s16, $0xb8;
	[tilespmem:$0x1CC00] =	vst v63  }
0x58: {  	_ =	swait.ge [sflag:s19], $0x2000  }
0x59: {  	[sflag:s19] =	ssyncset.done $0x0  }
0x5a: {  	s0 =	sadd.s32 $0x2900, s1;
	[sflag:s19] =	ssyncadd.s32 $0xFFFFE000  }
0x5b: {  	[spmem:s3] =	stream.indirect.scatter.add.f32 [tilespmem:s17], [sflag:$0x3], $0x40, s0, s16, $0xb8;
	[tilespmem:$0x1CC00] =	vst v63  }
0x5c: {  	_ =	swait.ge [sflag:s20], $0x2000  }
0x5d: {  	[sflag:s20] =	ssyncset.done $0x0  }
0x5e: {  	s0 =	sadd.s32 $0x2980, s1;
	[sflag:s20] =	ssyncadd.s32 $0xFFFFE000  }
0x5f: {  	[spmem:s3] =	stream.indirect.scatter.add.f32 [tilespmem:s18], [sflag:$0x4], $0x40, s0, s16, $0xb8;
	[tilespmem:$0x1CC00] =	vst v63  }
0x60: {  	_ =	swait.ge [sflag:s21], $0x2000  }
0x61: {  	[sflag:s21] =	ssyncset.done $0x0  }
.Ltmp0:
0x62: {  	s0 =	sadd.s32 $0x200, s1;
	[sflag:s21] =	ssyncadd.s32 $0xFFFFE000;
	(pc) =	sbr.rel @p0 .LBB2_2-.Ltmp0, $4  }
0x63: {  	[tilespmem:s17], [sflag:$0x1] =	stream.indirect.gather [spmem:s2], $0x40, s0, s16, $0xb8;
	[tilespmem:$0x1CC00] =	vst v63  }
0x64: {  	_ =	swait.ge [sflag:s22], $0x2000  }
0x65: {  	[sflag:s22] =	ssyncset.done $0x0  }
0x66: {  	s1 =	sadd.s32 $0x280, s1;
	[sflag:s22] =	ssyncadd.s32 $0xFFFFE000  }
0x67: {  	[tilespmem:s18], [sflag:$0x2] =	stream.indirect.gather [spmem:s2], $0x40, s1, s16, $0xb8;
	[tilespmem:$0x1CC00] =	vst v63  }
0x68: {  	_ =	swait.ge [sflag:s19], $0x2000  }
0x69: {  	[sflag:s19] =	ssyncset.done $0x0  }
0x6a: {  	[sflag:s19] =	ssyncadd.s32 $0xFFFFE000  }
0x6b: {  	[spmem:s3] =	stream.indirect.scatter.add.f32 [tilespmem:s17], [sflag:$0x3], $0x40, s23, s16, $0xb8;
	[tilespmem:$0x1CC00] =	vst v63  }
0x6c: {  	_ =	swait.ge [sflag:s20], $0x2000  }
0x6d: {  	[sflag:s20] =	ssyncset.done $0x0  }
0x6e: {  	[sflag:s20] =	ssyncadd.s32 $0xFFFFE000  }
0x6f: {  	[spmem:s3] =	stream.indirect.scatter.add.f32 [tilespmem:s18], [sflag:$0x4], $0x40, s24, s16, $0xb8;
	[tilespmem:$0x1CC00] =	vst v63  }
0x70: {  	_ =	swait.ge [sflag:s21], $0x2000  }
0x71: {  	[sflag:s21] =	ssyncset.done $0x0  }
0x72: {  	[sflag:s21] =	ssyncadd.s32 $0xFFFFE000  }
0x73: {  	[tilespmem:s17], [sflag:$0x1] =	stream.indirect.gather [spmem:s2], $0x40, s25, s16, $0xb8;
	[tilespmem:$0x1CC00] =	vst v63  }
0x74: {  	_ =	swait.ge [sflag:s22], $0x2000  }
0x75: {  	[sflag:s22] =	ssyncset.done $0x0  }
0x76: {  	[sflag:s22] =	ssyncadd.s32 $0xFFFFE000  }
0x77: {  	[tilespmem:s18], [sflag:$0x2] =	stream.indirect.gather [spmem:s2], $0x40, s26, s16, $0xb8;
	[tilespmem:$0x1CC00] =	vst v63  }
0x78: {  	_ =	swait.ge [sflag:s19], $0x2000  }
0x79: {  	[sflag:s19] =	ssyncset.done $0x0  }
0x7a: {  	[sflag:s19] =	ssyncadd.s32 $0xFFFFE000  }
0x7b: {  	[spmem:s3] =	stream.indirect.scatter.add.f32 [tilespmem:s17], [sflag:$0x3], $0x40, s28, s16, $0xb8;
	[tilespmem:$0x1CC00] =	vst v63  }
0x7c: {  	_ =	swait.ge [sflag:s20], $0x2000  }
0x7d: {  	[sflag:s20] =	ssyncset.done $0x0  }
0x7e: {  	[sflag:s20] =	ssyncadd.s32 $0xFFFFE000  }
0x7f: {  	[spmem:s3] =	stream.indirect.scatter.add.f32 [tilespmem:s18], [sflag:$0x4], $0x40, s29, s16, $0xb8;
	[tilespmem:$0x1CC00] =	vst v63  }
0x80: {  	_ =	swait.ge [sflag:s21], $0x2000  }
0x81: {  	[sflag:s21] =	ssyncset.done $0x0  }
0x82: {  	[sflag:s21] =	ssyncadd.s32 $0xFFFFE000  }
0x83: {  	_ =	swait.ge [sflag:s22], $0x2000  }
0x84: {  	s30 =	sadd.s32 $0x1, s30;
	[sflag:s22] =	ssyncset.done $0x0  }
0x85: {  	p0 =	sne.s32 s30, s10;
	[sflag:s22] =	ssyncadd.s32 $0xFFFFE000  }
.Ltmp1:
0x86: {  	[bflag:$0x0] =	sbarrier.arrive $0xFFFF;
	(pc) =	sbr.rel @p0 .LBB2_1-.Ltmp1, $4  }
0x87: {  	[hbm:s9], [sflag:s13] =	dma.local [spmem:s15], $0x13C0  }
0x88: {  	_ =	swait.ge [sflag:s11], $0x13C0  }
0x89: {  	[sflag:s11] =	ssyncset.done $0x0  }
0x8a: {  	[sflag:s11] =	ssyncadd.s32 $0xFFFFEC40  }
0x8b: {  	_ =	sfence.sel $0x180000  }
0x8c: {  	[bflag:$0x0] =	sbarrier.arrive $0xFFFF  }
0x8d: {  	_ =	strace $0x9000004D  }
0x8e: {  	s0 =	stileid.u32;
	[bflag:$0x2] =	sbarrier.arrive $0xFFFF  }
0x8f: {  	p0 =	sne.s32 s0, $0x0;
	s0 =	rddreg [dreg:$0x3]  }
0x90: {  	s0 =	sadd.s32 @!p0 $0x100000, s0  }
0x91: {  	[sflag:s0] =	ssyncadd.tile.s32 @!p0 $0x1;
	_ =	shalt  }
.Lfunc_end2:
_tile_overlayer_lowered:
.L_overlay_start_2:
0x92: {  	(tag) =	ssettag $0x2  }
0x93: {  	s0 =	rddreg [dreg:$0x0];
	s2 =	stileid.u32  }
0x94: {  	s1 =	rddreg [dreg:$0x1];
	p0 =	sne.s32 s2, $0x0  }
0x95: {  	s3 =	rddreg [dreg:$0x2];
	[bflag:$0x3] =	sbarrier.arrive $0xFFFF;
	s2 =	simm.s32 @!p0 $0x1C05  }
0x96: {  	[timem:s3], [sflag:s2] =	dma.local @!p0 [hbm:s0], s1  }
0x97: {  	s0 =	simm.s32 @!p0 $0x5  }
0x98: {  	_ =	swait.ge @!p0 [sflag:s0], s1  }
0x99: {  	s1 =	ssub.s32 @!p0 $0x0, s1;
	[sflag:s0] =	ssyncset.done @!p0 $0x0  }
0x9a: {  	[sflag:s0] =	ssyncadd.s32 @!p0 s1  }
0x9b: {  	[bflag:$0x3] =	sbarrier.arrive $0xFFFF  }
0x9c: {  	_ =	shalt  }

// kernel: kernel.19.cloned.1.call-start
scs
__scs_entry_jumppad:
0x0: {  	(pc) =	sbr.rel $0x88, $3  }
0x1: {  	(tag) =	ssettag $0x0;
	lr =	simm.s32 $0x1  }
0x2: {  	[smem:$0x3F8E] =	sst lr;
	_ =	strace $0xD0000000  }
0x3: {  	_ = 	snop  }
0x4: {  	_ = 	snop  }
0x5: {  	_ = 	snop  }
0x6: {  	_ = 	snop  }
0x7: {  	_ = 	snop  }
__scs_overlays_trampoline_lowered:
0x8: {  	[smem:$0x3F9D] =	sst s0  }
0x9: {  	[smem:$0x3F9E] =	sst s1  }
0xa: {  	[smem:$0x3F9F] =	sst s2  }
0xb: {  	[smem:$0x3FA0] =	sst s3  }
0xc: {  	[smem:$0x3FA1] =	sst s4  }
0xd: {  	[smem:$0x3FA2] =	sst s5  }
0xe: {  	[smem:$0x3FA3] =	sst s6  }
0xf: {  	[smem:$0x3FA4] =	sst s7  }
0x10: {  	[smem:$0x3FA5] =	sst s8  }
0x11: {  	[smem:$0x3FA6] =	sst s9;
	s0 =	simm.s32 @!p0 $0x0  }
0x12: {  	s1 =	sld [smem:$0x3F8C];
	s0 =	simm.s32 @p0 $0x1  }
0x13: {  	[smem:$0x3FA7] =	sst s0;
	s0 =	simm.s32 @!p1 $0x0  }
0x14: {  	s2 =	sld [smem:$0x3F8B];
	s0 =	simm.s32 @p1 $0x1  }
0x15: {  	[smem:$0x3FA8] =	sst s0;
	s0 =	simm.s32 @!p2 $0x0  }
0x16: {  	s3 =	sld [smem:$0x3FDB];
	s0 =	simm.s32 @p2 $0x1  }
0x17: {  	s4 =	simm.s32 $0x1BF5;
	[smem:$0x3FAA] =	sst s0  }
0x18: {  	s0 =	sld [smem:$0x3F8D];
	_ =	swait.ge [sflag:s4], $0x0  }
0x19: {  	s7 =	sld [smem:$0x3F8E]  }
0x1a: {  	s8 =	sadd.s32 $0xFFFFE003, lr  }
0x1b: {  	s9 =	sadd.s32 $0xFFFFFEF7, lr;
	s5 =	simm.s32 $0xFFFFFFFF;
	p2 =	slt.u32 s8, $0xFFFFF086  }
0x1c: {  	p1 =	slt.u32 s9, $0xF7A;
	s5 =	simm.s32 @!p2 $0x0  }
0x1d: {  	s5 =	simm.s32 @p1 $0x1;
	p0 =	seq.s32 s7, s2  }
0x1e: {  	s7 =	smul.u32 @!p0 $0xF7A, s2;
	p2 =	seq.s32 @!p0 s5, $0x0  }
0x1f: {  	s9 =	smul.u32 $0xF7A, s1;
	s8 =	simm.s32 @!p0 $0x1BF5;
	p2 =	por !p2, p0  }
0x20: {  	[sflag:s8] =	ssyncset.s32 @!p0 $0xFFFFF086;
	s6 =	sadd.s32 @!p0 s3, s7;
	s7 =	simm.s32 @!p0 $0x108  }
0x21: {  	s3 =	sadd.s32 s3, s9;
	s6 =	sadd.s32 @!p0 $0x88, s6;
	s7 =	simm.s32 @p2 $0x1082  }
0x22: {  	[simem:s7], [sflag:s8] =	dma.local @!p0 [hbm:s6], $0xF7A  }
0x23: {  	s9 =	sor.u32 $0xD0000000, s2;
	s6 =	simm.s32 $0x108;
	_ =	swait.ge @!p0 [sflag:s8], $0x0  }
0x24: {  	s3 =	sadd.s32 $0x88, s3;
	s6 =	simm.s32 @!p1 $0x1082;
	[sflag:s4] =	ssyncset.s32 $0xFFFFF086  }
0x25: {  	[simem:s6], [sflag:s4] =	dma.local [hbm:s3], $0xF7A  }
0x26: {  	[smem:$0x3F8E] =	sst s1;
	(tag) =	ssettag s2;
	_ =	strace s9  }
0x27: {  	s1 =	sld [smem:$0x3F9E]  }
0x28: {  	s2 =	sld [smem:$0x3F9F]  }
0x29: {  	s4 =	sld [smem:$0x3FA1]  }
0x2a: {  	p0 =	seq.s32 s5, $0x0;
	s5 =	sld [smem:$0x3FA2]  }
0x2b: {  	s6 =	sld [smem:$0x3FA3]  }
0x2c: {  	s7 =	sld [smem:$0x3FA4]  }
0x2d: {  	s3 =	simm.s32 $0x108;
	s8 =	sld [smem:$0x3FA5]  }
0x2e: {  	s3 =	simm.s32 @!p0 $0x1082;
	s9 =	sld [smem:$0x3FA6]  }
0x2f: {  	lr =	sadd.s32 s0, s3;
	s0 =	sld [smem:$0x3F9D]  }
0x30: {  	s3 =	sld [smem:$0x3FA0]  }
0x31: {  	[smem:$0x3FA9] =	sst s10  }
0x32: {  	s10 =	sld [smem:$0x3FA7];
	_ =	sdelay $0x3  }
0x33: {  	p0 =	seq.s32 s10, $0x1;
	s10 =	sld [smem:$0x3FA9];
	_ =	sdelay $0x3  }
0x34: {  	[smem:$0x3FA9] =	sst s10  }
0x35: {  	s10 =	sld [smem:$0x3FA8];
	_ =	sdelay $0x3  }
0x36: {  	p1 =	seq.s32 s10, $0x1;
	s10 =	sld [smem:$0x3FA9];
	_ =	sdelay $0x3  }
0x37: {  	[smem:$0x3FA9] =	sst s10  }
0x38: {  	s10 =	sld [smem:$0x3FAA]  }
0x39: {  	_ = 	snop;
	(pc) =	sbr.ind lr, $3  }
0x3a: {  	_ = 	snop  }
0x3b: {  	_ = 	snop  }
0x3c: {  	p2 =	seq.s32 s10, $0x1;
	s10 =	sld [smem:$0x3FA9]  }
0x3d: {  	_ =	shalt  }
0x3e: {  	_ =	shalt  }
0x3f: {  	_ =	shalt  }
0x40: {  	_ =	shalt  }
0x41: {  	_ =	shalt  }
0x42: {  	_ =	shalt  }
0x43: {  	_ =	shalt  }
0x44: {  	_ =	shalt  }
0x45: {  	_ =	shalt  }
0x46: {  	_ =	shalt  }
0x47: {  	_ =	shalt  }
0x48: {  	_ =	shalt  }
0x49: {  	_ =	shalt  }
0x4a: {  	_ =	shalt  }
0x4b: {  	_ =	shalt  }
0x4c: {  	_ =	shalt  }
0x4d: {  	_ =	shalt  }
0x4e: {  	_ =	shalt  }
0x4f: {  	_ =	shalt  }
0x50: {  	_ =	shalt  }
0x51: {  	_ =	shalt  }
0x52: {  	_ =	shalt  }
0x53: {  	_ =	shalt  }
0x54: {  	_ =	shalt  }
0x55: {  	_ =	shalt  }
0x56: {  	_ =	shalt  }
0x57: {  	_ =	shalt  }
0x58: {  	_ =	shalt  }
0x59: {  	_ =	shalt  }
0x5a: {  	_ =	shalt  }
0x5b: {  	_ =	shalt  }
0x5c: {  	_ =	shalt  }
0x5d: {  	_ =	shalt  }
0x5e: {  	_ =	shalt  }
0x5f: {  	_ =	shalt  }
0x60: {  	_ =	shalt  }
0x61: {  	_ =	shalt  }
0x62: {  	_ =	shalt  }
0x63: {  	_ =	shalt  }
0x64: {  	_ =	shalt  }
0x65: {  	_ =	shalt  }
0x66: {  	_ =	shalt  }
0x67: {  	_ =	shalt  }
0x68: {  	_ =	shalt  }
0x69: {  	_ =	shalt  }
0x6a: {  	_ =	shalt  }
0x6b: {  	_ =	shalt  }
0x6c: {  	_ =	shalt  }
0x6d: {  	_ =	shalt  }
0x6e: {  	_ =	shalt  }
0x6f: {  	_ =	shalt  }
0x70: {  	_ =	shalt  }
0x71: {  	_ =	shalt  }
0x72: {  	_ =	shalt  }
0x73: {  	_ =	shalt  }
0x74: {  	_ =	shalt  }
0x75: {  	_ =	shalt  }
0x76: {  	_ =	shalt  }
0x77: {  	_ =	shalt  }
0x78: {  	_ =	shalt  }
0x79: {  	_ =	shalt  }
0x7a: {  	_ =	shalt  }
0x7b: {  	_ =	shalt  }
0x7c: {  	_ =	shalt  }
0x7d: {  	_ =	shalt  }
0x7e: {  	_ =	shalt  }
0x7f: {  	_ =	shalt  }
0x80: {  	_ =	shalt  }
0x81: {  	_ =	shalt  }
0x82: {  	_ =	shalt  }
0x83: {  	_ =	shalt  }
0x84: {  	_ =	shalt  }
0x85: {  	_ =	shalt  }
0x86: {  	_ =	shalt  }
0x87: {  	_ =	shalt  }
.Lfunc_end0:
.L_simem_size_0:
called_computation.3_lowered:
.L_overlay_start_0:
0x88: {  	s2 =	sld [smem:$0x3FD9]  }
0x89: {  	s3 =	sld [smem:$0x3FFE];
	_ =	sdelay $0x1  }
0x8a: {  	s1 =	srdreg.scid  }
0x8b: {  	s0 =	sand.u32 $0x1, s1  }
0x8c: {  	s16 =	sshll.u32 s0, $0xA;
	s2 =	sadd.s32 s3, s2  }
0x8d: {  	s2 =	sadd.s32 s2, s16  }
0x8e: {  	[smem:$0x3FB5] =	sst s2  }
0x8f: {  	_ = 	snop  }
0x90: {  	(tm) =	ssettm $0x1  }
0x91: {  	s17 =	sld [smem:$0x3FFB];
	_ =	sdelay $0x3  }
0x92: {  	_ =	strace s17  }
0x93: {  	s2 =	sld [smem:$0x3FFC];
	_ =	sdelay $0x3  }
0x94: {  	_ =	strace s2  }
0x95: {  	s2 =	sld [smem:$0x3FFD];
	_ =	sdelay $0x3  }
0x96: {  	_ =	strace s2  }
0x97: {  	_ =	strace $0x8FFFFFFF  }
0x98: {  	s18 =	sld [smem:$0x3FDB];
	_ =	sdelay $0x1  }
0x99: {  	s19 =	simm.s32 $_scs_section_size  }
0x9a: {  	s4 =	simm.s32 $_size__tile_overlayer_lowered;
	s5 =	simm.s32 $_tile_overlayer_lowered  }
0x9b: {  	s22 =	simm.s32 $0x1BFF;
	s21 =	sshll.u32 s5, $0x1;
	s2 =	sadd.s32 s19, s18  }
0x9c: {  	s6 =	simm.s32 $0x0;
	s20 =	sshll.u32 s4, $0x1;
	s4 =	sadd.s32 s21, s2  }
0x9d: {  	[timem:s6], [sflag:s22] =	dma.local [hbm:s4], s20  }
0x9e: {  	_ =	swait.ge [sflag:s22], s20  }
0x9f: {  	s3 =	ssub.s32 $0x0, s20;
	[sflag:s22] =	ssyncset.done $0x0  }
0xa0: {  	[sflag:s22] =	ssyncadd.s32 s3;
	_ =	sdelay $0x1  }
0xa1: {  	s23 =	simm.s32 $0x1B8B  }
0xa2: {  	_ =	swait.ge [sflag:s23], $0x1  }
0xa3: {  	[sflag:s23] =	ssyncset.done $0x0  }
0xa4: {  	s25 =	simm.s32 $0x1B8E;
	s24 =	sld [smem:$0x3FFE];
	[sflag:s23] =	ssyncadd.s32 $0xFFFFFFFF  }
0xa5: {  	s26 =	simm.s32 $execute0_lowered;
	[smem:$0x3FD2] =	sst s25  }
0xa6: {  	s4 =	sshll.u32 s26, $0x1;
	_ =	strace $0x8000004F;
	[dreg:$0x1] =	wrdreg $0xFFFFFFFF  }
0xa7: {  	s28 =	simm.s32 $_size_execute0_lowered;
	s2 =	sadd.s32 s2, s4;
	[dreg:$0x0] =	wrdreg $0x0  }
0xa8: {  	s4 =	sshll.u32 s28, $0x1;
	[dreg:$0x2] =	wrdreg s2  }
0xa9: {  	[dreg:$0x3] =	wrdreg s4  }
0xaa: {  	[dreg:$0x4] =	wrdreg $0xC0  }
0xab: {  	_ =	task [dreg:s6], $0x5FFFF  }
0xac: {  	[dreg:$0x1] =	wrdreg $0xFFFFFFFF  }
0xad: {  	[dreg:$0x0] =	wrdreg $0x60  }
0xae: {  	[dreg:$0x2] =	wrdreg s24  }
0xaf: {  	[dreg:$0x3] =	wrdreg $0x90000  }
0xb0: {  	[dreg:$0x4] =	wrdreg $0x12E000  }
0xb1: {  	[dreg:$0x5] =	wrdreg $0x9  }
0xb2: {  	_ =	task.clear_ibuf [dreg:s6], $0x6FFFF;
	_ =	strace $0x9000004F  }
0xb3: {  	s29 =	simm.s32 $0x9;
	_ =	strace $0x80000051  }
0xb4: {  	_ =	swait.ge [sflag:s29], $0x1  }
0xb5: {  	[sflag:s29] =	ssyncadd.s32 $0xFFFFFFFF  }
0xb6: {  	_ =	strace $0x90000051  }
0xb7: {  	_ =	sfence  }
0xb8: {  	s30 =	sld [smem:$0x0];
	_ =	sdelay $0x2  }
0xb9: {  	s31 =	sshll.u32 s1, $0xD;
	s1 =	sshrl.u32 s1, $0x2  }
0xba: {  	s3 =	sand.u32 $0x4000, s31;
	s1 =	sadd.s32 s1, s30  }
0xbb: {  	s0 =	sor.u32 s3, s0;
	s1 =	sshll.u32 s1, $0x11  }
0xbc: {  	s0 =	sor.u32 s1, s0  }
0xbd: {  	s0 =	sadd.s32 $0x8F2B, s0  }
0xbe: {  	[sflag:s0] =	ssyncadd.remote.s32 $0x1  }
0xbf: {  	_ =	sfence.sel $0xFFFF  }
0xc0: {  	[dreg:$0x0] =	wrdreg $0xFFFFFFFF;
	(pc) =	sbr.abs _section_cstart, $3  }
0xc1: {  	[dreg:$0x1] =	wrdreg $0xFFFFFFFF  }
0xc2: {  	_ =	task.clear_ibuf [dreg:s6], $0x2FFFF;
	_ =	strace $0x9FFFFFFF  }
0xc3: {  	(tm) =	ssettm $0x7FFFFFFF  }
tec
execute0_lowered:
.L_overlay_start_1:
0x0: {  	(tag) =	ssettag $0x1  }
0x1: {  	s1 =	srdreg.scid  }
0x2: {  	s0 =	stileid.u32;
	s5 =	rddreg [dreg:$0x0]  }
0x3: {  	s2 =	rddreg [dreg:$0x1];
	s12 =	simm.s32 $0x2800;
	s16 =	simm.s32 $0x80  }
0x4: {  	s17 =	simm.s32 $0x5000;
	s18 =	simm.s32 $0x7000;
	s19 =	simm.s32 $0x1  }
0x5: {  	s20 =	simm.s32 $0x2;
	s21 =	simm.s32 $0x3;
	s22 =	simm.s32 $0x4  }
0x6: {  	s23 =	simm.s32 $0x4E00;
	s24 =	simm.s32 $0x4E80;
	s25 =	simm.s32 $0x2700  }
0x7: {  	s26 =	simm.s32 $0x2780;
	s28 =	simm.s32 $0x4F00;
	s29 =	simm.s32 $0x4F80  }
0x8: {  	s30 =	simm.s32 $0x0;
	s1 =	sand.u32 $0x1, s1;
	s3 =	sshll.u32 s0, $0x1  }
0x9: {  	s8 =	smul.u32 $0x9E00, s0;
	s31 =	sshll.u32 s0, $0x6;
	s4 =	sor.u32 s1, s3  }
0xa: {  	s3 =	rddreg [dreg:$0x2];
	s7 =	smul.u32 $0x9E000, s1;
	s1 =	ssub.s32 $0x2, s1  }
0xb: {  	s13 =	sor.u32 $0x1C05, s31;
	s6 =	smul.u32 $0x500, s4;
	s4 =	simm.s32 $0x0  }
0xc: {  	s9 =	sshrl.u32 s8, $0x3;
	s10 =	sshrl.u32 s1, $0x1;
	s14 =	sadd.s32 s8, s2  }
0xd: {  	s15 =	sadd.s32 s8, s3;
	[smem:$0x7FF] =	sst s4;
	s7 =	sadd.s32 s8, s7  }
0xe: {  	s9 =	sadd.s32 s9, s5;
	s1 =	ssub.s32 s1, s10;
	s14 =	sshrl.u32 s14, $0x3  }
0xf: {  	s15 =	sshrl.u32 s15, $0x3;
	_ =	strace $0x80000050;
	s6 =	sadd.s32 s6, s5  }
0x10: {  	s7 =	sshrl.u32 s7, $0x3;
	s8 =	sadd.s32 $0x35200, s9;
	s10 =	smax.u32 s1, $0x1  }
0x11: {  	s11 =	sadd.s32 s7, s5;
	s5 =	sadd.s32 $0x17600, s6;
	s6 =	sadd.s32 $0x3200, s6  }
0x12: {  	s7 =	sadd.s32 $0x21600, s9;
	s9 =	sadd.s32 $0x48E00, s11;
	s11 =	simm.s32 $0x5  }
.LBB2_1:
0x13: {  	[tilespmem:s4], [sflag:$0x5] =	stream.linear.gather [hbm4b:s5+s4], $0x2800, $0x38;
	[tilespmem:$0x1CC00] =	vst v63  }
0x14: {  	_ =	swait.ge [sflag:s11], $0x2800  }
0x15: {  	[sflag:s11] =	ssyncset.done $0x0  }
0x16: {  	[sflag:s11] =	ssyncadd.s32 $0xFFFFD800  }
0x17: {  	[tilespmem:s12], [sflag:$0x5] =	stream.linear.gather [hbm4b:s6+s4], $0x2800, $0x38;
	[tilespmem:$0x1CC00] =	vst v63  }
0x18: {  	_ =	swait.ge [sflag:s11], $0x2800  }
0x19: {  	[sflag:s11] =	ssyncset.done $0x0  }
0x1a: {  	[sflag:s11] =	ssyncadd.s32 $0xFFFFD800  }
0x1b: {  	[spmem:s14], [sflag:s13] =	dma.local [hbm:s7], $0x13C0  }
0x1c: {  	_ =	swait.ge [sflag:s11], $0x13C0  }
0x1d: {  	[sflag:s11] =	ssyncset.done $0x0  }
0x1e: {  	[sflag:s11] =	ssyncadd.s32 $0xFFFFEC40  }
0x1f: {  	[spmem:s15], [sflag:s13] =	dma.local [hbm:s8], $0x13C0  }
0x20: {  	_ =	swait.ge [sflag:s11], $0x13C0  }
0x21: {  	[sflag:s11] =	ssyncset.done $0x0  }
0x22: {  	[sflag:s11] =	ssyncadd.s32 $0xFFFFEC40  }
0x23: {  	[bflag:$0x0] =	sbarrier.arrive $0xFFFF  }
0x24: {  	[tilespmem:s17], [sflag:$0x1] =	stream.indirect.gather [spmem:s2], $0x40, s4, s16, $0xb8;
	[tilespmem:$0x1CC00] =	vst v63  }
0x25: {  	_ = 	snop  }
0x26: {  	[tilespmem:s18], [sflag:$0x2] =	stream.indirect.gather [spmem:s2], $0x40, s16, s16, $0xb8;
	[tilespmem:$0x1CC00] =	vst v63  }
0x27: {  	_ =	swait.ge [sflag:s19], $0x2000  }
0x28: {  	[sflag:s19] =	ssyncset.done $0x0  }
0x29: {  	s1 =	simm.s32 $0x2800;
	[sflag:s19] =	ssyncadd.s32 $0xFFFFE000  }
0x2a: {  	[spmem:s3] =	stream.indirect.scatter.add.f32 [tilespmem:s17], [sflag:$0x3], $0x40, s1, s16, $0xb8;
	[tilespmem:$0x1CC00] =	vst v63  }
0x2b: {  	_ =	swait.ge [sflag:s20], $0x2000  }
0x2c: {  	[sflag:s20] =	ssyncset.done $0x0  }
0x2d: {  	s0 =	simm.s32 $0x2880;
	[sflag:s20] =	ssyncadd.s32 $0xFFFFE000  }
0x2e: {  	[spmem:s3] =	stream.indirect.scatter.add.f32 [tilespmem:s18], [sflag:$0x4], $0x40, s0, s16, $0xb8;
	[tilespmem:$0x1CC00] =	vst v63  }
0x2f: {  	_ =	swait.ge [sflag:s21], $0x2000  }
0x30: {  	[sflag:s21] =	ssyncset.done $0x0  }
0x31: {  	s0 =	simm.s32 $0x100;
	[sflag:s21] =	ssyncadd.s32 $0xFFFFE000  }
0x32: {  	[tilespmem:s17], [sflag:$0x1] =	stream.indirect.gather [spmem:s2], $0x40, s0, s16, $0xb8;
	[tilespmem:$0x1CC00] =	vst v63  }
0x33: {  	_ =	swait.ge [sflag:s22], $0x2000  }
0x34: {  	[sflag:s22] =	ssyncset.done $0x0  }
0x35: {  	s0 =	simm.s32 $0x180;
	[sflag:s22] =	ssyncadd.s32 $0xFFFFE000  }
0x36: {  	[tilespmem:s18], [sflag:$0x2] =	stream.indirect.gather [spmem:s2], $0x40, s0, s16, $0xb8;
	[tilespmem:$0x1CC00] =	vst v63  }
0x37: {  	_ =	swait.ge [sflag:s19], $0x2000  }
0x38: {  	[sflag:s19] =	ssyncset.done $0x0  }
0x39: {  	s0 =	simm.s32 $0x2900;
	[sflag:s19] =	ssyncadd.s32 $0xFFFFE000  }
0x3a: {  	[spmem:s3] =	stream.indirect.scatter.add.f32 [tilespmem:s17], [sflag:$0x3], $0x40, s0, s16, $0xb8;
	[tilespmem:$0x1CC00] =	vst v63  }
0x3b: {  	_ =	swait.ge [sflag:s20], $0x2000  }
0x3c: {  	[sflag:s20] =	ssyncset.done $0x0  }
0x3d: {  	s0 =	simm.s32 $0x2980;
	[sflag:s20] =	ssyncadd.s32 $0xFFFFE000  }
0x3e: {  	[spmem:s3] =	stream.indirect.scatter.add.f32 [tilespmem:s18], [sflag:$0x4], $0x40, s0, s16, $0xb8;
	[tilespmem:$0x1CC00] =	vst v63  }
0x3f: {  	_ =	swait.ge [sflag:s21], $0x2000  }
0x40: {  	[sflag:s21] =	ssyncset.done $0x0  }
0x41: {  	s0 =	simm.s32 $0x200;
	[sflag:s21] =	ssyncadd.s32 $0xFFFFE000  }
0x42: {  	[tilespmem:s17], [sflag:$0x1] =	stream.indirect.gather [spmem:s2], $0x40, s0, s16, $0xb8;
	[tilespmem:$0x1CC00] =	vst v63  }
0x43: {  	_ =	swait.ge [sflag:s22], $0x2000  }
0x44: {  	[sflag:s22] =	ssyncset.done $0x0  }
0x45: {  	s31 =	simm.s32 $0x800;
	s1 =	simm.s32 $0x280;
	[sflag:s22] =	ssyncadd.s32 $0xFFFFE000  }
.LBB2_2:
0x46: {  	[tilespmem:s18], [sflag:$0x2] =	stream.indirect.gather [spmem:s2], $0x40, s1, s16, $0xb8;
	[tilespmem:$0x1CC00] =	vst v63  }
0x47: {  	s1 =	smov.u32 s31  }
0x48: {  	p0 =	sne.s32 s31, $0x9000;
	s31 =	sadd.s32 $0x800, s31;
	_ =	swait.ge [sflag:s19], $0x2000  }
0x49: {  	s1 =	sshra.s32 s1, $0x2;
	[sflag:s19] =	ssyncset.done $0x0  }
0x4a: {  	s0 =	sadd.s32 $0x2800, s1;
	[sflag:s19] =	ssyncadd.s32 $0xFFFFE000  }
0x4b: {  	[spmem:s3] =	stream.indirect.scatter.add.f32 [tilespmem:s17], [sflag:$0x3], $0x40, s0, s16, $0xb8;
	[tilespmem:$0x1CC00] =	vst v63  }
0x4c: {  	_ =	swait.ge [sflag:s20], $0x2000  }
0x4d: {  	[sflag:s20] =	ssyncset.done $0x0  }
0x4e: {  	s0 =	sadd.s32 $0x2880, s1;
	[sflag:s20] =	ssyncadd.s32 $0xFFFFE000  }
0x4f: {  	[spmem:s3] =	stream.indirect.scatter.add.f32 [tilespmem:s18], [sflag:$0x4], $0x40, s0, s16, $0xb8;
	[tilespmem:$0x1CC00] =	vst v63  }
0x50: {  	_ =	swait.ge [sflag:s21], $0x2000  }
0x51: {  	[sflag:s21] =	ssyncset.done $0x0  }
0x52: {  	s0 =	sadd.s32 $0x100, s1;
	[sflag:s21] =	ssyncadd.s32 $0xFFFFE000  }
0x53: {  	[tilespmem:s17], [sflag:$0x1] =	stream.indirect.gather [spmem:s2], $0x40, s0, s16, $0xb8;
	[tilespmem:$0x1CC00] =	vst v63  }
0x54: {  	_ =	swait.ge [sflag:s22], $0x2000  }
0x55: {  	[sflag:s22] =	ssyncset.done $0x0  }
0x56: {  	s0 =	sadd.s32 $0x180, s1;
	[sflag:s22] =	ssyncadd.s32 $0xFFFFE000  }
0x57: {  	[tilespmem:s18], [sflag:$0x2] =	stream.indirect.gather [spmem:s2], $0x40, s0, s16, $0xb8;
	[tilespmem:$0x1CC00] =	vst v63  }
0x58: {  	_ =	swait.ge [sflag:s19], $0x2000  }
0x59: {  	[sflag:s19] =	ssyncset.done $0x0  }
0x5a: {  	s0 =	sadd.s32 $0x2900, s1;
	[sflag:s19] =	ssyncadd.s32 $0xFFFFE000  }
0x5b: {  	[spmem:s3] =	stream.indirect.scatter.add.f32 [tilespmem:s17], [sflag:$0x3], $0x40, s0, s16, $0xb8;
	[tilespmem:$0x1CC00] =	vst v63  }
0x5c: {  	_ =	swait.ge [sflag:s20], $0x2000  }
0x5d: {  	[sflag:s20] =	ssyncset.done $0x0  }
0x5e: {  	s0 =	sadd.s32 $0x2980, s1;
	[sflag:s20] =	ssyncadd.s32 $0xFFFFE000  }
0x5f: {  	[spmem:s3] =	stream.indirect.scatter.add.f32 [tilespmem:s18], [sflag:$0x4], $0x40, s0, s16, $0xb8;
	[tilespmem:$0x1CC00] =	vst v63  }
0x60: {  	_ =	swait.ge [sflag:s21], $0x2000  }
0x61: {  	[sflag:s21] =	ssyncset.done $0x0  }
.Ltmp0:
0x62: {  	s0 =	sadd.s32 $0x200, s1;
	[sflag:s21] =	ssyncadd.s32 $0xFFFFE000;
	(pc) =	sbr.rel @p0 .LBB2_2-.Ltmp0, $4  }
0x63: {  	[tilespmem:s17], [sflag:$0x1] =	stream.indirect.gather [spmem:s2], $0x40, s0, s16, $0xb8;
	[tilespmem:$0x1CC00] =	vst v63  }
0x64: {  	_ =	swait.ge [sflag:s22], $0x2000  }
0x65: {  	[sflag:s22] =	ssyncset.done $0x0  }
0x66: {  	s1 =	sadd.s32 $0x280, s1;
	[sflag:s22] =	ssyncadd.s32 $0xFFFFE000  }
0x67: {  	[tilespmem:s18], [sflag:$0x2] =	stream.indirect.gather [spmem:s2], $0x40, s1, s16, $0xb8;
	[tilespmem:$0x1CC00] =	vst v63  }
0x68: {  	_ =	swait.ge [sflag:s19], $0x2000  }
0x69: {  	[sflag:s19] =	ssyncset.done $0x0  }
0x6a: {  	[sflag:s19] =	ssyncadd.s32 $0xFFFFE000  }
0x6b: {  	[spmem:s3] =	stream.indirect.scatter.add.f32 [tilespmem:s17], [sflag:$0x3], $0x40, s23, s16, $0xb8;
	[tilespmem:$0x1CC00] =	vst v63  }
0x6c: {  	_ =	swait.ge [sflag:s20], $0x2000  }
0x6d: {  	[sflag:s20] =	ssyncset.done $0x0  }
0x6e: {  	[sflag:s20] =	ssyncadd.s32 $0xFFFFE000  }
0x6f: {  	[spmem:s3] =	stream.indirect.scatter.add.f32 [tilespmem:s18], [sflag:$0x4], $0x40, s24, s16, $0xb8;
	[tilespmem:$0x1CC00] =	vst v63  }
0x70: {  	_ =	swait.ge [sflag:s21], $0x2000  }
0x71: {  	[sflag:s21] =	ssyncset.done $0x0  }
0x72: {  	[sflag:s21] =	ssyncadd.s32 $0xFFFFE000  }
0x73: {  	[tilespmem:s17], [sflag:$0x1] =	stream.indirect.gather [spmem:s2], $0x40, s25, s16, $0xb8;
	[tilespmem:$0x1CC00] =	vst v63  }
0x74: {  	_ =	swait.ge [sflag:s22], $0x2000  }
0x75: {  	[sflag:s22] =	ssyncset.done $0x0  }
0x76: {  	[sflag:s22] =	ssyncadd.s32 $0xFFFFE000  }
0x77: {  	[tilespmem:s18], [sflag:$0x2] =	stream.indirect.gather [spmem:s2], $0x40, s26, s16, $0xb8;
	[tilespmem:$0x1CC00] =	vst v63  }
0x78: {  	_ =	swait.ge [sflag:s19], $0x2000  }
0x79: {  	[sflag:s19] =	ssyncset.done $0x0  }
0x7a: {  	[sflag:s19] =	ssyncadd.s32 $0xFFFFE000  }
0x7b: {  	[spmem:s3] =	stream.indirect.scatter.add.f32 [tilespmem:s17], [sflag:$0x3], $0x40, s28, s16, $0xb8;
	[tilespmem:$0x1CC00] =	vst v63  }
0x7c: {  	_ =	swait.ge [sflag:s20], $0x2000  }
0x7d: {  	[sflag:s20] =	ssyncset.done $0x0  }
0x7e: {  	[sflag:s20] =	ssyncadd.s32 $0xFFFFE000  }
0x7f: {  	[spmem:s3] =	stream.indirect.scatter.add.f32 [tilespmem:s18], [sflag:$0x4], $0x40, s29, s16, $0xb8;
	[tilespmem:$0x1CC00] =	vst v63  }
0x80: {  	_ =	swait.ge [sflag:s21], $0x2000  }
0x81: {  	[sflag:s21] =	ssyncset.done $0x0  }
0x82: {  	[sflag:s21] =	ssyncadd.s32 $0xFFFFE000  }
0x83: {  	_ =	swait.ge [sflag:s22], $0x2000  }
0x84: {  	s30 =	sadd.s32 $0x1, s30;
	[sflag:s22] =	ssyncset.done $0x0  }
0x85: {  	p0 =	sne.s32 s30, s10;
	[sflag:s22] =	ssyncadd.s32 $0xFFFFE000  }
.Ltmp1:
0x86: {  	[bflag:$0x0] =	sbarrier.arrive $0xFFFF;
	(pc) =	sbr.rel @p0 .LBB2_1-.Ltmp1, $4  }
0x87: {  	[hbm:s9], [sflag:s13] =	dma.local [spmem:s15], $0x13C0  }
0x88: {  	_ =	swait.ge [sflag:s11], $0x13C0  }
0x89: {  	[sflag:s11] =	ssyncset.done $0x0  }
0x8a: {  	[sflag:s11] =	ssyncadd.s32 $0xFFFFEC40  }
0x8b: {  	_ =	sfence.sel $0x180000  }
0x8c: {  	[bflag:$0x0] =	sbarrier.arrive $0xFFFF  }
0x8d: {  	_ =	strace $0x90000050  }
0x8e: {  	s0 =	stileid.u32;
	[bflag:$0x2] =	sbarrier.arrive $0xFFFF  }
0x8f: {  	p0 =	sne.s32 s0, $0x0;
	s0 =	rddreg [dreg:$0x3]  }
0x90: {  	s0 =	sadd.s32 @!p0 $0x100000, s0  }
0x91: {  	[sflag:s0] =	ssyncadd.tile.s32 @!p0 $0x1;
	_ =	shalt  }
.Lfunc_end2:
_tile_overlayer_lowered:
.L_overlay_start_2:
0x92: {  	(tag) =	ssettag $0x2  }
0x93: {  	s0 =	rddreg [dreg:$0x0];
	s2 =	stileid.u32  }
0x94: {  	s1 =	rddreg [dreg:$0x1];
	p0 =	sne.s32 s2, $0x0  }
0x95: {  	s3 =	rddreg [dreg:$0x2];
	[bflag:$0x3] =	sbarrier.arrive $0xFFFF;
	s2 =	simm.s32 @!p0 $0x1C05  }
0x96: {  	[timem:s3], [sflag:s2] =	dma.local @!p0 [hbm:s0], s1  }
0x97: {  	s0 =	simm.s32 @!p0 $0x5  }
0x98: {  	_ =	swait.ge @!p0 [sflag:s0], s1  }
0x99: {  	s1 =	ssub.s32 @!p0 $0x0, s1;
	[sflag:s0] =	ssyncset.done @!p0 $0x0  }
0x9a: {  	[sflag:s0] =	ssyncadd.s32 @!p0 s1  }
0x9b: {  	[bflag:$0x3] =	sbarrier.arrive $0xFFFF  }
0x9c: {  	_ =	shalt  }

</sc_bundles>
